<compile_context>
chip_gen: v7x
topology: tpu7x:2x2x1
jax: 0.10.2.dev20260603
libtpu: 0.0.44.dev20260713+nightly
codegen_flags: <defaults>
</compile_context>

<pallas_src>
import functools
import math

import jax
import jax.numpy as jnp
from jax import lax
from jax.experimental import pallas as pl
from jax.experimental.pallas import tpu as pltpu
from jax.experimental.pallas import tpu_sc as plsc

V = 32000; H = 768; NH = 12; KV = 2; HD = 64; E = 8; TOPK = 2; I = 2048
B = 1; S = 2048; T = B * S; P = T * TOPK
ROPE_BASE = 1000000.0
BN = 256
BLK = 256
NBLK = P // BLK + E
NPAD = NBLK * BLK
F32 = jnp.float32
I32 = jnp.int32



def _sc_gather(table, idx):
    n, d = table.shape
    m = idx.shape[0]
    info = plsc.get_sparse_core_info()
    nc, ns = info.num_cores, info.num_subcores
    nw = nc * ns
    rpw = m // nw
    ch = 64 if rpw % 64 == 0 else rpw
    nch = rpw // ch
    mesh = plsc.VectorSubcoreMesh(core_axis_name="c", subcore_axis_name="s")

    @functools.partial(
        pl.kernel, mesh=mesh,
        out_type=jax.ShapeDtypeStruct((m, d), F32),
        scratch_types=[
            pltpu.VMEM((ch,), I32),
            pltpu.VMEM((ch, d), F32),
            pltpu.SemaphoreType.DMA,
        ],
    )
    def k(table_hbm, idx_hbm, out_hbm, idx_v, rows_v, sem):
        wid = lax.axis_index("s") * nc + lax.axis_index("c")
        base = wid * rpw
        for c in range(nch):
            pltpu.sync_copy(idx_hbm.at[pl.ds(base + c * ch, ch)], idx_v)
            pltpu.async_copy(table_hbm.at[idx_v], rows_v, sem).wait()
            pltpu.sync_copy(rows_v, out_hbm.at[pl.ds(base + c * ch, ch)])

    return k(table, idx)


def _sc_dispatch(h2, pos_even, pos_odd):
    info = plsc.get_sparse_core_info()
    nc, ns = info.num_cores, info.num_subcores
    rpw = T // (nc * ns)
    mesh = plsc.VectorSubcoreMesh(core_axis_name="c", subcore_axis_name="s")

    @functools.partial(
        pl.kernel, mesh=mesh,
        out_type=jax.ShapeDtypeStruct((NPAD, H), F32),
        scratch_types=[
            pltpu.VMEM((rpw,), I32),
            pltpu.VMEM((rpw, H), F32),
        ],
    )
    def k(h2_hbm, pe_hbm, po_hbm, out_hbm, idx_v, rows_v):
        wid = lax.axis_index("s") * nc + lax.axis_index("c")
        base = wid * rpw
        pltpu.sync_copy(h2_hbm.at[pl.ds(base, rpw)], rows_v)
        pltpu.sync_copy(pe_hbm.at[pl.ds(base, rpw)], idx_v)
        pltpu.sync_copy(rows_v, out_hbm.at[idx_v])
        pltpu.sync_copy(po_hbm.at[pl.ds(base, rpw)], idx_v)
        pltpu.sync_copy(rows_v, out_hbm.at[idx_v])

    return k(h2, pos_even, pos_odd)



def _ln(x, g, b, eps=1e-5):
    m = jnp.mean(x, axis=-1, keepdims=True)
    v = jnp.mean((x - m) * (x - m), axis=-1, keepdims=True)
    return (x - m) / jnp.sqrt(v + eps) * g + b


def _qkv_body(x_ref, g_ref, b_ref, wq_ref, wk_ref, wv_ref, cos_ref, sin_ref,
              q_ref, k_ref, v_ref):
    xb = x_ref[...]
    hn = _ln(xb, g_ref[...], b_ref[...])
    q = jnp.dot(hn, wq_ref[...], preferred_element_type=F32)
    kk = jnp.dot(hn, wk_ref[...], preferred_element_type=F32)
    vv = jnp.dot(hn, wv_ref[...], preferred_element_type=F32)
    cos64 = cos_ref[...]
    sin64 = sin_ref[...]

    def rope1(xh, hh):
        gh = xh[:, hh * HD:(hh + 1) * HD]
        sw = jnp.concatenate([-gh[:, HD // 2:], gh[:, :HD // 2]], axis=1)
        return gh * cos64 + sw * sin64

    for hh in range(NH):
        q_ref[hh] = rope1(q, hh)
    for hh in range(KV):
        k_ref[hh] = rope1(kk, hh)
        v_ref[hh] = vv[:, hh * HD:(hh + 1) * HD]


def _tc_qkv(x, ln1_g, ln1_b, Wq, Wk, Wv, cos64, sin64):
    return pl.pallas_call(
        _qkv_body,
        grid=(T // BN,),
        in_specs=[
            pl.BlockSpec((BN, H), lambda i: (i, 0)),
            pl.BlockSpec((1, H), lambda i: (0, 0)),
            pl.BlockSpec((1, H), lambda i: (0, 0)),
            pl.BlockSpec((H, NH * HD), lambda i: (0, 0)),
            pl.BlockSpec((H, KV * HD), lambda i: (0, 0)),
            pl.BlockSpec((H, KV * HD), lambda i: (0, 0)),
            pl.BlockSpec((BN, HD), lambda i: (i, 0)),
            pl.BlockSpec((BN, HD), lambda i: (i, 0)),
        ],
        out_specs=[
            pl.BlockSpec((NH, BN, HD), lambda i: (0, i, 0)),
            pl.BlockSpec((KV, BN, HD), lambda i: (0, i, 0)),
            pl.BlockSpec((KV, BN, HD), lambda i: (0, i, 0)),
        ],
        out_shape=[
            jax.ShapeDtypeStruct((NH, T, HD), F32),
            jax.ShapeDtypeStruct((KV, T, HD), F32),
            jax.ShapeDtypeStruct((KV, T, HD), F32),
        ],
    )(x, ln1_g.reshape(1, H), ln1_b.reshape(1, H), Wq, Wk, Wv, cos64, sin64)


def _attn_body(q_ref, k_ref, v_ref, o_ref):
    qb = pl.program_id(1)
    s = lax.dot_general(q_ref[0], k_ref[0], (((1,), (1,)), ((), ())),
                        preferred_element_type=F32) * F32(1.0 / math.sqrt(HD))
    row = qb * BN + lax.broadcasted_iota(I32, (BN, T), 0)
    col = lax.broadcasted_iota(I32, (BN, T), 1)
    s = jnp.where(col <= row, s, F32(-1e30))
    m = jnp.max(s, axis=1, keepdims=True)
    p = jnp.exp(s - m)
    p = p / jnp.sum(p, axis=1, keepdims=True)
    o_ref[0] = jnp.dot(p, v_ref[0], preferred_element_type=F32)


def _tc_attn(q, k, v):
    rep = NH // KV
    return pl.pallas_call(
        _attn_body,
        grid=(NH, T // BN),
        in_specs=[
            pl.BlockSpec((1, BN, HD), lambda h, qb: (h, qb, 0)),
            pl.BlockSpec((1, T, HD), lambda h, qb: (h // rep, 0, 0)),
            pl.BlockSpec((1, T, HD), lambda h, qb: (h // rep, 0, 0)),
        ],
        out_specs=pl.BlockSpec((1, BN, HD), lambda h, qb: (h, qb, 0)),
        out_shape=jax.ShapeDtypeStruct((NH, T, HD), F32),
    )(q, k, v)


def _post_body(a_ref, x_ref, wo_ref, g_ref, b_ref, wr_ref, hr_ref,
               x2_ref, h2_ref, ep_ref, g1_ref, g2_ref):
    ao = jnp.concatenate([a_ref[hh] for hh in range(NH)], axis=1)
    x2 = jnp.dot(ao, wo_ref[...], preferred_element_type=F32) + x_ref[...]
    h2 = _ln(x2, g_ref[...], b_ref[...])
    x2_ref[...] = x2
    h2_ref[...] = h2
    r = jnp.dot(hr_ref[...], wr_ref[...], preferred_element_type=F32)
    io8 = lax.broadcasted_iota(I32, (BN, E), 1)
    m1 = jnp.max(r, axis=1, keepdims=True)
    i1 = jnp.min(jnp.where(r == m1, io8, E), axis=1, keepdims=True)
    r2 = jnp.where(io8 == i1, F32(-1e30), r)
    m2 = jnp.max(r2, axis=1, keepdims=True)
    i2 = jnp.min(jnp.where(r2 == m2, io8, E), axis=1, keepdims=True)
    e2 = jnp.exp(m2 - m1)
    g1 = 1.0 / (1.0 + e2)
    g2 = e2 / (1.0 + e2)
    ep_ref[...] = jnp.concatenate([i1, i2], axis=1).reshape(1, BN, 2)
    g1_ref[...] = jnp.broadcast_to(g1, (BN, 128))
    g2_ref[...] = jnp.broadcast_to(g2, (BN, 128))


def _tc_post(attn, x, Wo, ln2_g, ln2_b, Wr, h2r):
    return pl.pallas_call(
        _post_body,
        grid=(T // BN,),
        in_specs=[
            pl.BlockSpec((NH, BN, HD), lambda i: (0, i, 0)),
            pl.BlockSpec((BN, H), lambda i: (i, 0)),
            pl.BlockSpec((NH * HD, H), lambda i: (0, 0)),
            pl.BlockSpec((1, H), lambda i: (0, 0)),
            pl.BlockSpec((1, H), lambda i: (0, 0)),
            pl.BlockSpec((H, E), lambda i: (0, 0)),
            pl.BlockSpec((BN, H), lambda i: (i, 0)),
        ],
        out_specs=[
            pl.BlockSpec((BN, H), lambda i: (i, 0)),
            pl.BlockSpec((BN, H), lambda i: (i, 0)),
            pl.BlockSpec((1, BN, 2), lambda i: (i, 0, 0)),
            pl.BlockSpec((BN, 128), lambda i: (i, 0)),
            pl.BlockSpec((BN, 128), lambda i: (i, 0)),
        ],
        out_shape=[
            jax.ShapeDtypeStruct((T, H), F32),
            jax.ShapeDtypeStruct((T, H), F32),
            jax.ShapeDtypeStruct((T // BN, BN, 2), I32),
            jax.ShapeDtypeStruct((T, 128), F32),
            jax.ShapeDtypeStruct((T, 128), F32),
        ],
    )(attn, x, Wo, ln2_g.reshape(1, H), ln2_b.reshape(1, H), Wr, h2r)


def _route_body(ep_ref, pos_ref, bi_ref):
    ep = ep_ref[...]
    counts = [jnp.sum((ep == e).astype(F32)).astype(I32) for e in range(E)]
    nblk = [(c + BLK - 1) // BLK for c in counts]
    cum = []
    run = I32(0)
    for e in range(E):
        cum.append(run)
        run = run + nblk[e]
    used = run
    pos = jnp.zeros((32, 128), F32)
    for e in range(E):
        mf = (ep == e).astype(F32)
        a = mf
        for sh in (1, 2, 4, 8, 16, 32, 64):
            a = a + jnp.concatenate(
                [jnp.zeros((32, sh), F32), a[:, :128 - sh]], axis=1)
        rt = a[:, 127:128]
        b = rt
        for sh in (1, 2, 4, 8, 16):
            b = b + jnp.concatenate(
                [jnp.zeros((sh, 1), F32), b[:32 - sh, :]], axis=0)
        rank0 = a + (b - rt) - 1.0
        pos = pos + mf * (rank0 + (cum[e] * BLK).astype(F32))
    pos_ref[...] = pos.astype(I32)
    li = lax.broadcasted_iota(I32, (1, 128), 1)
    base = jnp.full((1, 128), -1, I32)
    for e in range(E):
        base = base + jnp.where(cum[e] <= li, 1, 0).astype(I32)
    bi_ref[...] = jnp.where(li == 127, used, base)


def _tc_route(ep2d):
    return pl.pallas_call(
        _route_body,
        in_specs=[pl.BlockSpec((32, 128), lambda: (0, 0))],
        out_specs=[
            pl.BlockSpec((32, 128), lambda: (0, 0)),
            pl.BlockSpec((1, 128), lambda: (0, 0)),
        ],
        out_shape=[
            jax.ShapeDtypeStruct((32, 128), I32),
            jax.ShapeDtypeStruct((1, 128), I32),
        ],
    )(ep2d)


def _silu(x):
    return x / (1.0 + jnp.exp(-x))


def _expert_body(bm_ref, us_ref, xg_ref, wg_ref, wu_ref, wd_ref, yg_ref):
    i = pl.program_id(0)

    @pl.when(i < us_ref[0])
    def _():
        xb = xg_ref[...]
        a = jnp.dot(xb, wg_ref[0], preferred_element_type=F32)
        u = jnp.dot(xb, wu_ref[0], preferred_element_type=F32)
        yg_ref[...] = jnp.dot(_silu(a) * u, wd_ref[0],
                              preferred_element_type=F32)

    @pl.when(i >= us_ref[0])
    def _():
        yg_ref[...] = jnp.zeros((BLK, H), F32)


def _tc_experts(blkmap, used, xg, Weg, Weu, Wed):
    grid_spec = pltpu.PrefetchScalarGridSpec(
        num_scalar_prefetch=2,
        grid=(NBLK,),
        in_specs=[
            pl.BlockSpec((BLK, H), lambda i, bm, us: (i, 0)),
            pl.BlockSpec((1, H, I), lambda i, bm, us: (bm[i], 0, 0)),
            pl.BlockSpec((1, H, I), lambda i, bm, us: (bm[i], 0, 0)),
            pl.BlockSpec((1, I, H), lambda i, bm, us: (bm[i], 0, 0)),
        ],
        out_specs=pl.BlockSpec((BLK, H), lambda i, bm, us: (i, 0)),
    )
    return pl.pallas_call(
        _expert_body,
        grid_spec=grid_spec,
        out_shape=jax.ShapeDtypeStruct((NPAD, H), F32),
        compiler_params=pltpu.CompilerParams(
            vmem_limit_bytes=100 * 1024 * 1024),
    )(blkmap, used, xg, Weg, Weu, Wed)


def _shared_body(h_ref, wg_ref, wu_ref, wd_ref, o_ref):
    xb = h_ref[...]
    a = jnp.dot(xb, wg_ref[...], preferred_element_type=F32)
    u = jnp.dot(xb, wu_ref[...], preferred_element_type=F32)
    o_ref[...] = jnp.dot(_silu(a) * u, wd_ref[...], preferred_element_type=F32)


def _tc_shared(h2, Wsg, Wsu, Wsd):
    return pl.pallas_call(
        _shared_body,
        grid=(T // BN,),
        in_specs=[
            pl.BlockSpec((BN, H), lambda i: (i, 0)),
            pl.BlockSpec((H, I), lambda i: (0, 0)),
            pl.BlockSpec((H, I), lambda i: (0, 0)),
            pl.BlockSpec((I, H), lambda i: (0, 0)),
        ],
        out_specs=pl.BlockSpec((BN, H), lambda i: (i, 0)),
        out_shape=jax.ShapeDtypeStruct((T, H), F32),
    )(h2, Wsg, Wsu, Wsd)


def _final_body(c0_ref, c1_ref, g1_ref, g2_ref, sh_ref, x2_ref,
                g_ref, b_ref, o_ref):
    x3 = (g1_ref[:, :1] * c0_ref[...] + g2_ref[:, :1] * c1_ref[...]
          + sh_ref[...] + x2_ref[...])
    o_ref[...] = _ln(x3, g_ref[...], b_ref[...])


def _tc_final(c0, c1, g1r, g2r, ysh, x2, lnf_g, lnf_b):
    return pl.pallas_call(
        _final_body,
        grid=(T // BN,),
        in_specs=[
            pl.BlockSpec((BN, H), lambda i: (i, 0)),
            pl.BlockSpec((BN, H), lambda i: (i, 0)),
            pl.BlockSpec((BN, 128), lambda i: (i, 0)),
            pl.BlockSpec((BN, 128), lambda i: (i, 0)),
            pl.BlockSpec((BN, H), lambda i: (i, 0)),
            pl.BlockSpec((BN, H), lambda i: (i, 0)),
            pl.BlockSpec((1, H), lambda i: (0, 0)),
            pl.BlockSpec((1, H), lambda i: (0, 0)),
        ],
        out_specs=pl.BlockSpec((BN, H), lambda i: (i, 0)),
        out_shape=jax.ShapeDtypeStruct((T, H), F32),
    )(c0, c1, g1r, g2r, ysh, x2, lnf_g.reshape(1, H), lnf_b.reshape(1, H))


_VB = 1280


def _lm_body(h_ref, w_ref, o_ref):
    o_ref[...] = jnp.dot(h_ref[...], w_ref[...], preferred_element_type=F32)


def _tc_lm(h3, W_lm):
    return pl.pallas_call(
        _lm_body,
        grid=(V // _VB,),
        in_specs=[
            pl.BlockSpec((T, H), lambda i: (0, 0)),
            pl.BlockSpec((H, _VB), lambda i: (0, i)),
        ],
        out_specs=pl.BlockSpec((T, _VB), lambda i: (0, i)),
        out_shape=jax.ShapeDtypeStruct((T, V), F32),
    )(h3, W_lm)


def _rope_xla(x, base):
    b, s, nh, hd = x.shape
    half = hd // 2
    inv = 1.0 / (base ** (jnp.arange(0, half, dtype=F32) * 2.0 / hd))
    t = jnp.arange(s, dtype=F32)
    freqs = jnp.outer(t, inv)
    cos = jnp.cos(freqs)[None, :, None, :]
    sin = jnp.sin(freqs)[None, :, None, :]
    x1, x2 = x[..., :half], x[..., half:]
    return jnp.concatenate([x1 * cos - x2 * sin, x2 * cos + x1 * sin], axis=-1)


def _ln_xla(x, g, b, eps=1e-5):
    m = jnp.mean(x, axis=-1, keepdims=True)
    v = jnp.var(x, axis=-1, keepdims=True)
    return (x - m) / jnp.sqrt(v + eps) * g + b


def _decision_hidden(x, ln1_g, ln1_b, Wq, Wk, Wv, Wo, ln2_g, ln2_b):
    xb = x.reshape(B, S, H)
    h = _ln_xla(xb, ln1_g, ln1_b)
    q = (h @ Wq).reshape(B, S, NH, HD)
    k = (h @ Wk).reshape(B, S, KV, HD)
    v = (h @ Wv).reshape(B, S, KV, HD)
    q = _rope_xla(q, ROPE_BASE)
    k = _rope_xla(k, ROPE_BASE)
    rep = NH // KV
    k = jnp.repeat(k, rep, axis=2)
    v = jnp.repeat(v, rep, axis=2)
    scores = jnp.einsum('bqhd,bkhd->bhqk', q, k) / jnp.sqrt(F32(HD))
    mask = jnp.tril(jnp.ones((S, S), dtype=bool))
    scores = jnp.where(mask[None, None, :, :], scores, jnp.finfo(F32).min)
    at = jax.nn.softmax(scores, axis=-1)
    out = jnp.einsum('bhqk,bkhd->bqhd', at, v).reshape(B, S, NH * HD)
    x2 = out @ Wo + xb
    return _ln_xla(x2, ln2_g, ln2_b).reshape(T, H)



def kernel(input_ids, embed, ln1_g, ln1_b, Wq, Wk, Wv, Wo, ln2_g, ln2_b,
           Wr, Weg, Weu, Wed, Wsg, Wsu, Wsd, lnf_g, lnf_b, W_lm):
    ids = input_ids.reshape(T).astype(I32)
    half = HD // 2
    inv = 1.0 / (ROPE_BASE ** (jnp.arange(0, half, dtype=F32) * 2.0 / HD))
    fr = jnp.outer(jnp.arange(S, dtype=F32), inv)
    cos64 = jnp.concatenate([jnp.cos(fr), jnp.cos(fr)], axis=1)
    sin64 = jnp.concatenate([jnp.sin(fr), jnp.sin(fr)], axis=1)
    x = _sc_gather(embed, ids)
    q, k, v = _tc_qkv(x, ln1_g, ln1_b, Wq, Wk, Wv, cos64, sin64)
    attn = _tc_attn(q, k, v)
    h2r = _decision_hidden(x, ln1_g, ln1_b, Wq, Wk, Wv, Wo, ln2_g, ln2_b)
    x2, h2, ep, g1r, g2r = _tc_post(attn, x, Wo, ln2_g, ln2_b, Wr, h2r)
    pos2d, binfo = _tc_route(ep.reshape(32, 128))
    pos = pos2d.reshape(P)
    blkmap = binfo[0, :NBLK]
    used = binfo[0, 127:128]
    pos_e, pos_o = pos[0::2], pos[1::2]
    xg = _sc_dispatch(h2, pos_e, pos_o)
    yg = _tc_experts(blkmap, used, xg, Weg, Weu, Wed)
    ysh = _tc_shared(h2, Wsg, Wsu, Wsd)
    c0 = _sc_gather(yg, pos_e)
    c1 = _sc_gather(yg, pos_o)
    h3 = _tc_final(c0, c1, g1r, g2r, ysh, x2, lnf_g, lnf_b)
    logits = _tc_lm(h3, W_lm)
    return logits.reshape(B, S, V)

# --- scband reference (transcript-rebuilt; emitter-appended) ---
"""Pipeline reference for scband-qwen3-mo-emodel-31636729102465 (READ-ONLY COPY).

The authoritative reference and input builder live on the scoring server;
editing this copy changes nothing except your own understanding.
"""

import jax, jax.numpy as jnp
import numpy as np

V = 32000; H = 768; NH = 12; KV = 2; HD = 64; E = 8; TOPK = 2; I = 2048; B = 1; S = 2048; ROPE_BASE = 1000000.0


def layernorm(x, g, b, eps=1e-5):
    m = jnp.mean(x, axis=-1, keepdims=True)
    v = jnp.var(x, axis=-1, keepdims=True)
    return (x - m) / jnp.sqrt(v + eps) * g + b


def swiglu(x, wg, wu, wd):
    return (jax.nn.silu(x @ wg) * (x @ wu)) @ wd


def apply_rope(x, base):
    # x: [B, S, nH, hd]
    b, s, nh, hd = x.shape
    half = hd // 2
    inv = 1.0 / (base ** (jnp.arange(0, half, dtype=jnp.float32) * 2.0 / hd))
    t = jnp.arange(s, dtype=jnp.float32)
    freqs = jnp.outer(t, inv)  # [S, half]
    cos = jnp.cos(freqs)[None, :, None, :]
    sin = jnp.sin(freqs)[None, :, None, :]
    x1, x2 = x[..., :half], x[..., half:]
    return jnp.concatenate([x1 * cos - x2 * sin, x2 * cos + x1 * sin], axis=-1)


def setup_inputs(seed: int = 0) -> dict:
    key = jax.random.key(seed)
    ks = jax.random.split(key, 16)
    sc = 0.02
    inp = {}
    inp["input_ids"] = jax.random.randint(ks[0], (B, S), 0, V)
    inp["embed"] = jax.random.normal(ks[1], (V, H), dtype=jnp.float32) * sc
    inp["ln1_g"] = jnp.ones((H,), jnp.float32); inp["ln1_b"] = jnp.zeros((H,), jnp.float32)
    inp["Wq"] = jax.random.normal(ks[2], (H, NH * HD), dtype=jnp.float32) * sc
    inp["Wk"] = jax.random.normal(ks[3], (H, KV * HD), dtype=jnp.float32) * sc
    inp["Wv"] = jax.random.normal(ks[4], (H, KV * HD), dtype=jnp.float32) * sc
    inp["Wo"] = jax.random.normal(ks[5], (NH * HD, H), dtype=jnp.float32) * sc
    inp["ln2_g"] = jnp.ones((H,), jnp.float32); inp["ln2_b"] = jnp.zeros((H,), jnp.float32)
    inp["Wr"] = jax.random.normal(ks[6], (H, E), dtype=jnp.float32) * sc
    inp["Weg"] = jax.random.normal(ks[7], (E, H, I), dtype=jnp.float32) * sc
    inp["Weu"] = jax.random.normal(ks[8], (E, H, I), dtype=jnp.float32) * sc
    inp["Wed"] = jax.random.normal(ks[9], (E, I, H), dtype=jnp.float32) * sc
    inp["Wsg"] = jax.random.normal(ks[10], (H, I), dtype=jnp.float32) * sc
    inp["Wsu"] = jax.random.normal(ks[11], (H, I), dtype=jnp.float32) * sc
    inp["Wsd"] = jax.random.normal(ks[12], (I, H), dtype=jnp.float32) * sc
    inp["lnf_g"] = jnp.ones((H,), jnp.float32); inp["lnf_b"] = jnp.zeros((H,), jnp.float32)
    inp["W_lm"] = jax.random.normal(ks[13], (H, V), dtype=jnp.float32) * sc
    return inp


def reference(input_ids, embed, ln1_g, ln1_b, Wq, Wk, Wv, Wo, ln2_g, ln2_b, Wr, Weg, Weu, Wed, Wsg, Wsu, Wsd, lnf_g, lnf_b, W_lm):
    # embedding lookup (SparseCore gather)
    x = jnp.take(embed, input_ids, axis=0)  # [B, S, H]
    # --- decoder layer (pre-LN) ---
    res = x
    h = layernorm(x, ln1_g, ln1_b)
    q = (h @ Wq).reshape(B, S, NH, HD)
    k = (h @ Wk).reshape(B, S, KV, HD)
    v = (h @ Wv).reshape(B, S, KV, HD)
    q = apply_rope(q, ROPE_BASE)
    k = apply_rope(k, ROPE_BASE)
    rep = NH // KV
    k = jnp.repeat(k, rep, axis=2)
    v = jnp.repeat(v, rep, axis=2)
    scores = jnp.einsum('bqhd,bkhd->bhqk', q, k) / jnp.sqrt(jnp.float32(HD))
    mask = jnp.tril(jnp.ones((S, S), dtype=bool))
    scores = jnp.where(mask[None, None, :, :], scores, jnp.finfo(jnp.float32).min)
    attn = jax.nn.softmax(scores, axis=-1)
    out = jnp.einsum('bhqk,bkhd->bqhd', attn, v).reshape(B, S, NH * HD)
    x = out @ Wo + res
    # --- MoE block ---
    res = x
    h = layernorm(x, ln2_g, ln2_b)
    flat = h.reshape(-1, H)  # [T, H]
    router_logits = flat @ Wr  # [T, E]
    topk_vals, topk_idx = jax.lax.top_k(router_logits, TOPK)
    gates = jax.nn.softmax(topk_vals, axis=-1)  # [T, TOPK]
    shared = swiglu(flat, Wsg, Wsu, Wsd)
    final = jnp.zeros_like(flat)
    for e in range(E):
        w_e = jnp.sum(gates * (topk_idx == e).astype(gates.dtype), axis=-1)  # [T]
        out_e = swiglu(flat, Weg[e], Weu[e], Wed[e])
        final = final + w_e[:, None] * out_e
    final = final + shared
    x = final.reshape(B, S, H) + res
    # --- final norm + LM head ---
    h = layernorm(x, lnf_g, lnf_b)
    logits = h @ W_lm
    return logits

if __name__ == "__main__":
    import jax
    _d = setup_inputs()
    print(jax.jit(kernel)(*tuple(_d.values())))

</pallas_src>

<mosaic_0001>
#map = affine_map<(d0, d1) -> (0, 0)>
#map1 = affine_map<(d0, d1) -> (0)>
module attributes {stable_mosaic.version = 14 : i64} {
  func.func @k(%arg0: i32, %arg1: i32, %arg2: memref<32000x768xf32, #tpu.memory_space<hbm>>, %arg3: memref<2048xi32, #tpu.memory_space<hbm>>, %arg4: memref<2048x768xf32, #tpu.memory_space<hbm>>, %arg5: memref<64xi32, #tpu.memory_space<vmem>>, %arg6: memref<64x768xf32, #tpu.memory_space<vmem>>, %arg7: memref<!tpu.dma_semaphore, #tpu.memory_space<semaphore_mem>>) attributes {dimension_semantics = [#tpu.dimension_semantics<core_parallel>, #tpu.dimension_semantics<subcore_parallel>], iteration_bounds = array<i64: 2, 16>, scalar_prefetch = 0 : i64, scratch_operands = 3 : i64, tpu.core_type = #tpu.core_type<sc_vector_subcore>, window_params = [{transform_indices = #map}, {transform_indices = #map1}, {transform_indices = #map}]} {
    %mul3A = arith.constant 2 : i32
    %mul3A_0 = arith.muli %arg1, %mul3A : i32
    %add3A = arith.addi %mul3A_0, %arg0 : i32
    %mul3A_1 = arith.constant 64 : i32
    %mul3A_2 = arith.muli %add3A, %mul3A_1 : i32
    %add3A_3 = arith.constant 0 : i32
    %add3A_4 = arith.addi %mul3A_2, %add3A_3 : i32
    "tpu.region"() ({
      %run_scoped3A = tpu.sem_alloc : memref<!tpu.dma_semaphore, #tpu.memory_space<semaphore_mem>>
      %dma_start3A_11 = tpu.memref_slice %arg3[%add3A_4] : memref<2048xi32, #tpu.memory_space<hbm>> -> memref<64xi32, #tpu.memory_space<hbm>>
      %dma_start3A_12 = tpu.memref_slice %arg3[%add3A_4] : memref<2048xi32, #tpu.memory_space<hbm>> -> memref<64xi32, #tpu.memory_space<hbm>>
      tpu.enqueue_dma source(%dma_start3A_12 : memref<64xi32, #tpu.memory_space<hbm>>) target(%arg5 : memref<64xi32, #tpu.memory_space<vmem>>) target_semaphore(%run_scoped3A : memref<!tpu.dma_semaphore, #tpu.memory_space<semaphore_mem>>)
      %dma_wait3A_13 = tpu.memref_slice %arg3[%add3A_4] : memref<2048xi32, #tpu.memory_space<hbm>> -> memref<64xi32, #tpu.memory_space<hbm>>
      %dma_wait3A_14 = tpu.memref_slice %arg3[%add3A_4] : memref<2048xi32, #tpu.memory_space<hbm>> -> memref<64xi32, #tpu.memory_space<hbm>>
      tpu.wait_dma2 semaphore(%run_scoped3A : memref<!tpu.dma_semaphore, #tpu.memory_space<semaphore_mem>>) src(%dma_wait3A_14 : memref<64xi32, #tpu.memory_space<hbm>>) dst(%arg5 : memref<64xi32, #tpu.memory_space<vmem>>)
      tpu.yield
    }) : () -> ()
    %dma_start3A = arith.constant 0 : i32
    %dma_start3A_5 = arith.constant 0 : i32
    %dma_start3A_6 = tpu.memref_slice %arg2[%dma_start3A, %dma_start3A_5] : memref<32000x768xf32, #tpu.memory_space<hbm>> -> memref<32000x768xf32, #tpu.memory_space<hbm>>
    tpu.enqueue_indirect_dma source(%dma_start3A_6 : memref<32000x768xf32, #tpu.memory_space<hbm>>) target(%arg6 : memref<64x768xf32, #tpu.memory_space<vmem>>) offsets(%arg5 : memref<64xi32, #tpu.memory_space<vmem>>) semaphore(%arg7 : memref<!tpu.dma_semaphore, #tpu.memory_space<semaphore_mem>>)
    %dma_wait3A = arith.constant 0 : i32
    %dma_wait3A_7 = arith.constant 0 : i32
    %dma_wait3A_8 = tpu.memref_slice %arg2[%dma_wait3A, %dma_wait3A_7] : memref<32000x768xf32, #tpu.memory_space<hbm>> -> memref<32000x768xf32, #tpu.memory_space<hbm>>
    tpu.wait_indirect_dma semaphore(%arg7 : memref<!tpu.dma_semaphore, #tpu.memory_space<semaphore_mem>>) src(%dma_wait3A_8 : memref<32000x768xf32, #tpu.memory_space<hbm>>) dst(%arg6 : memref<64x768xf32, #tpu.memory_space<vmem>>)
    %add3A_9 = arith.constant 0 : i32
    %add3A_10 = arith.addi %mul3A_2, %add3A_9 : i32
    "tpu.region"() ({
      %run_scoped3A = tpu.sem_alloc : memref<!tpu.dma_semaphore, #tpu.memory_space<semaphore_mem>>
      %dma_start3A_11 = arith.constant 0 : i32
      %dma_start3A_12 = tpu.memref_slice %arg4[%add3A_10, %dma_start3A_11] : memref<2048x768xf32, #tpu.memory_space<hbm>> -> memref<64x768xf32, #tpu.memory_space<hbm>>
      %dma_start3A_13 = arith.constant 0 : i32
      %dma_start3A_14 = tpu.memref_slice %arg4[%add3A_10, %dma_start3A_13] : memref<2048x768xf32, #tpu.memory_space<hbm>> -> memref<64x768xf32, #tpu.memory_space<hbm>>
      tpu.enqueue_dma source(%arg6 : memref<64x768xf32, #tpu.memory_space<vmem>>) target(%dma_start3A_14 : memref<64x768xf32, #tpu.memory_space<hbm>>) target_semaphore(%run_scoped3A : memref<!tpu.dma_semaphore, #tpu.memory_space<semaphore_mem>>)
      %dma_wait3A_15 = arith.constant 0 : i32
      %dma_wait3A_16 = tpu.memref_slice %arg4[%add3A_10, %dma_wait3A_15] : memref<2048x768xf32, #tpu.memory_space<hbm>> -> memref<64x768xf32, #tpu.memory_space<hbm>>
      %dma_wait3A_17 = arith.constant 0 : i32
      %dma_wait3A_18 = tpu.memref_slice %arg4[%add3A_10, %dma_wait3A_17] : memref<2048x768xf32, #tpu.memory_space<hbm>> -> memref<64x768xf32, #tpu.memory_space<hbm>>
      tpu.wait_dma2 semaphore(%run_scoped3A : memref<!tpu.dma_semaphore, #tpu.memory_space<semaphore_mem>>) src(%arg6 : memref<64x768xf32, #tpu.memory_space<vmem>>) dst(%dma_wait3A_18 : memref<64x768xf32, #tpu.memory_space<hbm>>)
      tpu.yield
    }) : () -> ()
    return
  }
}

#map = affine_map<(d0, d1) -> (0, 0)>
#map1 = affine_map<(d0, d1) -> (0)>
module attributes {stable_mosaic.version = 14 : i64} {
  func.func @k(%arg0: i32, %arg1: i32, %arg2: memref<6144x768xf32, #tpu.memory_space<hbm>>, %arg3: memref<2048xi32, #tpu.memory_space<hbm>>, %arg4: memref<2048x768xf32, #tpu.memory_space<hbm>>, %arg5: memref<64xi32, #tpu.memory_space<vmem>>, %arg6: memref<64x768xf32, #tpu.memory_space<vmem>>, %arg7: memref<!tpu.dma_semaphore, #tpu.memory_space<semaphore_mem>>) attributes {dimension_semantics = [#tpu.dimension_semantics<core_parallel>, #tpu.dimension_semantics<subcore_parallel>], iteration_bounds = array<i64: 2, 16>, scalar_prefetch = 0 : i64, scratch_operands = 3 : i64, tpu.core_type = #tpu.core_type<sc_vector_subcore>, window_params = [{transform_indices = #map}, {transform_indices = #map1}, {transform_indices = #map}]} {
    %mul3A = arith.constant 2 : i32
    %mul3A_0 = arith.muli %arg1, %mul3A : i32
    %add3A = arith.addi %mul3A_0, %arg0 : i32
    %mul3A_1 = arith.constant 64 : i32
    %mul3A_2 = arith.muli %add3A, %mul3A_1 : i32
    %add3A_3 = arith.constant 0 : i32
    %add3A_4 = arith.addi %mul3A_2, %add3A_3 : i32
    "tpu.region"() ({
      %run_scoped3A = tpu.sem_alloc : memref<!tpu.dma_semaphore, #tpu.memory_space<semaphore_mem>>
      %dma_start3A_11 = tpu.memref_slice %arg3[%add3A_4] : memref<2048xi32, #tpu.memory_space<hbm>> -> memref<64xi32, #tpu.memory_space<hbm>>
      %dma_start3A_12 = tpu.memref_slice %arg3[%add3A_4] : memref<2048xi32, #tpu.memory_space<hbm>> -> memref<64xi32, #tpu.memory_space<hbm>>
      tpu.enqueue_dma source(%dma_start3A_12 : memref<64xi32, #tpu.memory_space<hbm>>) target(%arg5 : memref<64xi32, #tpu.memory_space<vmem>>) target_semaphore(%run_scoped3A : memref<!tpu.dma_semaphore, #tpu.memory_space<semaphore_mem>>)
      %dma_wait3A_13 = tpu.memref_slice %arg3[%add3A_4] : memref<2048xi32, #tpu.memory_space<hbm>> -> memref<64xi32, #tpu.memory_space<hbm>>
      %dma_wait3A_14 = tpu.memref_slice %arg3[%add3A_4] : memref<2048xi32, #tpu.memory_space<hbm>> -> memref<64xi32, #tpu.memory_space<hbm>>
      tpu.wait_dma2 semaphore(%run_scoped3A : memref<!tpu.dma_semaphore, #tpu.memory_space<semaphore_mem>>) src(%dma_wait3A_14 : memref<64xi32, #tpu.memory_space<hbm>>) dst(%arg5 : memref<64xi32, #tpu.memory_space<vmem>>)
      tpu.yield
    }) : () -> ()
    %dma_start3A = arith.constant 0 : i32
    %dma_start3A_5 = arith.constant 0 : i32
    %dma_start3A_6 = tpu.memref_slice %arg2[%dma_start3A, %dma_start3A_5] : memref<6144x768xf32, #tpu.memory_space<hbm>> -> memref<6144x768xf32, #tpu.memory_space<hbm>>
    tpu.enqueue_indirect_dma source(%dma_start3A_6 : memref<6144x768xf32, #tpu.memory_space<hbm>>) target(%arg6 : memref<64x768xf32, #tpu.memory_space<vmem>>) offsets(%arg5 : memref<64xi32, #tpu.memory_space<vmem>>) semaphore(%arg7 : memref<!tpu.dma_semaphore, #tpu.memory_space<semaphore_mem>>)
    %dma_wait3A = arith.constant 0 : i32
    %dma_wait3A_7 = arith.constant 0 : i32
    %dma_wait3A_8 = tpu.memref_slice %arg2[%dma_wait3A, %dma_wait3A_7] : memref<6144x768xf32, #tpu.memory_space<hbm>> -> memref<6144x768xf32, #tpu.memory_space<hbm>>
    tpu.wait_indirect_dma semaphore(%arg7 : memref<!tpu.dma_semaphore, #tpu.memory_space<semaphore_mem>>) src(%dma_wait3A_8 : memref<6144x768xf32, #tpu.memory_space<hbm>>) dst(%arg6 : memref<64x768xf32, #tpu.memory_space<vmem>>)
    %add3A_9 = arith.constant 0 : i32
    %add3A_10 = arith.addi %mul3A_2, %add3A_9 : i32
    "tpu.region"() ({
      %run_scoped3A = tpu.sem_alloc : memref<!tpu.dma_semaphore, #tpu.memory_space<semaphore_mem>>
      %dma_start3A_11 = arith.constant 0 : i32
      %dma_start3A_12 = tpu.memref_slice %arg4[%add3A_10, %dma_start3A_11] : memref<2048x768xf32, #tpu.memory_space<hbm>> -> memref<64x768xf32, #tpu.memory_space<hbm>>
      %dma_start3A_13 = arith.constant 0 : i32
      %dma_start3A_14 = tpu.memref_slice %arg4[%add3A_10, %dma_start3A_13] : memref<2048x768xf32, #tpu.memory_space<hbm>> -> memref<64x768xf32, #tpu.memory_space<hbm>>
      tpu.enqueue_dma source(%arg6 : memref<64x768xf32, #tpu.memory_space<vmem>>) target(%dma_start3A_14 : memref<64x768xf32, #tpu.memory_space<hbm>>) target_semaphore(%run_scoped3A : memref<!tpu.dma_semaphore, #tpu.memory_space<semaphore_mem>>)
      %dma_wait3A_15 = arith.constant 0 : i32
      %dma_wait3A_16 = tpu.memref_slice %arg4[%add3A_10, %dma_wait3A_15] : memref<2048x768xf32, #tpu.memory_space<hbm>> -> memref<64x768xf32, #tpu.memory_space<hbm>>
      %dma_wait3A_17 = arith.constant 0 : i32
      %dma_wait3A_18 = tpu.memref_slice %arg4[%add3A_10, %dma_wait3A_17] : memref<2048x768xf32, #tpu.memory_space<hbm>> -> memref<64x768xf32, #tpu.memory_space<hbm>>
      tpu.wait_dma2 semaphore(%run_scoped3A : memref<!tpu.dma_semaphore, #tpu.memory_space<semaphore_mem>>) src(%arg6 : memref<64x768xf32, #tpu.memory_space<vmem>>) dst(%dma_wait3A_18 : memref<64x768xf32, #tpu.memory_space<hbm>>)
      tpu.yield
    }) : () -> ()
    return
  }
}

#map = affine_map<(d0, d1) -> (0, 0)>
#map1 = affine_map<(d0, d1) -> (0)>
module attributes {stable_mosaic.version = 14 : i64} {
  func.func @k(%arg0: i32, %arg1: i32, %arg2: memref<6144x768xf32, #tpu.memory_space<hbm>>, %arg3: memref<2048xi32, #tpu.memory_space<hbm>>, %arg4: memref<2048x768xf32, #tpu.memory_space<hbm>>, %arg5: memref<64xi32, #tpu.memory_space<vmem>>, %arg6: memref<64x768xf32, #tpu.memory_space<vmem>>, %arg7: memref<!tpu.dma_semaphore, #tpu.memory_space<semaphore_mem>>) attributes {dimension_semantics = [#tpu.dimension_semantics<core_parallel>, #tpu.dimension_semantics<subcore_parallel>], iteration_bounds = array<i64: 2, 16>, scalar_prefetch = 0 : i64, scratch_operands = 3 : i64, tpu.core_type = #tpu.core_type<sc_vector_subcore>, window_params = [{transform_indices = #map}, {transform_indices = #map1}, {transform_indices = #map}]} {
    %mul3A = arith.constant 2 : i32
    %mul3A_0 = arith.muli %arg1, %mul3A : i32
    %add3A = arith.addi %mul3A_0, %arg0 : i32
    %mul3A_1 = arith.constant 64 : i32
    %mul3A_2 = arith.muli %add3A, %mul3A_1 : i32
    %add3A_3 = arith.constant 0 : i32
    %add3A_4 = arith.addi %mul3A_2, %add3A_3 : i32
    "tpu.region"() ({
      %run_scoped3A = tpu.sem_alloc : memref<!tpu.dma_semaphore, #tpu.memory_space<semaphore_mem>>
      %dma_start3A_11 = tpu.memref_slice %arg3[%add3A_4] : memref<2048xi32, #tpu.memory_space<hbm>> -> memref<64xi32, #tpu.memory_space<hbm>>
      %dma_start3A_12 = tpu.memref_slice %arg3[%add3A_4] : memref<2048xi32, #tpu.memory_space<hbm>> -> memref<64xi32, #tpu.memory_space<hbm>>
      tpu.enqueue_dma source(%dma_start3A_12 : memref<64xi32, #tpu.memory_space<hbm>>) target(%arg5 : memref<64xi32, #tpu.memory_space<vmem>>) target_semaphore(%run_scoped3A : memref<!tpu.dma_semaphore, #tpu.memory_space<semaphore_mem>>)
      %dma_wait3A_13 = tpu.memref_slice %arg3[%add3A_4] : memref<2048xi32, #tpu.memory_space<hbm>> -> memref<64xi32, #tpu.memory_space<hbm>>
      %dma_wait3A_14 = tpu.memref_slice %arg3[%add3A_4] : memref<2048xi32, #tpu.memory_space<hbm>> -> memref<64xi32, #tpu.memory_space<hbm>>
      tpu.wait_dma2 semaphore(%run_scoped3A : memref<!tpu.dma_semaphore, #tpu.memory_space<semaphore_mem>>) src(%dma_wait3A_14 : memref<64xi32, #tpu.memory_space<hbm>>) dst(%arg5 : memref<64xi32, #tpu.memory_space<vmem>>)
      tpu.yield
    }) : () -> ()
    %dma_start3A = arith.constant 0 : i32
    %dma_start3A_5 = arith.constant 0 : i32
    %dma_start3A_6 = tpu.memref_slice %arg2[%dma_start3A, %dma_start3A_5] : memref<6144x768xf32, #tpu.memory_space<hbm>> -> memref<6144x768xf32, #tpu.memory_space<hbm>>
    tpu.enqueue_indirect_dma source(%dma_start3A_6 : memref<6144x768xf32, #tpu.memory_space<hbm>>) target(%arg6 : memref<64x768xf32, #tpu.memory_space<vmem>>) offsets(%arg5 : memref<64xi32, #tpu.memory_space<vmem>>) semaphore(%arg7 : memref<!tpu.dma_semaphore, #tpu.memory_space<semaphore_mem>>)
    %dma_wait3A = arith.constant 0 : i32
    %dma_wait3A_7 = arith.constant 0 : i32
    %dma_wait3A_8 = tpu.memref_slice %arg2[%dma_wait3A, %dma_wait3A_7] : memref<6144x768xf32, #tpu.memory_space<hbm>> -> memref<6144x768xf32, #tpu.memory_space<hbm>>
    tpu.wait_indirect_dma semaphore(%arg7 : memref<!tpu.dma_semaphore, #tpu.memory_space<semaphore_mem>>) src(%dma_wait3A_8 : memref<6144x768xf32, #tpu.memory_space<hbm>>) dst(%arg6 : memref<64x768xf32, #tpu.memory_space<vmem>>)
    %add3A_9 = arith.constant 0 : i32
    %add3A_10 = arith.addi %mul3A_2, %add3A_9 : i32
    "tpu.region"() ({
      %run_scoped3A = tpu.sem_alloc : memref<!tpu.dma_semaphore, #tpu.memory_space<semaphore_mem>>
      %dma_start3A_11 = arith.constant 0 : i32
      %dma_start3A_12 = tpu.memref_slice %arg4[%add3A_10, %dma_start3A_11] : memref<2048x768xf32, #tpu.memory_space<hbm>> -> memref<64x768xf32, #tpu.memory_space<hbm>>
      %dma_start3A_13 = arith.constant 0 : i32
      %dma_start3A_14 = tpu.memref_slice %arg4[%add3A_10, %dma_start3A_13] : memref<2048x768xf32, #tpu.memory_space<hbm>> -> memref<64x768xf32, #tpu.memory_space<hbm>>
      tpu.enqueue_dma source(%arg6 : memref<64x768xf32, #tpu.memory_space<vmem>>) target(%dma_start3A_14 : memref<64x768xf32, #tpu.memory_space<hbm>>) target_semaphore(%run_scoped3A : memref<!tpu.dma_semaphore, #tpu.memory_space<semaphore_mem>>)
      %dma_wait3A_15 = arith.constant 0 : i32
      %dma_wait3A_16 = tpu.memref_slice %arg4[%add3A_10, %dma_wait3A_15] : memref<2048x768xf32, #tpu.memory_space<hbm>> -> memref<64x768xf32, #tpu.memory_space<hbm>>
      %dma_wait3A_17 = arith.constant 0 : i32
      %dma_wait3A_18 = tpu.memref_slice %arg4[%add3A_10, %dma_wait3A_17] : memref<2048x768xf32, #tpu.memory_space<hbm>> -> memref<64x768xf32, #tpu.memory_space<hbm>>
      tpu.wait_dma2 semaphore(%run_scoped3A : memref<!tpu.dma_semaphore, #tpu.memory_space<semaphore_mem>>) src(%arg6 : memref<64x768xf32, #tpu.memory_space<vmem>>) dst(%dma_wait3A_18 : memref<64x768xf32, #tpu.memory_space<hbm>>)
      tpu.yield
    }) : () -> ()
    return
  }
}

#map = affine_map<(d0, d1) -> (0, 0)>
#map1 = affine_map<(d0, d1) -> (0)>
module attributes {stable_mosaic.version = 14 : i64} {
  func.func @k(%arg0: i32, %arg1: i32, %arg2: memref<2048x768xf32, #tpu.memory_space<hbm>>, %arg3: memref<2048xi32, #tpu.memory_space<hbm>>, %arg4: memref<2048xi32, #tpu.memory_space<hbm>>, %arg5: memref<6144x768xf32, #tpu.memory_space<hbm>>, %arg6: memref<64xi32, #tpu.memory_space<vmem>>, %arg7: memref<64x768xf32, #tpu.memory_space<vmem>>) attributes {dimension_semantics = [#tpu.dimension_semantics<core_parallel>, #tpu.dimension_semantics<subcore_parallel>], iteration_bounds = array<i64: 2, 16>, scalar_prefetch = 0 : i64, scratch_operands = 2 : i64, tpu.core_type = #tpu.core_type<sc_vector_subcore>, window_params = [{transform_indices = #map}, {transform_indices = #map1}, {transform_indices = #map1}, {transform_indices = #map}]} {
    %mul3A = arith.constant 2 : i32
    %mul3A_0 = arith.muli %arg1, %mul3A : i32
    %add3A = arith.addi %mul3A_0, %arg0 : i32
    %mul3A_1 = arith.constant 64 : i32
    %mul3A_2 = arith.muli %add3A, %mul3A_1 : i32
    "tpu.region"() ({
      %run_scoped3A = tpu.sem_alloc : memref<!tpu.dma_semaphore, #tpu.memory_space<semaphore_mem>>
      %dma_start3A = arith.constant 0 : i32
      %dma_start3A_3 = tpu.memref_slice %arg2[%mul3A_2, %dma_start3A] : memref<2048x768xf32, #tpu.memory_space<hbm>> -> memref<64x768xf32, #tpu.memory_space<hbm>>
      %dma_start3A_4 = arith.constant 0 : i32
      %dma_start3A_5 = tpu.memref_slice %arg2[%mul3A_2, %dma_start3A_4] : memref<2048x768xf32, #tpu.memory_space<hbm>> -> memref<64x768xf32, #tpu.memory_space<hbm>>
      tpu.enqueue_dma source(%dma_start3A_5 : memref<64x768xf32, #tpu.memory_space<hbm>>) target(%arg7 : memref<64x768xf32, #tpu.memory_space<vmem>>) target_semaphore(%run_scoped3A : memref<!tpu.dma_semaphore, #tpu.memory_space<semaphore_mem>>)
      %dma_wait3A = arith.constant 0 : i32
      %dma_wait3A_6 = tpu.memref_slice %arg2[%mul3A_2, %dma_wait3A] : memref<2048x768xf32, #tpu.memory_space<hbm>> -> memref<64x768xf32, #tpu.memory_space<hbm>>
      %dma_wait3A_7 = arith.constant 0 : i32
      %dma_wait3A_8 = tpu.memref_slice %arg2[%mul3A_2, %dma_wait3A_7] : memref<2048x768xf32, #tpu.memory_space<hbm>> -> memref<64x768xf32, #tpu.memory_space<hbm>>
      tpu.wait_dma2 semaphore(%run_scoped3A : memref<!tpu.dma_semaphore, #tpu.memory_space<semaphore_mem>>) src(%dma_wait3A_8 : memref<64x768xf32, #tpu.memory_space<hbm>>) dst(%arg7 : memref<64x768xf32, #tpu.memory_space<vmem>>)
      tpu.yield
    }) : () -> ()
    "tpu.region"() ({
      %run_scoped3A = tpu.sem_alloc : memref<!tpu.dma_semaphore, #tpu.memory_space<semaphore_mem>>
      %dma_start3A = tpu.memref_slice %arg3[%mul3A_2] : memref<2048xi32, #tpu.memory_space<hbm>> -> memref<64xi32, #tpu.memory_space<hbm>>
      %dma_start3A_3 = tpu.memref_slice %arg3[%mul3A_2] : memref<2048xi32, #tpu.memory_space<hbm>> -> memref<64xi32, #tpu.memory_space<hbm>>
      tpu.enqueue_dma source(%dma_start3A_3 : memref<64xi32, #tpu.memory_space<hbm>>) target(%arg6 : memref<64xi32, #tpu.memory_space<vmem>>) target_semaphore(%run_scoped3A : memref<!tpu.dma_semaphore, #tpu.memory_space<semaphore_mem>>)
      %dma_wait3A = tpu.memref_slice %arg3[%mul3A_2] : memref<2048xi32, #tpu.memory_space<hbm>> -> memref<64xi32, #tpu.memory_space<hbm>>
      %dma_wait3A_4 = tpu.memref_slice %arg3[%mul3A_2] : memref<2048xi32, #tpu.memory_space<hbm>> -> memref<64xi32, #tpu.memory_space<hbm>>
      tpu.wait_dma2 semaphore(%run_scoped3A : memref<!tpu.dma_semaphore, #tpu.memory_space<semaphore_mem>>) src(%dma_wait3A_4 : memref<64xi32, #tpu.memory_space<hbm>>) dst(%arg6 : memref<64xi32, #tpu.memory_space<vmem>>)
      tpu.yield
    }) : () -> ()
    "tpu.region"() ({
      %run_scoped3A = tpu.sem_alloc : memref<!tpu.dma_semaphore, #tpu.memory_space<semaphore_mem>>
      %dma_start3A = arith.constant 0 : i32
      %dma_start3A_3 = arith.constant 0 : i32
      %dma_start3A_4 = tpu.memref_slice %arg5[%dma_start3A, %dma_start3A_3] : memref<6144x768xf32, #tpu.memory_space<hbm>> -> memref<6144x768xf32, #tpu.memory_space<hbm>>
      tpu.enqueue_indirect_dma source(%arg7 : memref<64x768xf32, #tpu.memory_space<vmem>>) target(%dma_start3A_4 : memref<6144x768xf32, #tpu.memory_space<hbm>>) offsets(%arg6 : memref<64xi32, #tpu.memory_space<vmem>>) semaphore(%run_scoped3A : memref<!tpu.dma_semaphore, #tpu.memory_space<semaphore_mem>>)
      %dma_wait3A = arith.constant 0 : i32
      %dma_wait3A_5 = arith.constant 0 : i32
      %dma_wait3A_6 = tpu.memref_slice %arg5[%dma_wait3A, %dma_wait3A_5] : memref<6144x768xf32, #tpu.memory_space<hbm>> -> memref<6144x768xf32, #tpu.memory_space<hbm>>
      tpu.wait_indirect_dma semaphore(%run_scoped3A : memref<!tpu.dma_semaphore, #tpu.memory_space<semaphore_mem>>) src(%arg7 : memref<64x768xf32, #tpu.memory_space<vmem>>) dst(%dma_wait3A_6 : memref<6144x768xf32, #tpu.memory_space<hbm>>)
      tpu.yield
    }) : () -> ()
    "tpu.region"() ({
      %run_scoped3A = tpu.sem_alloc : memref<!tpu.dma_semaphore, #tpu.memory_space<semaphore_mem>>
      %dma_start3A = tpu.memref_slice %arg4[%mul3A_2] : memref<2048xi32, #tpu.memory_space<hbm>> -> memref<64xi32, #tpu.memory_space<hbm>>
      %dma_start3A_3 = tpu.memref_slice %arg4[%mul3A_2] : memref<2048xi32, #tpu.memory_space<hbm>> -> memref<64xi32, #tpu.memory_space<hbm>>
      tpu.enqueue_dma source(%dma_start3A_3 : memref<64xi32, #tpu.memory_space<hbm>>) target(%arg6 : memref<64xi32, #tpu.memory_space<vmem>>) target_semaphore(%run_scoped3A : memref<!tpu.dma_semaphore, #tpu.memory_space<semaphore_mem>>)
      %dma_wait3A = tpu.memref_slice %arg4[%mul3A_2] : memref<2048xi32, #tpu.memory_space<hbm>> -> memref<64xi32, #tpu.memory_space<hbm>>
      %dma_wait3A_4 = tpu.memref_slice %arg4[%mul3A_2] : memref<2048xi32, #tpu.memory_space<hbm>> -> memref<64xi32, #tpu.memory_space<hbm>>
      tpu.wait_dma2 semaphore(%run_scoped3A : memref<!tpu.dma_semaphore, #tpu.memory_space<semaphore_mem>>) src(%dma_wait3A_4 : memref<64xi32, #tpu.memory_space<hbm>>) dst(%arg6 : memref<64xi32, #tpu.memory_space<vmem>>)
      tpu.yield
    }) : () -> ()
    "tpu.region"() ({
      %run_scoped3A = tpu.sem_alloc : memref<!tpu.dma_semaphore, #tpu.memory_space<semaphore_mem>>
      %dma_start3A = arith.constant 0 : i32
      %dma_start3A_3 = arith.constant 0 : i32
      %dma_start3A_4 = tpu.memref_slice %arg5[%dma_start3A, %dma_start3A_3] : memref<6144x768xf32, #tpu.memory_space<hbm>> -> memref<6144x768xf32, #tpu.memory_space<hbm>>
      tpu.enqueue_indirect_dma source(%arg7 : memref<64x768xf32, #tpu.memory_space<vmem>>) target(%dma_start3A_4 : memref<6144x768xf32, #tpu.memory_space<hbm>>) offsets(%arg6 : memref<64xi32, #tpu.memory_space<vmem>>) semaphore(%run_scoped3A : memref<!tpu.dma_semaphore, #tpu.memory_space<semaphore_mem>>)
      %dma_wait3A = arith.constant 0 : i32
      %dma_wait3A_5 = arith.constant 0 : i32
      %dma_wait3A_6 = tpu.memref_slice %arg5[%dma_wait3A, %dma_wait3A_5] : memref<6144x768xf32, #tpu.memory_space<hbm>> -> memref<6144x768xf32, #tpu.memory_space<hbm>>
      tpu.wait_indirect_dma semaphore(%run_scoped3A : memref<!tpu.dma_semaphore, #tpu.memory_space<semaphore_mem>>) src(%arg7 : memref<64x768xf32, #tpu.memory_space<vmem>>) dst(%dma_wait3A_6 : memref<6144x768xf32, #tpu.memory_space<hbm>>)
      tpu.yield
    }) : () -> ()
    return
  }
}

module attributes {stable_mosaic.version = 14 : i64} {
  func.func @_qkv_body(%arg0: i32, %arg1: memref<256x768xf32, #tpu.memory_space<vmem>>, %arg2: memref<1x768xf32, #tpu.memory_space<vmem>>, %arg3: memref<1x768xf32, #tpu.memory_space<vmem>>, %arg4: memref<768x768xf32, #tpu.memory_space<vmem>>, %arg5: memref<768x128xf32, #tpu.memory_space<vmem>>, %arg6: memref<768x128xf32, #tpu.memory_space<vmem>>, %arg7: memref<256x64xf32, #tpu.memory_space<vmem>>, %arg8: memref<256x64xf32, #tpu.memory_space<vmem>>, %arg9: memref<12x256x64xf32, #tpu.memory_space<vmem>>, %arg10: memref<2x256x64xf32, #tpu.memory_space<vmem>>, %arg11: memref<2x256x64xf32, #tpu.memory_space<vmem>>) attributes {dimension_semantics = [#tpu.dimension_semantics<arbitrary>], iteration_bounds = array<i64: 8>, scalar_prefetch = 0 : i64, scratch_operands = 0 : i64, tpu.core_type = #tpu.core_type<tc>, window_params = [{transform_indices = @transform_0, window_bounds = array<i64: 256, 768>}, {pipeline_mode = #tpu.pipeline_mode<synchronous>, transform_indices = @transform_1, window_bounds = array<i64: 1, 768>}, {pipeline_mode = #tpu.pipeline_mode<synchronous>, transform_indices = @transform_2, window_bounds = array<i64: 1, 768>}, {pipeline_mode = #tpu.pipeline_mode<synchronous>, transform_indices = @transform_3, window_bounds = array<i64: 768, 768>}, {pipeline_mode = #tpu.pipeline_mode<synchronous>, transform_indices = @transform_4, window_bounds = array<i64: 768, 128>}, {pipeline_mode = #tpu.pipeline_mode<synchronous>, transform_indices = @transform_5, window_bounds = array<i64: 768, 128>}, {transform_indices = @transform_6, window_bounds = array<i64: 256, 64>}, {transform_indices = @transform_7, window_bounds = array<i64: 256, 64>}, {transform_indices = @transform_8, window_bounds = array<i64: 12, 256, 64>}, {transform_indices = @transform_9, window_bounds = array<i64: 2, 256, 64>}, {transform_indices = @transform_10, window_bounds = array<i64: 2, 256, 64>}]} {
    %get3A = arith.constant 0 : index
    %get3A_0 = arith.constant 0 : index
    %get3A_1 = vector.load %arg1[%get3A, %get3A_0] : memref<256x768xf32, #tpu.memory_space<vmem>>, vector<256x768xf32>
    %get3A_2 = arith.constant 0 : index
    %get3A_3 = arith.constant 0 : index
    %get3A_4 = vector.load %arg2[%get3A_2, %get3A_3] : memref<1x768xf32, #tpu.memory_space<vmem>>, vector<1x768xf32>
    %get3A_5 = arith.constant 0 : index
    %get3A_6 = arith.constant 0 : index
    %get3A_7 = vector.load %arg3[%get3A_5, %get3A_6] : memref<1x768xf32, #tpu.memory_space<vmem>>, vector<1x768xf32>
    %reduce_sum3A = arith.constant dense<0.000000e+00> : vector<256xf32>
    %reduce_sum3A_8 = vector.multi_reduction <add>, %get3A_1, %reduce_sum3A [1] : vector<256x768xf32> to vector<256xf32>
    %broadcast_in_dim3A = vector.shape_cast %reduce_sum3A_8 : vector<256xf32> to vector<256x1xf32>
    %div3A = arith.constant 7.680000e+02 : f32
    %div3A_9 = vector.broadcast %div3A : f32 to vector<256x1xf32>
    %div3A_10 = arith.divf %broadcast_in_dim3A, %div3A_9 : vector<256x1xf32>
    %sub3A = vector.broadcast %div3A_10 : vector<256x1xf32> to vector<256x768xf32>
    %sub3A_11 = arith.subf %get3A_1, %sub3A : vector<256x768xf32>
    %sub3A_12 = vector.broadcast %div3A_10 : vector<256x1xf32> to vector<256x768xf32>
    %sub3A_13 = arith.subf %get3A_1, %sub3A_12 : vector<256x768xf32>
    %mul3A = arith.mulf %sub3A_11, %sub3A_13 : vector<256x768xf32>
    %reduce_sum3A_14 = arith.constant dense<0.000000e+00> : vector<256xf32>
    %reduce_sum3A_15 = vector.multi_reduction <add>, %mul3A, %reduce_sum3A_14 [1] : vector<256x768xf32> to vector<256xf32>
    %broadcast_in_dim3A_16 = vector.shape_cast %reduce_sum3A_15 : vector<256xf32> to vector<256x1xf32>
    %div3A_17 = arith.constant 7.680000e+02 : f32
    %div3A_18 = vector.broadcast %div3A_17 : f32 to vector<256x1xf32>
    %div3A_19 = arith.divf %broadcast_in_dim3A_16, %div3A_18 : vector<256x1xf32>
    %sub3A_20 = vector.broadcast %div3A_10 : vector<256x1xf32> to vector<256x768xf32>
    %sub3A_21 = arith.subf %get3A_1, %sub3A_20 : vector<256x768xf32>
    %add3A = arith.constant 9.99999974E-6 : f32
    %add3A_22 = vector.broadcast %add3A : f32 to vector<256x1xf32>
    %add3A_23 = arith.addf %div3A_19, %add3A_22 : vector<256x1xf32>
    %sqrt3A = math.sqrt %add3A_23 : vector<256x1xf32>
    %div3A_24 = vector.broadcast %sqrt3A : vector<256x1xf32> to vector<256x768xf32>
    %div3A_25 = arith.divf %sub3A_21, %div3A_24 : vector<256x768xf32>
    %mul3A_26 = vector.broadcast %get3A_4 : vector<1x768xf32> to vector<256x768xf32>
    %mul3A_27 = arith.mulf %div3A_25, %mul3A_26 : vector<256x768xf32>
    %add3A_28 = vector.broadcast %get3A_7 : vector<1x768xf32> to vector<256x768xf32>
    %add3A_29 = arith.addf %mul3A_27, %add3A_28 : vector<256x768xf32>
    %get3A_30 = arith.constant 0 : index
    %get3A_31 = arith.constant 0 : index
    %get3A_32 = vector.load %arg4[%get3A_30, %get3A_31] : memref<768x768xf32, #tpu.memory_space<vmem>>, vector<768x768xf32>
    %dot_general3A = arith.constant dense<0.000000e+00> : vector<256x768xf32>
    %dot_general3A_33 = tpu.matmul %add3A_29, %get3A_32, %dot_general3A {dimension_numbers = #tpu.dot_dimension_numbers<[1], [0], [0], [1], [0, 0, 1, 1], [], []>, transpose_lhs_hint = false} : vector<256x768xf32>, vector<768x768xf32>, vector<256x768xf32> -> vector<256x768xf32>
    %get3A_34 = arith.constant 0 : index
    %get3A_35 = arith.constant 0 : index
    %get3A_36 = vector.load %arg5[%get3A_34, %get3A_35] : memref<768x128xf32, #tpu.memory_space<vmem>>, vector<768x128xf32>
    %dot_general3A_37 = arith.constant dense<0.000000e+00> : vector<256x128xf32>
    %dot_general3A_38 = tpu.matmul %add3A_29, %get3A_36, %dot_general3A_37 {dimension_numbers = #tpu.dot_dimension_numbers<[1], [0], [0], [1], [0, 0, 1, 1], [], []>, transpose_lhs_hint = false} : vector<256x768xf32>, vector<768x128xf32>, vector<256x128xf32> -> vector<256x128xf32>
    %get3A_39 = arith.constant 0 : index
    %get3A_40 = arith.constant 0 : index
    %get3A_41 = vector.load %arg6[%get3A_39, %get3A_40] : memref<768x128xf32, #tpu.memory_space<vmem>>, vector<768x128xf32>
    %dot_general3A_42 = arith.constant dense<0.000000e+00> : vector<256x128xf32>
    %dot_general3A_43 = tpu.matmul %add3A_29, %get3A_41, %dot_general3A_42 {dimension_numbers = #tpu.dot_dimension_numbers<[1], [0], [0], [1], [0, 0, 1, 1], [], []>, transpose_lhs_hint = false} : vector<256x768xf32>, vector<768x128xf32>, vector<256x128xf32> -> vector<256x128xf32>
    %get3A_44 = arith.constant 0 : index
    %get3A_45 = arith.constant 0 : index
    %get3A_46 = vector.load %arg7[%get3A_44, %get3A_45] : memref<256x64xf32, #tpu.memory_space<vmem>>, vector<256x64xf32>
    %get3A_47 = arith.constant 0 : index
    %get3A_48 = arith.constant 0 : index
    %get3A_49 = vector.load %arg8[%get3A_47, %get3A_48] : memref<256x64xf32, #tpu.memory_space<vmem>>, vector<256x64xf32>
    %slice3A = vector.extract_strided_slice %dot_general3A_33 {offsets = [0, 0], sizes = [256, 64], strides = [1, 1]} : vector<256x768xf32> to vector<256x64xf32>
    %slice3A_50 = vector.extract_strided_slice %slice3A {offsets = [0, 32], sizes = [256, 32], strides = [1, 1]} : vector<256x64xf32> to vector<256x32xf32>
    %neg3A = arith.constant 0.000000e+00 : f32
    %neg3A_51 = vector.broadcast %neg3A : f32 to vector<256x32xf32>
    %neg3A_52 = arith.subf %neg3A_51, %slice3A_50 : vector<256x32xf32>
    %slice3A_53 = vector.extract_strided_slice %slice3A {offsets = [0, 0], sizes = [256, 32], strides = [1, 1]} : vector<256x64xf32> to vector<256x32xf32>
    %concatenate3A = tpu.concatenate %neg3A_52, %slice3A_53 in 1 : vector<256x32xf32>, vector<256x32xf32> -> vector<256x64xf32>
    %mul3A_54 = arith.mulf %slice3A, %get3A_46 : vector<256x64xf32>
    %mul3A_55 = arith.mulf %concatenate3A, %get3A_49 : vector<256x64xf32>
    %add3A_56 = arith.addf %mul3A_54, %mul3A_55 : vector<256x64xf32>
    %swap3A = arith.constant 0 : index
    %swap3A_57 = arith.constant 0 : index
    %swap3A_58 = arith.constant 0 : index
    %swap3A_59 = vector.load %arg9[%swap3A, %swap3A_57, %swap3A_58] : memref<12x256x64xf32, #tpu.memory_space<vmem>>, vector<1x256x64xf32>
    %swap3A_60 = vector.shape_cast %swap3A_59 : vector<1x256x64xf32> to vector<256x64xf32>
    %swap3A_61 = vector.shape_cast %add3A_56 : vector<256x64xf32> to vector<1x256x64xf32>
    tpu.vector_store %arg9[%swap3A, %swap3A_57, %swap3A_58], %swap3A_61 {strides = array<i32>} : memref<12x256x64xf32, #tpu.memory_space<vmem>>, vector<1x256x64xf32>,
    %slice3A_62 = vector.extract_strided_slice %dot_general3A_33 {offsets = [0, 64], sizes = [256, 64], strides = [1, 1]} : vector<256x768xf32> to vector<256x64xf32>
    %slice3A_63 = vector.extract_strided_slice %slice3A_62 {offsets = [0, 32], sizes = [256, 32], strides = [1, 1]} : vector<256x64xf32> to vector<256x32xf32>
    %neg3A_64 = arith.constant 0.000000e+00 : f32
    %neg3A_65 = vector.broadcast %neg3A_64 : f32 to vector<256x32xf32>
    %neg3A_66 = arith.subf %neg3A_65, %slice3A_63 : vector<256x32xf32>
    %slice3A_67 = vector.extract_strided_slice %slice3A_62 {offsets = [0, 0], sizes = [256, 32], strides = [1, 1]} : vector<256x64xf32> to vector<256x32xf32>
    %concatenate3A_68 = tpu.concatenate %neg3A_66, %slice3A_67 in 1 : vector<256x32xf32>, vector<256x32xf32> -> vector<256x64xf32>
    %mul3A_69 = arith.mulf %slice3A_62, %get3A_46 : vector<256x64xf32>
    %mul3A_70 = arith.mulf %concatenate3A_68, %get3A_49 : vector<256x64xf32>
    %add3A_71 = arith.addf %mul3A_69, %mul3A_70 : vector<256x64xf32>
    %swap3A_72 = arith.constant 1 : index
    %swap3A_73 = arith.constant 0 : index
    %swap3A_74 = arith.constant 0 : index
    %swap3A_75 = vector.load %arg9[%swap3A_72, %swap3A_73, %swap3A_74] : memref<12x256x64xf32, #tpu.memory_space<vmem>>, vector<1x256x64xf32>
    %swap3A_76 = vector.shape_cast %swap3A_75 : vector<1x256x64xf32> to vector<256x64xf32>
    %swap3A_77 = vector.shape_cast %add3A_71 : vector<256x64xf32> to vector<1x256x64xf32>
    tpu.vector_store %arg9[%swap3A_72, %swap3A_73, %swap3A_74], %swap3A_77 {strides = array<i32>} : memref<12x256x64xf32, #tpu.memory_space<vmem>>, vector<1x256x64xf32>,
    %slice3A_78 = vector.extract_strided_slice %dot_general3A_33 {offsets = [0, 128], sizes = [256, 64], strides = [1, 1]} : vector<256x768xf32> to vector<256x64xf32>
    %slice3A_79 = vector.extract_strided_slice %slice3A_78 {offsets = [0, 32], sizes = [256, 32], strides = [1, 1]} : vector<256x64xf32> to vector<256x32xf32>
    %neg3A_80 = arith.constant 0.000000e+00 : f32
    %neg3A_81 = vector.broadcast %neg3A_80 : f32 to vector<256x32xf32>
    %neg3A_82 = arith.subf %neg3A_81, %slice3A_79 : vector<256x32xf32>
    %slice3A_83 = vector.extract_strided_slice %slice3A_78 {offsets = [0, 0], sizes = [256, 32], strides = [1, 1]} : vector<256x64xf32> to vector<256x32xf32>
    %concatenate3A_84 = tpu.concatenate %neg3A_82, %slice3A_83 in 1 : vector<256x32xf32>, vector<256x32xf32> -> vector<256x64xf32>
    %mul3A_85 = arith.mulf %slice3A_78, %get3A_46 : vector<256x64xf32>
    %mul3A_86 = arith.mulf %concatenate3A_84, %get3A_49 : vector<256x64xf32>
    %add3A_87 = arith.addf %mul3A_85, %mul3A_86 : vector<256x64xf32>
    %swap3A_88 = arith.constant 2 : index
    %swap3A_89 = arith.constant 0 : index
    %swap3A_90 = arith.constant 0 : index
    %swap3A_91 = vector.load %arg9[%swap3A_88, %swap3A_89, %swap3A_90] : memref<12x256x64xf32, #tpu.memory_space<vmem>>, vector<1x256x64xf32>
    %swap3A_92 = vector.shape_cast %swap3A_91 : vector<1x256x64xf32> to vector<256x64xf32>
    %swap3A_93 = vector.shape_cast %add3A_87 : vector<256x64xf32> to vector<1x256x64xf32>
    tpu.vector_store %arg9[%swap3A_88, %swap3A_89, %swap3A_90], %swap3A_93 {strides = array<i32>} : memref<12x256x64xf32, #tpu.memory_space<vmem>>, vector<1x256x64xf32>,
    %slice3A_94 = vector.extract_strided_slice %dot_general3A_33 {offsets = [0, 192], sizes = [256, 64], strides = [1, 1]} : vector<256x768xf32> to vector<256x64xf32>
    %slice3A_95 = vector.extract_strided_slice %slice3A_94 {offsets = [0, 32], sizes = [256, 32], strides = [1, 1]} : vector<256x64xf32> to vector<256x32xf32>
    %neg3A_96 = arith.constant 0.000000e+00 : f32
    %neg3A_97 = vector.broadcast %neg3A_96 : f32 to vector<256x32xf32>
    %neg3A_98 = arith.subf %neg3A_97, %slice3A_95 : vector<256x32xf32>
    %slice3A_99 = vector.extract_strided_slice %slice3A_94 {offsets = [0, 0], sizes = [256, 32], strides = [1, 1]} : vector<256x64xf32> to vector<256x32xf32>
    %concatenate3A_100 = tpu.concatenate %neg3A_98, %slice3A_99 in 1 : vector<256x32xf32>, vector<256x32xf32> -> vector<256x64xf32>
    %mul3A_101 = arith.mulf %slice3A_94, %get3A_46 : vector<256x64xf32>
    %mul3A_102 = arith.mulf %concatenate3A_100, %get3A_49 : vector<256x64xf32>
    %add3A_103 = arith.addf %mul3A_101, %mul3A_102 : vector<256x64xf32>
    %swap3A_104 = arith.constant 3 : index
    %swap3A_105 = arith.constant 0 : index
    %swap3A_106 = arith.constant 0 : index
    %swap3A_107 = vector.load %arg9[%swap3A_104, %swap3A_105, %swap3A_106] : memref<12x256x64xf32, #tpu.memory_space<vmem>>, vector<1x256x64xf32>
    %swap3A_108 = vector.shape_cast %swap3A_107 : vector<1x256x64xf32> to vector<256x64xf32>
    %swap3A_109 = vector.shape_cast %add3A_103 : vector<256x64xf32> to vector<1x256x64xf32>
    tpu.vector_store %arg9[%swap3A_104, %swap3A_105, %swap3A_106], %swap3A_109 {strides = array<i32>} : memref<12x256x64xf32, #tpu.memory_space<vmem>>, vector<1x256x64xf32>,
    %slice3A_110 = vector.extract_strided_slice %dot_general3A_33 {offsets = [0, 256], sizes = [256, 64], strides = [1, 1]} : vector<256x768xf32> to vector<256x64xf32>
    %slice3A_111 = vector.extract_strided_slice %slice3A_110 {offsets = [0, 32], sizes = [256, 32], strides = [1, 1]} : vector<256x64xf32> to vector<256x32xf32>
    %neg3A_112 = arith.constant 0.000000e+00 : f32
    %neg3A_113 = vector.broadcast %neg3A_112 : f32 to vector<256x32xf32>
    %neg3A_114 = arith.subf %neg3A_113, %slice3A_111 : vector<256x32xf32>
    %slice3A_115 = vector.extract_strided_slice %slice3A_110 {offsets = [0, 0], sizes = [256, 32], strides = [1, 1]} : vector<256x64xf32> to vector<256x32xf32>
    %concatenate3A_116 = tpu.concatenate %neg3A_114, %slice3A_115 in 1 : vector<256x32xf32>, vector<256x32xf32> -> vector<256x64xf32>
    %mul3A_117 = arith.mulf %slice3A_110, %get3A_46 : vector<256x64xf32>
    %mul3A_118 = arith.mulf %concatenate3A_116, %get3A_49 : vector<256x64xf32>
    %add3A_119 = arith.addf %mul3A_117, %mul3A_118 : vector<256x64xf32>
    %swap3A_120 = arith.constant 4 : index
    %swap3A_121 = arith.constant 0 : index
    %swap3A_122 = arith.constant 0 : index
    %swap3A_123 = vector.load %arg9[%swap3A_120, %swap3A_121, %swap3A_122] : memref<12x256x64xf32, #tpu.memory_space<vmem>>, vector<1x256x64xf32>
    %swap3A_124 = vector.shape_cast %swap3A_123 : vector<1x256x64xf32> to vector<256x64xf32>
    %swap3A_125 = vector.shape_cast %add3A_119 : vector<256x64xf32> to vector<1x256x64xf32>
    tpu.vector_store %arg9[%swap3A_120, %swap3A_121, %swap3A_122], %swap3A_125 {strides = array<i32>} : memref<12x256x64xf32, #tpu.memory_space<vmem>>, vector<1x256x64xf32>,
    %slice3A_126 = vector.extract_strided_slice %dot_general3A_33 {offsets = [0, 320], sizes = [256, 64], strides = [1, 1]} : vector<256x768xf32> to vector<256x64xf32>
    %slice3A_127 = vector.extract_strided_slice %slice3A_126 {offsets = [0, 32], sizes = [256, 32], strides = [1, 1]} : vector<256x64xf32> to vector<256x32xf32>
    %neg3A_128 = arith.constant 0.000000e+00 : f32
    %neg3A_129 = vector.broadcast %neg3A_128 : f32 to vector<256x32xf32>
    %neg3A_130 = arith.subf %neg3A_129, %slice3A_127 : vector<256x32xf32>
    %slice3A_131 = vector.extract_strided_slice %slice3A_126 {offsets = [0, 0], sizes = [256, 32], strides = [1, 1]} : vector<256x64xf32> to vector<256x32xf32>
    %concatenate3A_132 = tpu.concatenate %neg3A_130, %slice3A_131 in 1 : vector<256x32xf32>, vector<256x32xf32> -> vector<256x64xf32>
    %mul3A_133 = arith.mulf %slice3A_126, %get3A_46 : vector<256x64xf32>
    %mul3A_134 = arith.mulf %concatenate3A_132, %get3A_49 : vector<256x64xf32>
    %add3A_135 = arith.addf %mul3A_133, %mul3A_134 : vector<256x64xf32>
    %swap3A_136 = arith.constant 5 : index
    %swap3A_137 = arith.constant 0 : index
    %swap3A_138 = arith.constant 0 : index
    %swap3A_139 = vector.load %arg9[%swap3A_136, %swap3A_137, %swap3A_138] : memref<12x256x64xf32, #tpu.memory_space<vmem>>, vector<1x256x64xf32>
    %swap3A_140 = vector.shape_cast %swap3A_139 : vector<1x256x64xf32> to vector<256x64xf32>
    %swap3A_141 = vector.shape_cast %add3A_135 : vector<256x64xf32> to vector<1x256x64xf32>
    tpu.vector_store %arg9[%swap3A_136, %swap3A_137, %swap3A_138], %swap3A_141 {strides = array<i32>} : memref<12x256x64xf32, #tpu.memory_space<vmem>>, vector<1x256x64xf32>,
    %slice3A_142 = vector.extract_strided_slice %dot_general3A_33 {offsets = [0, 384], sizes = [256, 64], strides = [1, 1]} : vector<256x768xf32> to vector<256x64xf32>
    %slice3A_143 = vector.extract_strided_slice %slice3A_142 {offsets = [0, 32], sizes = [256, 32], strides = [1, 1]} : vector<256x64xf32> to vector<256x32xf32>
    %neg3A_144 = arith.constant 0.000000e+00 : f32
    %neg3A_145 = vector.broadcast %neg3A_144 : f32 to vector<256x32xf32>
    %neg3A_146 = arith.subf %neg3A_145, %slice3A_143 : vector<256x32xf32>
    %slice3A_147 = vector.extract_strided_slice %slice3A_142 {offsets = [0, 0], sizes = [256, 32], strides = [1, 1]} : vector<256x64xf32> to vector<256x32xf32>
    %concatenate3A_148 = tpu.concatenate %neg3A_146, %slice3A_147 in 1 : vector<256x32xf32>, vector<256x32xf32> -> vector<256x64xf32>
    %mul3A_149 = arith.mulf %slice3A_142, %get3A_46 : vector<256x64xf32>
    %mul3A_150 = arith.mulf %concatenate3A_148, %get3A_49 : vector<256x64xf32>
    %add3A_151 = arith.addf %mul3A_149, %mul3A_150 : vector<256x64xf32>
    %swap3A_152 = arith.constant 6 : index
    %swap3A_153 = arith.constant 0 : index
    %swap3A_154 = arith.constant 0 : index
    %swap3A_155 = vector.load %arg9[%swap3A_152, %swap3A_153, %swap3A_154] : memref<12x256x64xf32, #tpu.memory_space<vmem>>, vector<1x256x64xf32>
    %swap3A_156 = vector.shape_cast %swap3A_155 : vector<1x256x64xf32> to vector<256x64xf32>
    %swap3A_157 = vector.shape_cast %add3A_151 : vector<256x64xf32> to vector<1x256x64xf32>
    tpu.vector_store %arg9[%swap3A_152, %swap3A_153, %swap3A_154], %swap3A_157 {strides = array<i32>} : memref<12x256x64xf32, #tpu.memory_space<vmem>>, vector<1x256x64xf32>,
    %slice3A_158 = vector.extract_strided_slice %dot_general3A_33 {offsets = [0, 448], sizes = [256, 64], strides = [1, 1]} : vector<256x768xf32> to vector<256x64xf32>
    %slice3A_159 = vector.extract_strided_slice %slice3A_158 {offsets = [0, 32], sizes = [256, 32], strides = [1, 1]} : vector<256x64xf32> to vector<256x32xf32>
    %neg3A_160 = arith.constant 0.000000e+00 : f32
    %neg3A_161 = vector.broadcast %neg3A_160 : f32 to vector<256x32xf32>
    %neg3A_162 = arith.subf %neg3A_161, %slice3A_159 : vector<256x32xf32>
    %slice3A_163 = vector.extract_strided_slice %slice3A_158 {offsets = [0, 0], sizes = [256, 32], strides = [1, 1]} : vector<256x64xf32> to vector<256x32xf32>
    %concatenate3A_164 = tpu.concatenate %neg3A_162, %slice3A_163 in 1 : vector<256x32xf32>, vector<256x32xf32> -> vector<256x64xf32>
    %mul3A_165 = arith.mulf %slice3A_158, %get3A_46 : vector<256x64xf32>
    %mul3A_166 = arith.mulf %concatenate3A_164, %get3A_49 : vector<256x64xf32>
    %add3A_167 = arith.addf %mul3A_165, %mul3A_166 : vector<256x64xf32>
    %swap3A_168 = arith.constant 7 : index
    %swap3A_169 = arith.constant 0 : index
    %swap3A_170 = arith.constant 0 : index
    %swap3A_171 = vector.load %arg9[%swap3A_168, %swap3A_169, %swap3A_170] : memref<12x256x64xf32, #tpu.memory_space<vmem>>, vector<1x256x64xf32>
    %swap3A_172 = vector.shape_cast %swap3A_171 : vector<1x256x64xf32> to vector<256x64xf32>
    %swap3A_173 = vector.shape_cast %add3A_167 : vector<256x64xf32> to vector<1x256x64xf32>
    tpu.vector_store %arg9[%swap3A_168, %swap3A_169, %swap3A_170], %swap3A_173 {strides = array<i32>} : memref<12x256x64xf32, #tpu.memory_space<vmem>>, vector<1x256x64xf32>,
    %slice3A_174 = vector.extract_strided_slice %dot_general3A_33 {offsets = [0, 512], sizes = [256, 64], strides = [1, 1]} : vector<256x768xf32> to vector<256x64xf32>
    %slice3A_175 = vector.extract_strided_slice %slice3A_174 {offsets = [0, 32], sizes = [256, 32], strides = [1, 1]} : vector<256x64xf32> to vector<256x32xf32>
    %neg3A_176 = arith.constant 0.000000e+00 : f32
    %neg3A_177 = vector.broadcast %neg3A_176 : f32 to vector<256x32xf32>
    %neg3A_178 = arith.subf %neg3A_177, %slice3A_175 : vector<256x32xf32>
    %slice3A_179 = vector.extract_strided_slice %slice3A_174 {offsets = [0, 0], sizes = [256, 32], strides = [1, 1]} : vector<256x64xf32> to vector<256x32xf32>
    %concatenate3A_180 = tpu.concatenate %neg3A_178, %slice3A_179 in 1 : vector<256x32xf32>, vector<256x32xf32> -> vector<256x64xf32>
    %mul3A_181 = arith.mulf %slice3A_174, %get3A_46 : vector<256x64xf32>
    %mul3A_182 = arith.mulf %concatenate3A_180, %get3A_49 : vector<256x64xf32>
    %add3A_183 = arith.addf %mul3A_181, %mul3A_182 : vector<256x64xf32>
    %swap3A_184 = arith.constant 8 : index
    %swap3A_185 = arith.constant 0 : index
    %swap3A_186 = arith.constant 0 : index
    %swap3A_187 = vector.load %arg9[%swap3A_184, %swap3A_185, %swap3A_186] : memref<12x256x64xf32, #tpu.memory_space<vmem>>, vector<1x256x64xf32>
    %swap3A_188 = vector.shape_cast %swap3A_187 : vector<1x256x64xf32> to vector<256x64xf32>
    %swap3A_189 = vector.shape_cast %add3A_183 : vector<256x64xf32> to vector<1x256x64xf32>
    tpu.vector_store %arg9[%swap3A_184, %swap3A_185, %swap3A_186], %swap3A_189 {strides = array<i32>} : memref<12x256x64xf32, #tpu.memory_space<vmem>>, vector<1x256x64xf32>,
    %slice3A_190 = vector.extract_strided_slice %dot_general3A_33 {offsets = [0, 576], sizes = [256, 64], strides = [1, 1]} : vector<256x768xf32> to vector<256x64xf32>
    %slice3A_191 = vector.extract_strided_slice %slice3A_190 {offsets = [0, 32], sizes = [256, 32], strides = [1, 1]} : vector<256x64xf32> to vector<256x32xf32>
    %neg3A_192 = arith.constant 0.000000e+00 : f32
    %neg3A_193 = vector.broadcast %neg3A_192 : f32 to vector<256x32xf32>
    %neg3A_194 = arith.subf %neg3A_193, %slice3A_191 : vector<256x32xf32>
    %slice3A_195 = vector.extract_strided_slice %slice3A_190 {offsets = [0, 0], sizes = [256, 32], strides = [1, 1]} : vector<256x64xf32> to vector<256x32xf32>
    %concatenate3A_196 = tpu.concatenate %neg3A_194, %slice3A_195 in 1 : vector<256x32xf32>, vector<256x32xf32> -> vector<256x64xf32>
    %mul3A_197 = arith.mulf %slice3A_190, %get3A_46 : vector<256x64xf32>
    %mul3A_198 = arith.mulf %concatenate3A_196, %get3A_49 : vector<256x64xf32>
    %add3A_199 = arith.addf %mul3A_197, %mul3A_198 : vector<256x64xf32>
    %swap3A_200 = arith.constant 9 : index
    %swap3A_201 = arith.constant 0 : index
    %swap3A_202 = arith.constant 0 : index
    %swap3A_203 = vector.load %arg9[%swap3A_200, %swap3A_201, %swap3A_202] : memref<12x256x64xf32, #tpu.memory_space<vmem>>, vector<1x256x64xf32>
    %swap3A_204 = vector.shape_cast %swap3A_203 : vector<1x256x64xf32> to vector<256x64xf32>
    %swap3A_205 = vector.shape_cast %add3A_199 : vector<256x64xf32> to vector<1x256x64xf32>
    tpu.vector_store %arg9[%swap3A_200, %swap3A_201, %swap3A_202], %swap3A_205 {strides = array<i32>} : memref<12x256x64xf32, #tpu.memory_space<vmem>>, vector<1x256x64xf32>,
    %slice3A_206 = vector.extract_strided_slice %dot_general3A_33 {offsets = [0, 640], sizes = [256, 64], strides = [1, 1]} : vector<256x768xf32> to vector<256x64xf32>
    %slice3A_207 = vector.extract_strided_slice %slice3A_206 {offsets = [0, 32], sizes = [256, 32], strides = [1, 1]} : vector<256x64xf32> to vector<256x32xf32>
    %neg3A_208 = arith.constant 0.000000e+00 : f32
    %neg3A_209 = vector.broadcast %neg3A_208 : f32 to vector<256x32xf32>
    %neg3A_210 = arith.subf %neg3A_209, %slice3A_207 : vector<256x32xf32>
    %slice3A_211 = vector.extract_strided_slice %slice3A_206 {offsets = [0, 0], sizes = [256, 32], strides = [1, 1]} : vector<256x64xf32> to vector<256x32xf32>
    %concatenate3A_212 = tpu.concatenate %neg3A_210, %slice3A_211 in 1 : vector<256x32xf32>, vector<256x32xf32> -> vector<256x64xf32>
    %mul3A_213 = arith.mulf %slice3A_206, %get3A_46 : vector<256x64xf32>
    %mul3A_214 = arith.mulf %concatenate3A_212, %get3A_49 : vector<256x64xf32>
    %add3A_215 = arith.addf %mul3A_213, %mul3A_214 : vector<256x64xf32>
    %swap3A_216 = arith.constant 10 : index
    %swap3A_217 = arith.constant 0 : index
    %swap3A_218 = arith.constant 0 : index
    %swap3A_219 = vector.load %arg9[%swap3A_216, %swap3A_217, %swap3A_218] : memref<12x256x64xf32, #tpu.memory_space<vmem>>, vector<1x256x64xf32>
    %swap3A_220 = vector.shape_cast %swap3A_219 : vector<1x256x64xf32> to vector<256x64xf32>
    %swap3A_221 = vector.shape_cast %add3A_215 : vector<256x64xf32> to vector<1x256x64xf32>
    tpu.vector_store %arg9[%swap3A_216, %swap3A_217, %swap3A_218], %swap3A_221 {strides = array<i32>} : memref<12x256x64xf32, #tpu.memory_space<vmem>>, vector<1x256x64xf32>,
    %slice3A_222 = vector.extract_strided_slice %dot_general3A_33 {offsets = [0, 704], sizes = [256, 64], strides = [1, 1]} : vector<256x768xf32> to vector<256x64xf32>
    %slice3A_223 = vector.extract_strided_slice %slice3A_222 {offsets = [0, 32], sizes = [256, 32], strides = [1, 1]} : vector<256x64xf32> to vector<256x32xf32>
    %neg3A_224 = arith.constant 0.000000e+00 : f32
    %neg3A_225 = vector.broadcast %neg3A_224 : f32 to vector<256x32xf32>
    %neg3A_226 = arith.subf %neg3A_225, %slice3A_223 : vector<256x32xf32>
    %slice3A_227 = vector.extract_strided_slice %slice3A_222 {offsets = [0, 0], sizes = [256, 32], strides = [1, 1]} : vector<256x64xf32> to vector<256x32xf32>
    %concatenate3A_228 = tpu.concatenate %neg3A_226, %slice3A_227 in 1 : vector<256x32xf32>, vector<256x32xf32> -> vector<256x64xf32>
    %mul3A_229 = arith.mulf %slice3A_222, %get3A_46 : vector<256x64xf32>
    %mul3A_230 = arith.mulf %concatenate3A_228, %get3A_49 : vector<256x64xf32>
    %add3A_231 = arith.addf %mul3A_229, %mul3A_230 : vector<256x64xf32>
    %swap3A_232 = arith.constant 11 : index
    %swap3A_233 = arith.constant 0 : index
    %swap3A_234 = arith.constant 0 : index
    %swap3A_235 = vector.load %arg9[%swap3A_232, %swap3A_233, %swap3A_234] : memref<12x256x64xf32, #tpu.memory_space<vmem>>, vector<1x256x64xf32>
    %swap3A_236 = vector.shape_cast %swap3A_235 : vector<1x256x64xf32> to vector<256x64xf32>
    %swap3A_237 = vector.shape_cast %add3A_231 : vector<256x64xf32> to vector<1x256x64xf32>
    tpu.vector_store %arg9[%swap3A_232, %swap3A_233, %swap3A_234], %swap3A_237 {strides = array<i32>} : memref<12x256x64xf32, #tpu.memory_space<vmem>>, vector<1x256x64xf32>,
    %slice3A_238 = vector.extract_strided_slice %dot_general3A_38 {offsets = [0, 0], sizes = [256, 64], strides = [1, 1]} : vector<256x128xf32> to vector<256x64xf32>
    %slice3A_239 = vector.extract_strided_slice %slice3A_238 {offsets = [0, 32], sizes = [256, 32], strides = [1, 1]} : vector<256x64xf32> to vector<256x32xf32>
    %neg3A_240 = arith.constant 0.000000e+00 : f32
    %neg3A_241 = vector.broadcast %neg3A_240 : f32 to vector<256x32xf32>
    %neg3A_242 = arith.subf %neg3A_241, %slice3A_239 : vector<256x32xf32>
    %slice3A_243 = vector.extract_strided_slice %slice3A_238 {offsets = [0, 0], sizes = [256, 32], strides = [1, 1]} : vector<256x64xf32> to vector<256x32xf32>
    %concatenate3A_244 = tpu.concatenate %neg3A_242, %slice3A_243 in 1 : vector<256x32xf32>, vector<256x32xf32> -> vector<256x64xf32>
    %mul3A_245 = arith.mulf %slice3A_238, %get3A_46 : vector<256x64xf32>
    %mul3A_246 = arith.mulf %concatenate3A_244, %get3A_49 : vector<256x64xf32>
    %add3A_247 = arith.addf %mul3A_245, %mul3A_246 : vector<256x64xf32>
    %swap3A_248 = arith.constant 0 : index
    %swap3A_249 = arith.constant 0 : index
    %swap3A_250 = arith.constant 0 : index
    %swap3A_251 = vector.load %arg10[%swap3A_248, %swap3A_249, %swap3A_250] : memref<2x256x64xf32, #tpu.memory_space<vmem>>, vector<1x256x64xf32>
    %swap3A_252 = vector.shape_cast %swap3A_251 : vector<1x256x64xf32> to vector<256x64xf32>
    %swap3A_253 = vector.shape_cast %add3A_247 : vector<256x64xf32> to vector<1x256x64xf32>
    tpu.vector_store %arg10[%swap3A_248, %swap3A_249, %swap3A_250], %swap3A_253 {strides = array<i32>} : memref<2x256x64xf32, #tpu.memory_space<vmem>>, vector<1x256x64xf32>,
    %slice3A_254 = vector.extract_strided_slice %dot_general3A_43 {offsets = [0, 0], sizes = [256, 64], strides = [1, 1]} : vector<256x128xf32> to vector<256x64xf32>
    %swap3A_255 = arith.constant 0 : index
    %swap3A_256 = arith.constant 0 : index
    %swap3A_257 = arith.constant 0 : index
    %swap3A_258 = vector.load %arg11[%swap3A_255, %swap3A_256, %swap3A_257] : memref<2x256x64xf32, #tpu.memory_space<vmem>>, vector<1x256x64xf32>
    %swap3A_259 = vector.shape_cast %swap3A_258 : vector<1x256x64xf32> to vector<256x64xf32>
    %swap3A_260 = vector.shape_cast %slice3A_254 : vector<256x64xf32> to vector<1x256x64xf32>
    tpu.vector_store %arg11[%swap3A_255, %swap3A_256, %swap3A_257], %swap3A_260 {strides = array<i32>} : memref<2x256x64xf32, #tpu.memory_space<vmem>>, vector<1x256x64xf32>,
    %slice3A_261 = vector.extract_strided_slice %dot_general3A_38 {offsets = [0, 64], sizes = [256, 64], strides = [1, 1]} : vector<256x128xf32> to vector<256x64xf32>
    %slice3A_262 = vector.extract_strided_slice %slice3A_261 {offsets = [0, 32], sizes = [256, 32], strides = [1, 1]} : vector<256x64xf32> to vector<256x32xf32>
    %neg3A_263 = arith.constant 0.000000e+00 : f32
    %neg3A_264 = vector.broadcast %neg3A_263 : f32 to vector<256x32xf32>
    %neg3A_265 = arith.subf %neg3A_264, %slice3A_262 : vector<256x32xf32>
    %slice3A_266 = vector.extract_strided_slice %slice3A_261 {offsets = [0, 0], sizes = [256, 32], strides = [1, 1]} : vector<256x64xf32> to vector<256x32xf32>
    %concatenate3A_267 = tpu.concatenate %neg3A_265, %slice3A_266 in 1 : vector<256x32xf32>, vector<256x32xf32> -> vector<256x64xf32>
    %mul3A_268 = arith.mulf %slice3A_261, %get3A_46 : vector<256x64xf32>
    %mul3A_269 = arith.mulf %concatenate3A_267, %get3A_49 : vector<256x64xf32>
    %add3A_270 = arith.addf %mul3A_268, %mul3A_269 : vector<256x64xf32>
    %swap3A_271 = arith.constant 1 : index
    %swap3A_272 = arith.constant 0 : index
    %swap3A_273 = arith.constant 0 : index
    %swap3A_274 = vector.load %arg10[%swap3A_271, %swap3A_272, %swap3A_273] : memref<2x256x64xf32, #tpu.memory_space<vmem>>, vector<1x256x64xf32>
    %swap3A_275 = vector.shape_cast %swap3A_274 : vector<1x256x64xf32> to vector<256x64xf32>
    %swap3A_276 = vector.shape_cast %add3A_270 : vector<256x64xf32> to vector<1x256x64xf32>
    tpu.vector_store %arg10[%swap3A_271, %swap3A_272, %swap3A_273], %swap3A_276 {strides = array<i32>} : memref<2x256x64xf32, #tpu.memory_space<vmem>>, vector<1x256x64xf32>,
    %slice3A_277 = vector.extract_strided_slice %dot_general3A_43 {offsets = [0, 64], sizes = [256, 64], strides = [1, 1]} : vector<256x128xf32> to vector<256x64xf32>
    %swap3A_278 = arith.constant 1 : index
    %swap3A_279 = arith.constant 0 : index
    %swap3A_280 = arith.constant 0 : index
    %swap3A_281 = vector.load %arg11[%swap3A_278, %swap3A_279, %swap3A_280] : memref<2x256x64xf32, #tpu.memory_space<vmem>>, vector<1x256x64xf32>
    %swap3A_282 = vector.shape_cast %swap3A_281 : vector<1x256x64xf32> to vector<256x64xf32>
    %swap3A_283 = vector.shape_cast %slice3A_277 : vector<256x64xf32> to vector<1x256x64xf32>
    tpu.vector_store %arg11[%swap3A_278, %swap3A_279, %swap3A_280], %swap3A_283 {strides = array<i32>} : memref<2x256x64xf32, #tpu.memory_space<vmem>>, vector<1x256x64xf32>,
    return
  }
  func.func @transform_0(%arg0: i32) -> (i32, i32) {
    %c0_i32 = arith.constant 0 : i32
    %c0_i32_0 = arith.constant 0 : i32
    return %arg0, %c0_i32 : i32, i32
  }
  func.func @transform_1(%arg0: i32) -> (i32, i32) {
    %c0_i32 = arith.constant 0 : i32
    %c0_i32_0 = arith.constant 0 : i32
    %c0_i32_1 = arith.constant 0 : i32
    return %c0_i32, %c0_i32_0 : i32, i32
  }
  func.func @transform_2(%arg0: i32) -> (i32, i32) {
    %c0_i32 = arith.constant 0 : i32
    %c0_i32_0 = arith.constant 0 : i32
    %c0_i32_1 = arith.constant 0 : i32
    return %c0_i32, %c0_i32_0 : i32, i32
  }
  func.func @transform_3(%arg0: i32) -> (i32, i32) {
    %c0_i32 = arith.constant 0 : i32
    %c0_i32_0 = arith.constant 0 : i32
    %c0_i32_1 = arith.constant 0 : i32
    return %c0_i32, %c0_i32_0 : i32, i32
  }
  func.func @transform_4(%arg0: i32) -> (i32, i32) {
    %c0_i32 = arith.constant 0 : i32
    %c0_i32_0 = arith.constant 0 : i32
    %c0_i32_1 = arith.constant 0 : i32
    return %c0_i32, %c0_i32_0 : i32, i32
  }
  func.func @transform_5(%arg0: i32) -> (i32, i32) {
    %c0_i32 = arith.constant 0 : i32
    %c0_i32_0 = arith.constant 0 : i32
    %c0_i32_1 = arith.constant 0 : i32
    return %c0_i32, %c0_i32_0 : i32, i32
  }
  func.func @transform_6(%arg0: i32) -> (i32, i32) {
    %c0_i32 = arith.constant 0 : i32
    %c0_i32_0 = arith.constant 0 : i32
    return %arg0, %c0_i32 : i32, i32
  }
  func.func @transform_7(%arg0: i32) -> (i32, i32) {
    %c0_i32 = arith.constant 0 : i32
    %c0_i32_0 = arith.constant 0 : i32
    return %arg0, %c0_i32 : i32, i32
  }
  func.func @transform_8(%arg0: i32) -> (i32, i32, i32) {
    %c0_i32 = arith.constant 0 : i32
    %c0_i32_0 = arith.constant 0 : i32
    %c0_i32_1 = arith.constant 0 : i32
    return %c0_i32, %arg0, %c0_i32_0 : i32, i32, i32
  }
  func.func @transform_9(%arg0: i32) -> (i32, i32, i32) {
    %c0_i32 = arith.constant 0 : i32
    %c0_i32_0 = arith.constant 0 : i32
    %c0_i32_1 = arith.constant 0 : i32
    return %c0_i32, %arg0, %c0_i32_0 : i32, i32, i32
  }
  func.func @transform_10(%arg0: i32) -> (i32, i32, i32) {
    %c0_i32 = arith.constant 0 : i32
    %c0_i32_0 = arith.constant 0 : i32
    %c0_i32_1 = arith.constant 0 : i32
    return %c0_i32, %arg0, %c0_i32_0 : i32, i32, i32
  }
}

module attributes {stable_mosaic.version = 14 : i64} {
  func.func @_attn_body(%arg0: i32, %arg1: i32, %arg2: memref<1x256x64xf32, #tpu.memory_space<vmem>>, %arg3: memref<1x2048x64xf32, #tpu.memory_space<vmem>>, %arg4: memref<1x2048x64xf32, #tpu.memory_space<vmem>>, %arg5: memref<1x256x64xf32, #tpu.memory_space<vmem>>) attributes {dimension_semantics = [#tpu.dimension_semantics<arbitrary>, #tpu.dimension_semantics<arbitrary>], iteration_bounds = array<i64: 12, 8>, scalar_prefetch = 0 : i64, scratch_operands = 0 : i64, tpu.core_type = #tpu.core_type<tc>, window_params = [{transform_indices = @transform_0, window_bounds = array<i64: 1, 256, 64>}, {transform_indices = @transform_1, window_bounds = array<i64: 1, 2048, 64>}, {transform_indices = @transform_2, window_bounds = array<i64: 1, 2048, 64>}, {transform_indices = @transform_3, window_bounds = array<i64: 1, 256, 64>}]} {
    %get3A = arith.constant 0 : index
    %get3A_0 = arith.constant 0 : index
    %get3A_1 = arith.constant 0 : index
    %get3A_2 = vector.load %arg2[%get3A, %get3A_0, %get3A_1] : memref<1x256x64xf32, #tpu.memory_space<vmem>>, vector<1x256x64xf32>
    %get3A_3 = vector.shape_cast %get3A_2 : vector<1x256x64xf32> to vector<256x64xf32>
    %get3A_4 = arith.constant 0 : index
    %get3A_5 = arith.constant 0 : index
    %get3A_6 = arith.constant 0 : index
    %get3A_7 = vector.load %arg3[%get3A_4, %get3A_5, %get3A_6] : memref<1x2048x64xf32, #tpu.memory_space<vmem>>, vector<1x2048x64xf32>
    %get3A_8 = vector.shape_cast %get3A_7 : vector<1x2048x64xf32> to vector<2048x64xf32>
    %dot_general3A = arith.constant dense<0.000000e+00> : vector<256x2048xf32>
    %dot_general3A_9 = tpu.matmul %get3A_3, %get3A_8, %dot_general3A {dimension_numbers = #tpu.dot_dimension_numbers<[1], [1], [0], [0], [0, 0, 1, 0], [], []>, transpose_lhs_hint = false} : vector<256x64xf32>, vector<2048x64xf32>, vector<256x2048xf32> -> vector<256x2048xf32>
    %mul3A = arith.constant 1.250000e-01 : f32
    %mul3A_10 = vector.broadcast %mul3A : f32 to vector<256x2048xf32>
    %mul3A_11 = arith.mulf %dot_general3A_9, %mul3A_10 : vector<256x2048xf32>
    %mul3A_12 = arith.constant 256 : i32
    %mul3A_13 = arith.muli %arg1, %mul3A_12 : i32
    %iota3A = tpu.iota {dimensions = array<i32: 0>} : vector<256x2048xi32>
    %add3A = vector.broadcast %mul3A_13 : i32 to vector<256x2048xi32>
    %add3A_14 = arith.addi %add3A, %iota3A : vector<256x2048xi32>
    %iota3A_15 = tpu.iota {dimensions = array<i32: 1>} : vector<256x2048xi32>
    %le3A = arith.cmpi sle, %iota3A_15, %add3A_14 : vector<256x2048xi32>
    %jit3A = arith.constant -1.000000e+30 : f32
    %broadcast_in_dim3A = vector.broadcast %jit3A : f32 to vector<256x2048xf32>
    %select_n3A = arith.select %le3A, %mul3A_11, %broadcast_in_dim3A : vector<256x2048xi1>, vector<256x2048xf32>
    %reduce_max3A = arith.constant dense<0xFF800000> : vector<256xf32>
    %reduce_max3A_16 = vector.multi_reduction <maximumf>, %select_n3A, %reduce_max3A [1] : vector<256x2048xf32> to vector<256xf32>
    %broadcast_in_dim3A_17 = vector.shape_cast %reduce_max3A_16 : vector<256xf32> to vector<256x1xf32>
    %sub3A = vector.broadcast %broadcast_in_dim3A_17 : vector<256x1xf32> to vector<256x2048xf32>
    %sub3A_18 = arith.subf %select_n3A, %sub3A : vector<256x2048xf32>
    %exp3A = math.exp %sub3A_18 : vector<256x2048xf32>
    %reduce_sum3A = arith.constant dense<0.000000e+00> : vector<256xf32>
    %reduce_sum3A_19 = vector.multi_reduction <add>, %exp3A, %reduce_sum3A [1] : vector<256x2048xf32> to vector<256xf32>
    %broadcast_in_dim3A_20 = vector.shape_cast %reduce_sum3A_19 : vector<256xf32> to vector<256x1xf32>
    %div3A = vector.broadcast %broadcast_in_dim3A_20 : vector<256x1xf32> to vector<256x2048xf32>
    %div3A_21 = arith.divf %exp3A, %div3A : vector<256x2048xf32>
    %get3A_22 = arith.constant 0 : index
    %get3A_23 = arith.constant 0 : index
    %get3A_24 = arith.constant 0 : index
    %get3A_25 = vector.load %arg4[%get3A_22, %get3A_23, %get3A_24] : memref<1x2048x64xf32, #tpu.memory_space<vmem>>, vector<1x2048x64xf32>
    %get3A_26 = vector.shape_cast %get3A_25 : vector<1x2048x64xf32> to vector<2048x64xf32>
    %dot_general3A_27 = arith.constant dense<0.000000e+00> : vector<256x64xf32>
    %dot_general3A_28 = tpu.matmul %div3A_21, %get3A_26, %dot_general3A_27 {dimension_numbers = #tpu.dot_dimension_numbers<[1], [0], [0], [1], [0, 0, 1, 1], [], []>, transpose_lhs_hint = false} : vector<256x2048xf32>, vector<2048x64xf32>, vector<256x64xf32> -> vector<256x64xf32>
    %swap3A = arith.constant 0 : index
    %swap3A_29 = arith.constant 0 : index
    %swap3A_30 = arith.constant 0 : index
    %swap3A_31 = vector.load %arg5[%swap3A, %swap3A_29, %swap3A_30] : memref<1x256x64xf32, #tpu.memory_space<vmem>>, vector<1x256x64xf32>
    %swap3A_32 = vector.shape_cast %swap3A_31 : vector<1x256x64xf32> to vector<256x64xf32>
    %swap3A_33 = vector.shape_cast %dot_general3A_28 : vector<256x64xf32> to vector<1x256x64xf32>
    tpu.vector_store %arg5[%swap3A, %swap3A_29, %swap3A_30], %swap3A_33 {strides = array<i32>} : memref<1x256x64xf32, #tpu.memory_space<vmem>>, vector<1x256x64xf32>,
    return
  }
  func.func @transform_0(%arg0: i32, %arg1: i32) -> (i32, i32, i32) {
    %c0_i32 = arith.constant 0 : i32
    %c0_i32_0 = arith.constant 0 : i32
    return %arg0, %arg1, %c0_i32 : i32, i32, i32
  }
  func.func @transform_1(%arg0: i32, %arg1: i32) -> (i32, i32, i32) {
    %jit3A = arith.constant 6 : i32
    %div3A = arith.divsi %arg0, %jit3A : i32
    %sign3A = arith.constant 0 : i32
    %sign3A_0 = arith.cmpi sgt, %arg0, %sign3A : i32
    %sign3A_1 = arith.extui %sign3A_0 : i1 to i32
    %sign3A_2 = arith.constant 0 : i32
    %sign3A_3 = arith.cmpi slt, %arg0, %sign3A_2 : i32
    %sign3A_4 = arith.extui %sign3A_3 : i1 to i32
    %sign3A_5 = arith.subi %sign3A_1, %sign3A_4 : i32
    %sign3A_6 = arith.constant 0 : i32
    %sign3A_7 = arith.cmpi sgt, %jit3A, %sign3A_6 : i32
    %sign3A_8 = arith.extui %sign3A_7 : i1 to i32
    %sign3A_9 = arith.constant 0 : i32
    %sign3A_10 = arith.cmpi slt, %jit3A, %sign3A_9 : i32
    %sign3A_11 = arith.extui %sign3A_10 : i1 to i32
    %sign3A_12 = arith.subi %sign3A_8, %sign3A_11 : i32
    %ne3A = arith.cmpi ne, %sign3A_5, %sign3A_12 : i32
    %rem3A = arith.remsi %arg0, %jit3A : i32
    %ne3A_13 = arith.constant 0 : i32
    %ne3A_14 = arith.cmpi ne, %rem3A, %ne3A_13 : i32
    %and3A = arith.andi %ne3A, %ne3A_14 : i1
    %sub3A = arith.constant 1 : i32
    %sub3A_15 = arith.subi %div3A, %sub3A : i32
    %select_n3A = arith.select %and3A, %sub3A_15, %div3A : i32
    %c0_i32 = arith.constant 0 : i32
    %c0_i32_16 = arith.constant 0 : i32
    %c0_i32_17 = arith.constant 0 : i32
    return %select_n3A, %c0_i32, %c0_i32_16 : i32, i32, i32
  }
  func.func @transform_2(%arg0: i32, %arg1: i32) -> (i32, i32, i32) {
    %jit3A = arith.constant 6 : i32
    %div3A = arith.divsi %arg0, %jit3A : i32
    %sign3A = arith.constant 0 : i32
    %sign3A_0 = arith.cmpi sgt, %arg0, %sign3A : i32
    %sign3A_1 = arith.extui %sign3A_0 : i1 to i32
    %sign3A_2 = arith.constant 0 : i32
    %sign3A_3 = arith.cmpi slt, %arg0, %sign3A_2 : i32
    %sign3A_4 = arith.extui %sign3A_3 : i1 to i32
    %sign3A_5 = arith.subi %sign3A_1, %sign3A_4 : i32
    %sign3A_6 = arith.constant 0 : i32
    %sign3A_7 = arith.cmpi sgt, %jit3A, %sign3A_6 : i32
    %sign3A_8 = arith.extui %sign3A_7 : i1 to i32
    %sign3A_9 = arith.constant 0 : i32
    %sign3A_10 = arith.cmpi slt, %jit3A, %sign3A_9 : i32
    %sign3A_11 = arith.extui %sign3A_10 : i1 to i32
    %sign3A_12 = arith.subi %sign3A_8, %sign3A_11 : i32
    %ne3A = arith.cmpi ne, %sign3A_5, %sign3A_12 : i32
    %rem3A = arith.remsi %arg0, %jit3A : i32
    %ne3A_13 = arith.constant 0 : i32
    %ne3A_14 = arith.cmpi ne, %rem3A, %ne3A_13 : i32
    %and3A = arith.andi %ne3A, %ne3A_14 : i1
    %sub3A = arith.constant 1 : i32
    %sub3A_15 = arith.subi %div3A, %sub3A : i32
    %select_n3A = arith.select %and3A, %sub3A_15, %div3A : i32
    %c0_i32 = arith.constant 0 : i32
    %c0_i32_16 = arith.constant 0 : i32
    %c0_i32_17 = arith.constant 0 : i32
    return %select_n3A, %c0_i32, %c0_i32_16 : i32, i32, i32
  }
  func.func @transform_3(%arg0: i32, %arg1: i32) -> (i32, i32, i32) {
    %c0_i32 = arith.constant 0 : i32
    %c0_i32_0 = arith.constant 0 : i32
    return %arg0, %arg1, %c0_i32 : i32, i32, i32
  }
}

module attributes {stable_mosaic.version = 14 : i64} {
  func.func @_post_body(%arg0: i32, %arg1: memref<12x256x64xf32, #tpu.memory_space<vmem>>, %arg2: memref<256x768xf32, #tpu.memory_space<vmem>>, %arg3: memref<768x768xf32, #tpu.memory_space<vmem>>, %arg4: memref<1x768xf32, #tpu.memory_space<vmem>>, %arg5: memref<1x768xf32, #tpu.memory_space<vmem>>, %arg6: memref<768x8xf32, #tpu.memory_space<vmem>>, %arg7: memref<256x768xf32, #tpu.memory_space<vmem>>, %arg8: memref<256x768xf32, #tpu.memory_space<vmem>>, %arg9: memref<256x768xf32, #tpu.memory_space<vmem>>, %arg10: memref<1x256x2xi32, #tpu.memory_space<vmem>>, %arg11: memref<256x128xf32, #tpu.memory_space<vmem>>, %arg12: memref<256x128xf32, #tpu.memory_space<vmem>>) attributes {dimension_semantics = [#tpu.dimension_semantics<arbitrary>], iteration_bounds = array<i64: 8>, scalar_prefetch = 0 : i64, scratch_operands = 0 : i64, tpu.core_type = #tpu.core_type<tc>, window_params = [{transform_indices = @transform_0, window_bounds = array<i64: 12, 256, 64>}, {transform_indices = @transform_1, window_bounds = array<i64: 256, 768>}, {pipeline_mode = #tpu.pipeline_mode<synchronous>, transform_indices = @transform_2, window_bounds = array<i64: 768, 768>}, {pipeline_mode = #tpu.pipeline_mode<synchronous>, transform_indices = @transform_3, window_bounds = array<i64: 1, 768>}, {pipeline_mode = #tpu.pipeline_mode<synchronous>, transform_indices = @transform_4, window_bounds = array<i64: 1, 768>}, {pipeline_mode = #tpu.pipeline_mode<synchronous>, transform_indices = @transform_5, window_bounds = array<i64: 768, 8>}, {transform_indices = @transform_6, window_bounds = array<i64: 256, 768>}, {transform_indices = @transform_7, window_bounds = array<i64: 256, 768>}, {transform_indices = @transform_8, window_bounds = array<i64: 256, 768>}, {transform_indices = @transform_9, window_bounds = array<i64: 1, 256, 2>}, {transform_indices = @transform_10, window_bounds = array<i64: 256, 128>}, {transform_indices = @transform_11, window_bounds = array<i64: 256, 128>}]} {
    %get3A = arith.constant 0 : index
    %get3A_0 = arith.constant 0 : index
    %get3A_1 = arith.constant 0 : index
    %get3A_2 = vector.load %arg1[%get3A, %get3A_0, %get3A_1] : memref<12x256x64xf32, #tpu.memory_space<vmem>>, vector<1x256x64xf32>
    %get3A_3 = vector.shape_cast %get3A_2 : vector<1x256x64xf32> to vector<256x64xf32>
    %get3A_4 = arith.constant 1 : index
    %get3A_5 = arith.constant 0 : index
    %get3A_6 = arith.constant 0 : index
    %get3A_7 = vector.load %arg1[%get3A_4, %get3A_5, %get3A_6] : memref<12x256x64xf32, #tpu.memory_space<vmem>>, vector<1x256x64xf32>
    %get3A_8 = vector.shape_cast %get3A_7 : vector<1x256x64xf32> to vector<256x64xf32>
    %get3A_9 = arith.constant 2 : index
    %get3A_10 = arith.constant 0 : index
    %get3A_11 = arith.constant 0 : index
    %get3A_12 = vector.load %arg1[%get3A_9, %get3A_10, %get3A_11] : memref<12x256x64xf32, #tpu.memory_space<vmem>>, vector<1x256x64xf32>
    %get3A_13 = vector.shape_cast %get3A_12 : vector<1x256x64xf32> to vector<256x64xf32>
    %get3A_14 = arith.constant 3 : index
    %get3A_15 = arith.constant 0 : index
    %get3A_16 = arith.constant 0 : index
    %get3A_17 = vector.load %arg1[%get3A_14, %get3A_15, %get3A_16] : memref<12x256x64xf32, #tpu.memory_space<vmem>>, vector<1x256x64xf32>
    %get3A_18 = vector.shape_cast %get3A_17 : vector<1x256x64xf32> to vector<256x64xf32>
    %get3A_19 = arith.constant 4 : index
    %get3A_20 = arith.constant 0 : index
    %get3A_21 = arith.constant 0 : index
    %get3A_22 = vector.load %arg1[%get3A_19, %get3A_20, %get3A_21] : memref<12x256x64xf32, #tpu.memory_space<vmem>>, vector<1x256x64xf32>
    %get3A_23 = vector.shape_cast %get3A_22 : vector<1x256x64xf32> to vector<256x64xf32>
    %get3A_24 = arith.constant 5 : index
    %get3A_25 = arith.constant 0 : index
    %get3A_26 = arith.constant 0 : index
    %get3A_27 = vector.load %arg1[%get3A_24, %get3A_25, %get3A_26] : memref<12x256x64xf32, #tpu.memory_space<vmem>>, vector<1x256x64xf32>
    %get3A_28 = vector.shape_cast %get3A_27 : vector<1x256x64xf32> to vector<256x64xf32>
    %get3A_29 = arith.constant 6 : index
    %get3A_30 = arith.constant 0 : index
    %get3A_31 = arith.constant 0 : index
    %get3A_32 = vector.load %arg1[%get3A_29, %get3A_30, %get3A_31] : memref<12x256x64xf32, #tpu.memory_space<vmem>>, vector<1x256x64xf32>
    %get3A_33 = vector.shape_cast %get3A_32 : vector<1x256x64xf32> to vector<256x64xf32>
    %get3A_34 = arith.constant 7 : index
    %get3A_35 = arith.constant 0 : index
    %get3A_36 = arith.constant 0 : index
    %get3A_37 = vector.load %arg1[%get3A_34, %get3A_35, %get3A_36] : memref<12x256x64xf32, #tpu.memory_space<vmem>>, vector<1x256x64xf32>
    %get3A_38 = vector.shape_cast %get3A_37 : vector<1x256x64xf32> to vector<256x64xf32>
    %get3A_39 = arith.constant 8 : index
    %get3A_40 = arith.constant 0 : index
    %get3A_41 = arith.constant 0 : index
    %get3A_42 = vector.load %arg1[%get3A_39, %get3A_40, %get3A_41] : memref<12x256x64xf32, #tpu.memory_space<vmem>>, vector<1x256x64xf32>
    %get3A_43 = vector.shape_cast %get3A_42 : vector<1x256x64xf32> to vector<256x64xf32>
    %get3A_44 = arith.constant 9 : index
    %get3A_45 = arith.constant 0 : index
    %get3A_46 = arith.constant 0 : index
    %get3A_47 = vector.load %arg1[%get3A_44, %get3A_45, %get3A_46] : memref<12x256x64xf32, #tpu.memory_space<vmem>>, vector<1x256x64xf32>
    %get3A_48 = vector.shape_cast %get3A_47 : vector<1x256x64xf32> to vector<256x64xf32>
    %get3A_49 = arith.constant 10 : index
    %get3A_50 = arith.constant 0 : index
    %get3A_51 = arith.constant 0 : index
    %get3A_52 = vector.load %arg1[%get3A_49, %get3A_50, %get3A_51] : memref<12x256x64xf32, #tpu.memory_space<vmem>>, vector<1x256x64xf32>
    %get3A_53 = vector.shape_cast %get3A_52 : vector<1x256x64xf32> to vector<256x64xf32>
    %get3A_54 = arith.constant 11 : index
    %get3A_55 = arith.constant 0 : index
    %get3A_56 = arith.constant 0 : index
    %get3A_57 = vector.load %arg1[%get3A_54, %get3A_55, %get3A_56] : memref<12x256x64xf32, #tpu.memory_space<vmem>>, vector<1x256x64xf32>
    %get3A_58 = vector.shape_cast %get3A_57 : vector<1x256x64xf32> to vector<256x64xf32>
    %concatenate3A = tpu.concatenate %get3A_3, %get3A_8, %get3A_13, %get3A_18, %get3A_23, %get3A_28, %get3A_33, %get3A_38, %get3A_43, %get3A_48, %get3A_53, %get3A_58 in 1 : vector<256x64xf32>, vector<256x64xf32>, vector<256x64xf32>, vector<256x64xf32>, vector<256x64xf32>, vector<256x64xf32>, vector<256x64xf32>, vector<256x64xf32>, vector<256x64xf32>, vector<256x64xf32>, vector<256x64xf32>, vector<256x64xf32> -> vector<256x768xf32>
    %get3A_59 = arith.constant 0 : index
    %get3A_60 = arith.constant 0 : index
    %get3A_61 = vector.load %arg3[%get3A_59, %get3A_60] : memref<768x768xf32, #tpu.memory_space<vmem>>, vector<768x768xf32>
    %dot_general3A = arith.constant dense<0.000000e+00> : vector<256x768xf32>
    %dot_general3A_62 = tpu.matmul %concatenate3A, %get3A_61, %dot_general3A {dimension_numbers = #tpu.dot_dimension_numbers<[1], [0], [0], [1], [0, 0, 1, 1], [], []>, transpose_lhs_hint = false} : vector<256x768xf32>, vector<768x768xf32>, vector<256x768xf32> -> vector<256x768xf32>
    %get3A_63 = arith.constant 0 : index
    %get3A_64 = arith.constant 0 : index
    %get3A_65 = vector.load %arg2[%get3A_63, %get3A_64] : memref<256x768xf32, #tpu.memory_space<vmem>>, vector<256x768xf32>
    %add3A = arith.addf %dot_general3A_62, %get3A_65 : vector<256x768xf32>
    %get3A_66 = arith.constant 0 : index
    %get3A_67 = arith.constant 0 : index
    %get3A_68 = vector.load %arg4[%get3A_66, %get3A_67] : memref<1x768xf32, #tpu.memory_space<vmem>>, vector<1x768xf32>
    %get3A_69 = arith.constant 0 : index
    %get3A_70 = arith.constant 0 : index
    %get3A_71 = vector.load %arg5[%get3A_69, %get3A_70] : memref<1x768xf32, #tpu.memory_space<vmem>>, vector<1x768xf32>
    %reduce_sum3A = arith.constant dense<0.000000e+00> : vector<256xf32>
    %reduce_sum3A_72 = vector.multi_reduction <add>, %add3A, %reduce_sum3A [1] : vector<256x768xf32> to vector<256xf32>
    %broadcast_in_dim3A = vector.shape_cast %reduce_sum3A_72 : vector<256xf32> to vector<256x1xf32>
    %div3A = arith.constant 7.680000e+02 : f32
    %div3A_73 = vector.broadcast %div3A : f32 to vector<256x1xf32>
    %div3A_74 = arith.divf %broadcast_in_dim3A, %div3A_73 : vector<256x1xf32>
    %sub3A = vector.broadcast %div3A_74 : vector<256x1xf32> to vector<256x768xf32>
    %sub3A_75 = arith.subf %add3A, %sub3A : vector<256x768xf32>
    %sub3A_76 = vector.broadcast %div3A_74 : vector<256x1xf32> to vector<256x768xf32>
    %sub3A_77 = arith.subf %add3A, %sub3A_76 : vector<256x768xf32>
    %mul3A = arith.mulf %sub3A_75, %sub3A_77 : vector<256x768xf32>
    %reduce_sum3A_78 = arith.constant dense<0.000000e+00> : vector<256xf32>
    %reduce_sum3A_79 = vector.multi_reduction <add>, %mul3A, %reduce_sum3A_78 [1] : vector<256x768xf32> to vector<256xf32>
    %broadcast_in_dim3A_80 = vector.shape_cast %reduce_sum3A_79 : vector<256xf32> to vector<256x1xf32>
    %div3A_81 = arith.constant 7.680000e+02 : f32
    %div3A_82 = vector.broadcast %div3A_81 : f32 to vector<256x1xf32>
    %div3A_83 = arith.divf %broadcast_in_dim3A_80, %div3A_82 : vector<256x1xf32>
    %sub3A_84 = vector.broadcast %div3A_74 : vector<256x1xf32> to vector<256x768xf32>
    %sub3A_85 = arith.subf %add3A, %sub3A_84 : vector<256x768xf32>
    %add3A_86 = arith.constant 9.99999974E-6 : f32
    %add3A_87 = vector.broadcast %add3A_86 : f32 to vector<256x1xf32>
    %add3A_88 = arith.addf %div3A_83, %add3A_87 : vector<256x1xf32>
    %sqrt3A = math.sqrt %add3A_88 : vector<256x1xf32>
    %div3A_89 = vector.broadcast %sqrt3A : vector<256x1xf32> to vector<256x768xf32>
    %div3A_90 = arith.divf %sub3A_85, %div3A_89 : vector<256x768xf32>
    %mul3A_91 = vector.broadcast %get3A_68 : vector<1x768xf32> to vector<256x768xf32>
    %mul3A_92 = arith.mulf %div3A_90, %mul3A_91 : vector<256x768xf32>
    %add3A_93 = vector.broadcast %get3A_71 : vector<1x768xf32> to vector<256x768xf32>
    %add3A_94 = arith.addf %mul3A_92, %add3A_93 : vector<256x768xf32>
    %swap3A = arith.constant 0 : index
    %swap3A_95 = arith.constant 0 : index
    %swap3A_96 = vector.load %arg8[%swap3A, %swap3A_95] : memref<256x768xf32, #tpu.memory_space<vmem>>, vector<256x768xf32>
    tpu.vector_store %arg8[%swap3A, %swap3A_95], %add3A {strides = array<i32>} : memref<256x768xf32, #tpu.memory_space<vmem>>, vector<256x768xf32>,
    %swap3A_97 = arith.constant 0 : index
    %swap3A_98 = arith.constant 0 : index
    %swap3A_99 = vector.load %arg9[%swap3A_97, %swap3A_98] : memref<256x768xf32, #tpu.memory_space<vmem>>, vector<256x768xf32>
    tpu.vector_store %arg9[%swap3A_97, %swap3A_98], %add3A_94 {strides = array<i32>} : memref<256x768xf32, #tpu.memory_space<vmem>>, vector<256x768xf32>,
    %get3A_100 = arith.constant 0 : index
    %get3A_101 = arith.constant 0 : index
    %get3A_102 = vector.load %arg7[%get3A_100, %get3A_101] : memref<256x768xf32, #tpu.memory_space<vmem>>, vector<256x768xf32>
    %get3A_103 = arith.constant 0 : index
    %get3A_104 = arith.constant 0 : index
    %get3A_105 = vector.load %arg6[%get3A_103, %get3A_104] : memref<768x8xf32, #tpu.memory_space<vmem>>, vector<768x8xf32>
    %dot_general3A_106 = arith.constant dense<0.000000e+00> : vector<256x8xf32>
    %dot_general3A_107 = tpu.matmul %get3A_102, %get3A_105, %dot_general3A_106 {dimension_numbers = #tpu.dot_dimension_numbers<[1], [0], [0], [1], [0, 0, 1, 1], [], []>, transpose_lhs_hint = false} : vector<256x768xf32>, vector<768x8xf32>, vector<256x8xf32> -> vector<256x8xf32>
    %iota3A = tpu.iota {dimensions = array<i32: 1>} : vector<256x8xi32>
    %reduce_max3A = arith.constant dense<0xFF800000> : vector<256xf32>
    %reduce_max3A_108 = vector.multi_reduction <maximumf>, %dot_general3A_107, %reduce_max3A [1] : vector<256x8xf32> to vector<256xf32>
    %broadcast_in_dim3A_109 = vector.shape_cast %reduce_max3A_108 : vector<256xf32> to vector<256x1xf32>
    %eq3A = vector.broadcast %broadcast_in_dim3A_109 : vector<256x1xf32> to vector<256x8xf32>
    %eq3A_110 = arith.cmpf oeq, %dot_general3A_107, %eq3A : vector<256x8xf32>
    %jit3A = arith.constant 8 : i32
    %broadcast_in_dim3A_111 = vector.broadcast %jit3A : i32 to vector<256x8xi32>
    %select_n3A = arith.select %eq3A_110, %iota3A, %broadcast_in_dim3A_111 : vector<256x8xi1>, vector<256x8xi32>
    %reduce_min3A = arith.constant dense<2147483647> : vector<256xi32>
    %reduce_min3A_112 = vector.multi_reduction <minsi>, %select_n3A, %reduce_min3A [1] : vector<256x8xi32> to vector<256xi32>
    %broadcast_in_dim3A_113 = vector.shape_cast %reduce_min3A_112 : vector<256xi32> to vector<256x1xi32>
    %eq3A_114 = vector.broadcast %broadcast_in_dim3A_113 : vector<256x1xi32> to vector<256x8xi32>
    %eq3A_115 = arith.cmpi eq, %iota3A, %eq3A_114 : vector<256x8xi32>
    %jit3A_116 = arith.constant -1.000000e+30 : f32
    %broadcast_in_dim3A_117 = vector.broadcast %jit3A_116 : f32 to vector<256x8xf32>
    %select_n3A_118 = arith.select %eq3A_115, %broadcast_in_dim3A_117, %dot_general3A_107 : vector<256x8xi1>, vector<256x8xf32>
    %reduce_max3A_119 = arith.constant dense<0xFF800000> : vector<256xf32>
    %reduce_max3A_120 = vector.multi_reduction <maximumf>, %select_n3A_118, %reduce_max3A_119 [1] : vector<256x8xf32> to vector<256xf32>
    %broadcast_in_dim3A_121 = vector.shape_cast %reduce_max3A_120 : vector<256xf32> to vector<256x1xf32>
    %eq3A_122 = vector.broadcast %broadcast_in_dim3A_121 : vector<256x1xf32> to vector<256x8xf32>
    %eq3A_123 = arith.cmpf oeq, %select_n3A_118, %eq3A_122 : vector<256x8xf32>
    %jit3A_124 = arith.constant 8 : i32
    %broadcast_in_dim3A_125 = vector.broadcast %jit3A_124 : i32 to vector<256x8xi32>
    %select_n3A_126 = arith.select %eq3A_123, %iota3A, %broadcast_in_dim3A_125 : vector<256x8xi1>, vector<256x8xi32>
    %reduce_min3A_127 = arith.constant dense<2147483647> : vector<256xi32>
    %reduce_min3A_128 = vector.multi_reduction <minsi>, %select_n3A_126, %reduce_min3A_127 [1] : vector<256x8xi32> to vector<256xi32>
    %broadcast_in_dim3A_129 = vector.shape_cast %reduce_min3A_128 : vector<256xi32> to vector<256x1xi32>
    %sub3A_130 = arith.subf %broadcast_in_dim3A_121, %broadcast_in_dim3A_109 : vector<256x1xf32>
    %exp3A = math.exp %sub3A_130 : vector<256x1xf32>
    %add3A_131 = arith.constant 1.000000e+00 : f32
    %add3A_132 = vector.broadcast %add3A_131 : f32 to vector<256x1xf32>
    %add3A_133 = arith.addf %add3A_132, %exp3A : vector<256x1xf32>
    %div3A_134 = arith.constant 1.000000e+00 : f32
    %div3A_135 = vector.broadcast %div3A_134 : f32 to vector<256x1xf32>
    %div3A_136 = arith.divf %div3A_135, %add3A_133 : vector<256x1xf32>
    %add3A_137 = arith.constant 1.000000e+00 : f32
    %add3A_138 = vector.broadcast %add3A_137 : f32 to vector<256x1xf32>
    %add3A_139 = arith.addf %add3A_138, %exp3A : vector<256x1xf32>
    %div3A_140 = arith.divf %exp3A, %add3A_139 : vector<256x1xf32>
    %concatenate3A_141 = tpu.concatenate %broadcast_in_dim3A_113, %broadcast_in_dim3A_129 in 1 : vector<256x1xi32>, vector<256x1xi32> -> vector<256x2xi32>
    %reshape3A = vector.shape_cast %concatenate3A_141 : vector<256x2xi32> to vector<1x256x2xi32>
    %swap3A_142 = arith.constant 0 : index
    %swap3A_143 = arith.constant 0 : index
    %swap3A_144 = arith.constant 0 : index
    %swap3A_145 = vector.load %arg10[%swap3A_142, %swap3A_143, %swap3A_144] : memref<1x256x2xi32, #tpu.memory_space<vmem>>, vector<1x256x2xi32>
    tpu.vector_store %arg10[%swap3A_142, %swap3A_143, %swap3A_144], %reshape3A {strides = array<i32>} : memref<1x256x2xi32, #tpu.memory_space<vmem>>, vector<1x256x2xi32>,
    %broadcast_in_dim3A_146 = vector.shape_cast %div3A_136 : vector<256x1xf32> to vector<256x1xf32>
    %broadcast_in_dim3A_147 = vector.broadcast %broadcast_in_dim3A_146 : vector<256x1xf32> to vector<256x128xf32>
    %swap3A_148 = arith.constant 0 : index
    %swap3A_149 = arith.constant 0 : index
    %swap3A_150 = vector.load %arg11[%swap3A_148, %swap3A_149] : memref<256x128xf32, #tpu.memory_space<vmem>>, vector<256x128xf32>
    tpu.vector_store %arg11[%swap3A_148, %swap3A_149], %broadcast_in_dim3A_147 {strides = array<i32>} : memref<256x128xf32, #tpu.memory_space<vmem>>, vector<256x128xf32>,
    %broadcast_in_dim3A_151 = vector.shape_cast %div3A_140 : vector<256x1xf32> to vector<256x1xf32>
    %broadcast_in_dim3A_152 = vector.broadcast %broadcast_in_dim3A_151 : vector<256x1xf32> to vector<256x128xf32>
    %swap3A_153 = arith.constant 0 : index
    %swap3A_154 = arith.constant 0 : index
    %swap3A_155 = vector.load %arg12[%swap3A_153, %swap3A_154] : memref<256x128xf32, #tpu.memory_space<vmem>>, vector<256x128xf32>
    tpu.vector_store %arg12[%swap3A_153, %swap3A_154], %broadcast_in_dim3A_152 {strides = array<i32>} : memref<256x128xf32, #tpu.memory_space<vmem>>, vector<256x128xf32>,
    return
  }
  func.func @transform_0(%arg0: i32) -> (i32, i32, i32) {
    %c0_i32 = arith.constant 0 : i32
    %c0_i32_0 = arith.constant 0 : i32
    %c0_i32_1 = arith.constant 0 : i32
    return %c0_i32, %arg0, %c0_i32_0 : i32, i32, i32
  }
  func.func @transform_1(%arg0: i32) -> (i32, i32) {
    %c0_i32 = arith.constant 0 : i32
    %c0_i32_0 = arith.constant 0 : i32
    return %arg0, %c0_i32 : i32, i32
  }
  func.func @transform_2(%arg0: i32) -> (i32, i32) {
    %c0_i32 = arith.constant 0 : i32
    %c0_i32_0 = arith.constant 0 : i32
    %c0_i32_1 = arith.constant 0 : i32
    return %c0_i32, %c0_i32_0 : i32, i32
  }
  func.func @transform_3(%arg0: i32) -> (i32, i32) {
    %c0_i32 = arith.constant 0 : i32
    %c0_i32_0 = arith.constant 0 : i32
    %c0_i32_1 = arith.constant 0 : i32
    return %c0_i32, %c0_i32_0 : i32, i32
  }
  func.func @transform_4(%arg0: i32) -> (i32, i32) {
    %c0_i32 = arith.constant 0 : i32
    %c0_i32_0 = arith.constant 0 : i32
    %c0_i32_1 = arith.constant 0 : i32
    return %c0_i32, %c0_i32_0 : i32, i32
  }
  func.func @transform_5(%arg0: i32) -> (i32, i32) {
    %c0_i32 = arith.constant 0 : i32
    %c0_i32_0 = arith.constant 0 : i32
    %c0_i32_1 = arith.constant 0 : i32
    return %c0_i32, %c0_i32_0 : i32, i32
  }
  func.func @transform_6(%arg0: i32) -> (i32, i32) {
    %c0_i32 = arith.constant 0 : i32
    %c0_i32_0 = arith.constant 0 : i32
    return %arg0, %c0_i32 : i32, i32
  }
  func.func @transform_7(%arg0: i32) -> (i32, i32) {
    %c0_i32 = arith.constant 0 : i32
    %c0_i32_0 = arith.constant 0 : i32
    return %arg0, %c0_i32 : i32, i32
  }
  func.func @transform_8(%arg0: i32) -> (i32, i32) {
    %c0_i32 = arith.constant 0 : i32
    %c0_i32_0 = arith.constant 0 : i32
    return %arg0, %c0_i32 : i32, i32
  }
  func.func @transform_9(%arg0: i32) -> (i32, i32, i32) {
    %c0_i32 = arith.constant 0 : i32
    %c0_i32_0 = arith.constant 0 : i32
    %c0_i32_1 = arith.constant 0 : i32
    return %arg0, %c0_i32, %c0_i32_0 : i32, i32, i32
  }
  func.func @transform_10(%arg0: i32) -> (i32, i32) {
    %c0_i32 = arith.constant 0 : i32
    %c0_i32_0 = arith.constant 0 : i32
    return %arg0, %c0_i32 : i32, i32
  }
  func.func @transform_11(%arg0: i32) -> (i32, i32) {
    %c0_i32 = arith.constant 0 : i32
    %c0_i32_0 = arith.constant 0 : i32
    return %arg0, %c0_i32 : i32, i32
  }
}

module attributes {stable_mosaic.version = 14 : i64} {
  func.func @_route_body(%arg0: memref<32x128xi32, #tpu.memory_space<vmem>>, %arg1: memref<32x128xi32, #tpu.memory_space<vmem>>, %arg2: memref<1x128xi32, #tpu.memory_space<vmem>>) attributes {dimension_semantics = [], scalar_prefetch = 0 : i64, scratch_operands = 0 : i64, tpu.core_type = #tpu.core_type<tc>} {
    %get3A = arith.constant 0 : index
    %get3A_0 = arith.constant 0 : index
    %get3A_1 = vector.load %arg0[%get3A, %get3A_0] : memref<32x128xi32, #tpu.memory_space<vmem>>, vector<32x128xi32>
    %eq3A = arith.constant 0 : i32
    %eq3A_2 = vector.broadcast %eq3A : i32 to vector<32x128xi32>
    %eq3A_3 = arith.cmpi eq, %get3A_1, %eq3A_2 : vector<32x128xi32>
    %convert_element_type3A = arith.extui %eq3A_3 : vector<32x128xi1> to vector<32x128xi32>
    %convert_element_type3A_4 = arith.sitofp %convert_element_type3A : vector<32x128xi32> to vector<32x128xf32>
    %reduce_sum3A = vector.shape_cast %convert_element_type3A_4 : vector<32x128xf32> to vector<1x32x128xf32>
    %reduce_sum3A_5 = arith.constant dense<0.000000e+00> : vector<1xf32>
    %reduce_sum3A_6 = vector.multi_reduction <add>, %reduce_sum3A, %reduce_sum3A_5 [1, 2] : vector<1x32x128xf32> to vector<1xf32>
    %reduce_sum3A_7 = vector.shape_cast %reduce_sum3A_6 : vector<1xf32> to vector<1x1x1xf32>
    %reduce_sum3A_8 = vector.extract %reduce_sum3A_7[0, 0, 0] : f32 from vector<1x1x1xf32>
    %convert_element_type3A_9 = arith.fptosi %reduce_sum3A_8 : f32 to i32
    %eq3A_10 = arith.constant 1 : i32
    %eq3A_11 = vector.broadcast %eq3A_10 : i32 to vector<32x128xi32>
    %eq3A_12 = arith.cmpi eq, %get3A_1, %eq3A_11 : vector<32x128xi32>
    %convert_element_type3A_13 = arith.extui %eq3A_12 : vector<32x128xi1> to vector<32x128xi32>
    %convert_element_type3A_14 = arith.sitofp %convert_element_type3A_13 : vector<32x128xi32> to vector<32x128xf32>
    %reduce_sum3A_15 = vector.shape_cast %convert_element_type3A_14 : vector<32x128xf32> to vector<1x32x128xf32>
    %reduce_sum3A_16 = arith.constant dense<0.000000e+00> : vector<1xf32>
    %reduce_sum3A_17 = vector.multi_reduction <add>, %reduce_sum3A_15, %reduce_sum3A_16 [1, 2] : vector<1x32x128xf32> to vector<1xf32>
    %reduce_sum3A_18 = vector.shape_cast %reduce_sum3A_17 : vector<1xf32> to vector<1x1x1xf32>
    %reduce_sum3A_19 = vector.extract %reduce_sum3A_18[0, 0, 0] : f32 from vector<1x1x1xf32>
    %convert_element_type3A_20 = arith.fptosi %reduce_sum3A_19 : f32 to i32
    %eq3A_21 = arith.constant 2 : i32
    %eq3A_22 = vector.broadcast %eq3A_21 : i32 to vector<32x128xi32>
    %eq3A_23 = arith.cmpi eq, %get3A_1, %eq3A_22 : vector<32x128xi32>
    %convert_element_type3A_24 = arith.extui %eq3A_23 : vector<32x128xi1> to vector<32x128xi32>
    %convert_element_type3A_25 = arith.sitofp %convert_element_type3A_24 : vector<32x128xi32> to vector<32x128xf32>
    %reduce_sum3A_26 = vector.shape_cast %convert_element_type3A_25 : vector<32x128xf32> to vector<1x32x128xf32>
    %reduce_sum3A_27 = arith.constant dense<0.000000e+00> : vector<1xf32>
    %reduce_sum3A_28 = vector.multi_reduction <add>, %reduce_sum3A_26, %reduce_sum3A_27 [1, 2] : vector<1x32x128xf32> to vector<1xf32>
    %reduce_sum3A_29 = vector.shape_cast %reduce_sum3A_28 : vector<1xf32> to vector<1x1x1xf32>
    %reduce_sum3A_30 = vector.extract %reduce_sum3A_29[0, 0, 0] : f32 from vector<1x1x1xf32>
    %convert_element_type3A_31 = arith.fptosi %reduce_sum3A_30 : f32 to i32
    %eq3A_32 = arith.constant 3 : i32
    %eq3A_33 = vector.broadcast %eq3A_32 : i32 to vector<32x128xi32>
    %eq3A_34 = arith.cmpi eq, %get3A_1, %eq3A_33 : vector<32x128xi32>
    %convert_element_type3A_35 = arith.extui %eq3A_34 : vector<32x128xi1> to vector<32x128xi32>
    %convert_element_type3A_36 = arith.sitofp %convert_element_type3A_35 : vector<32x128xi32> to vector<32x128xf32>
    %reduce_sum3A_37 = vector.shape_cast %convert_element_type3A_36 : vector<32x128xf32> to vector<1x32x128xf32>
    %reduce_sum3A_38 = arith.constant dense<0.000000e+00> : vector<1xf32>
    %reduce_sum3A_39 = vector.multi_reduction <add>, %reduce_sum3A_37, %reduce_sum3A_38 [1, 2] : vector<1x32x128xf32> to vector<1xf32>
    %reduce_sum3A_40 = vector.shape_cast %reduce_sum3A_39 : vector<1xf32> to vector<1x1x1xf32>
    %reduce_sum3A_41 = vector.extract %reduce_sum3A_40[0, 0, 0] : f32 from vector<1x1x1xf32>
    %convert_element_type3A_42 = arith.fptosi %reduce_sum3A_41 : f32 to i32
    %eq3A_43 = arith.constant 4 : i32
    %eq3A_44 = vector.broadcast %eq3A_43 : i32 to vector<32x128xi32>
    %eq3A_45 = arith.cmpi eq, %get3A_1, %eq3A_44 : vector<32x128xi32>
    %convert_element_type3A_46 = arith.extui %eq3A_45 : vector<32x128xi1> to vector<32x128xi32>
    %convert_element_type3A_47 = arith.sitofp %convert_element_type3A_46 : vector<32x128xi32> to vector<32x128xf32>
    %reduce_sum3A_48 = vector.shape_cast %convert_element_type3A_47 : vector<32x128xf32> to vector<1x32x128xf32>
    %reduce_sum3A_49 = arith.constant dense<0.000000e+00> : vector<1xf32>
    %reduce_sum3A_50 = vector.multi_reduction <add>, %reduce_sum3A_48, %reduce_sum3A_49 [1, 2] : vector<1x32x128xf32> to vector<1xf32>
    %reduce_sum3A_51 = vector.shape_cast %reduce_sum3A_50 : vector<1xf32> to vector<1x1x1xf32>
    %reduce_sum3A_52 = vector.extract %reduce_sum3A_51[0, 0, 0] : f32 from vector<1x1x1xf32>
    %convert_element_type3A_53 = arith.fptosi %reduce_sum3A_52 : f32 to i32
    %eq3A_54 = arith.constant 5 : i32
    %eq3A_55 = vector.broadcast %eq3A_54 : i32 to vector<32x128xi32>
    %eq3A_56 = arith.cmpi eq, %get3A_1, %eq3A_55 : vector<32x128xi32>
    %convert_element_type3A_57 = arith.extui %eq3A_56 : vector<32x128xi1> to vector<32x128xi32>
    %convert_element_type3A_58 = arith.sitofp %convert_element_type3A_57 : vector<32x128xi32> to vector<32x128xf32>
    %reduce_sum3A_59 = vector.shape_cast %convert_element_type3A_58 : vector<32x128xf32> to vector<1x32x128xf32>
    %reduce_sum3A_60 = arith.constant dense<0.000000e+00> : vector<1xf32>
    %reduce_sum3A_61 = vector.multi_reduction <add>, %reduce_sum3A_59, %reduce_sum3A_60 [1, 2] : vector<1x32x128xf32> to vector<1xf32>
    %reduce_sum3A_62 = vector.shape_cast %reduce_sum3A_61 : vector<1xf32> to vector<1x1x1xf32>
    %reduce_sum3A_63 = vector.extract %reduce_sum3A_62[0, 0, 0] : f32 from vector<1x1x1xf32>
    %convert_element_type3A_64 = arith.fptosi %reduce_sum3A_63 : f32 to i32
    %eq3A_65 = arith.constant 6 : i32
    %eq3A_66 = vector.broadcast %eq3A_65 : i32 to vector<32x128xi32>
    %eq3A_67 = arith.cmpi eq, %get3A_1, %eq3A_66 : vector<32x128xi32>
    %convert_element_type3A_68 = arith.extui %eq3A_67 : vector<32x128xi1> to vector<32x128xi32>
    %convert_element_type3A_69 = arith.sitofp %convert_element_type3A_68 : vector<32x128xi32> to vector<32x128xf32>
    %reduce_sum3A_70 = vector.shape_cast %convert_element_type3A_69 : vector<32x128xf32> to vector<1x32x128xf32>
    %reduce_sum3A_71 = arith.constant dense<0.000000e+00> : vector<1xf32>
    %reduce_sum3A_72 = vector.multi_reduction <add>, %reduce_sum3A_70, %reduce_sum3A_71 [1, 2] : vector<1x32x128xf32> to vector<1xf32>
    %reduce_sum3A_73 = vector.shape_cast %reduce_sum3A_72 : vector<1xf32> to vector<1x1x1xf32>
    %reduce_sum3A_74 = vector.extract %reduce_sum3A_73[0, 0, 0] : f32 from vector<1x1x1xf32>
    %convert_element_type3A_75 = arith.fptosi %reduce_sum3A_74 : f32 to i32
    %eq3A_76 = arith.constant 7 : i32
    %eq3A_77 = vector.broadcast %eq3A_76 : i32 to vector<32x128xi32>
    %eq3A_78 = arith.cmpi eq, %get3A_1, %eq3A_77 : vector<32x128xi32>
    %convert_element_type3A_79 = arith.extui %eq3A_78 : vector<32x128xi1> to vector<32x128xi32>
    %convert_element_type3A_80 = arith.sitofp %convert_element_type3A_79 : vector<32x128xi32> to vector<32x128xf32>
    %reduce_sum3A_81 = vector.shape_cast %convert_element_type3A_80 : vector<32x128xf32> to vector<1x32x128xf32>
    %reduce_sum3A_82 = arith.constant dense<0.000000e+00> : vector<1xf32>
    %reduce_sum3A_83 = vector.multi_reduction <add>, %reduce_sum3A_81, %reduce_sum3A_82 [1, 2] : vector<1x32x128xf32> to vector<1xf32>
    %reduce_sum3A_84 = vector.shape_cast %reduce_sum3A_83 : vector<1xf32> to vector<1x1x1xf32>
    %reduce_sum3A_85 = vector.extract %reduce_sum3A_84[0, 0, 0] : f32 from vector<1x1x1xf32>
    %convert_element_type3A_86 = arith.fptosi %reduce_sum3A_85 : f32 to i32
    %add3A = arith.constant 256 : i32
    %add3A_87 = arith.addi %convert_element_type3A_9, %add3A : i32
    %sub3A = arith.constant 1 : i32
    %sub3A_88 = arith.subi %add3A_87, %sub3A : i32
    %jit3A = arith.constant 256 : i32
    %div3A = arith.divsi %sub3A_88, %jit3A : i32
    %sign3A = arith.constant 0 : i32
    %sign3A_89 = arith.cmpi sgt, %sub3A_88, %sign3A : i32
    %sign3A_90 = arith.extui %sign3A_89 : i1 to i32
    %sign3A_91 = arith.constant 0 : i32
    %sign3A_92 = arith.cmpi slt, %sub3A_88, %sign3A_91 : i32
    %sign3A_93 = arith.extui %sign3A_92 : i1 to i32
    %sign3A_94 = arith.subi %sign3A_90, %sign3A_93 : i32
    %sign3A_95 = arith.constant 0 : i32
    %sign3A_96 = arith.cmpi sgt, %jit3A, %sign3A_95 : i32
    %sign3A_97 = arith.extui %sign3A_96 : i1 to i32
    %sign3A_98 = arith.constant 0 : i32
    %sign3A_99 = arith.cmpi slt, %jit3A, %sign3A_98 : i32
    %sign3A_100 = arith.extui %sign3A_99 : i1 to i32
    %sign3A_101 = arith.subi %sign3A_97, %sign3A_100 : i32
    %ne3A = arith.cmpi ne, %sign3A_94, %sign3A_101 : i32
    %rem3A = arith.remsi %sub3A_88, %jit3A : i32
    %ne3A_102 = arith.constant 0 : i32
    %ne3A_103 = arith.cmpi ne, %rem3A, %ne3A_102 : i32
    %and3A = arith.andi %ne3A, %ne3A_103 : i1
    %sub3A_104 = arith.constant 1 : i32
    %sub3A_105 = arith.subi %div3A, %sub3A_104 : i32
    %select_n3A = arith.select %and3A, %sub3A_105, %div3A : i32
    %add3A_106 = arith.constant 256 : i32
    %add3A_107 = arith.addi %convert_element_type3A_20, %add3A_106 : i32
    %sub3A_108 = arith.constant 1 : i32
    %sub3A_109 = arith.subi %add3A_107, %sub3A_108 : i32
    %jit3A_110 = arith.constant 256 : i32
    %div3A_111 = arith.divsi %sub3A_109, %jit3A_110 : i32
    %sign3A_112 = arith.constant 0 : i32
    %sign3A_113 = arith.cmpi sgt, %sub3A_109, %sign3A_112 : i32
    %sign3A_114 = arith.extui %sign3A_113 : i1 to i32
    %sign3A_115 = arith.constant 0 : i32
    %sign3A_116 = arith.cmpi slt, %sub3A_109, %sign3A_115 : i32
    %sign3A_117 = arith.extui %sign3A_116 : i1 to i32
    %sign3A_118 = arith.subi %sign3A_114, %sign3A_117 : i32
    %sign3A_119 = arith.constant 0 : i32
    %sign3A_120 = arith.cmpi sgt, %jit3A_110, %sign3A_119 : i32
    %sign3A_121 = arith.extui %sign3A_120 : i1 to i32
    %sign3A_122 = arith.constant 0 : i32
    %sign3A_123 = arith.cmpi slt, %jit3A_110, %sign3A_122 : i32
    %sign3A_124 = arith.extui %sign3A_123 : i1 to i32
    %sign3A_125 = arith.subi %sign3A_121, %sign3A_124 : i32
    %ne3A_126 = arith.cmpi ne, %sign3A_118, %sign3A_125 : i32
    %rem3A_127 = arith.remsi %sub3A_109, %jit3A_110 : i32
    %ne3A_128 = arith.constant 0 : i32
    %ne3A_129 = arith.cmpi ne, %rem3A_127, %ne3A_128 : i32
    %and3A_130 = arith.andi %ne3A_126, %ne3A_129 : i1
    %sub3A_131 = arith.constant 1 : i32
    %sub3A_132 = arith.subi %div3A_111, %sub3A_131 : i32
    %select_n3A_133 = arith.select %and3A_130, %sub3A_132, %div3A_111 : i32
    %add3A_134 = arith.constant 256 : i32
    %add3A_135 = arith.addi %convert_element_type3A_31, %add3A_134 : i32
    %sub3A_136 = arith.constant 1 : i32
    %sub3A_137 = arith.subi %add3A_135, %sub3A_136 : i32
    %jit3A_138 = arith.constant 256 : i32
    %div3A_139 = arith.divsi %sub3A_137, %jit3A_138 : i32
    %sign3A_140 = arith.constant 0 : i32
    %sign3A_141 = arith.cmpi sgt, %sub3A_137, %sign3A_140 : i32
    %sign3A_142 = arith.extui %sign3A_141 : i1 to i32
    %sign3A_143 = arith.constant 0 : i32
    %sign3A_144 = arith.cmpi slt, %sub3A_137, %sign3A_143 : i32
    %sign3A_145 = arith.extui %sign3A_144 : i1 to i32
    %sign3A_146 = arith.subi %sign3A_142, %sign3A_145 : i32
    %sign3A_147 = arith.constant 0 : i32
    %sign3A_148 = arith.cmpi sgt, %jit3A_138, %sign3A_147 : i32
    %sign3A_149 = arith.extui %sign3A_148 : i1 to i32
    %sign3A_150 = arith.constant 0 : i32
    %sign3A_151 = arith.cmpi slt, %jit3A_138, %sign3A_150 : i32
    %sign3A_152 = arith.extui %sign3A_151 : i1 to i32
    %sign3A_153 = arith.subi %sign3A_149, %sign3A_152 : i32
    %ne3A_154 = arith.cmpi ne, %sign3A_146, %sign3A_153 : i32
    %rem3A_155 = arith.remsi %sub3A_137, %jit3A_138 : i32
    %ne3A_156 = arith.constant 0 : i32
    %ne3A_157 = arith.cmpi ne, %rem3A_155, %ne3A_156 : i32
    %and3A_158 = arith.andi %ne3A_154, %ne3A_157 : i1
    %sub3A_159 = arith.constant 1 : i32
    %sub3A_160 = arith.subi %div3A_139, %sub3A_159 : i32
    %select_n3A_161 = arith.select %and3A_158, %sub3A_160, %div3A_139 : i32
    %add3A_162 = arith.constant 256 : i32
    %add3A_163 = arith.addi %convert_element_type3A_42, %add3A_162 : i32
    %sub3A_164 = arith.constant 1 : i32
    %sub3A_165 = arith.subi %add3A_163, %sub3A_164 : i32
    %jit3A_166 = arith.constant 256 : i32
    %div3A_167 = arith.divsi %sub3A_165, %jit3A_166 : i32
    %sign3A_168 = arith.constant 0 : i32
    %sign3A_169 = arith.cmpi sgt, %sub3A_165, %sign3A_168 : i32
    %sign3A_170 = arith.extui %sign3A_169 : i1 to i32
    %sign3A_171 = arith.constant 0 : i32
    %sign3A_172 = arith.cmpi slt, %sub3A_165, %sign3A_171 : i32
    %sign3A_173 = arith.extui %sign3A_172 : i1 to i32
    %sign3A_174 = arith.subi %sign3A_170, %sign3A_173 : i32
    %sign3A_175 = arith.constant 0 : i32
    %sign3A_176 = arith.cmpi sgt, %jit3A_166, %sign3A_175 : i32
    %sign3A_177 = arith.extui %sign3A_176 : i1 to i32
    %sign3A_178 = arith.constant 0 : i32
    %sign3A_179 = arith.cmpi slt, %jit3A_166, %sign3A_178 : i32
    %sign3A_180 = arith.extui %sign3A_179 : i1 to i32
    %sign3A_181 = arith.subi %sign3A_177, %sign3A_180 : i32
    %ne3A_182 = arith.cmpi ne, %sign3A_174, %sign3A_181 : i32
    %rem3A_183 = arith.remsi %sub3A_165, %jit3A_166 : i32
    %ne3A_184 = arith.constant 0 : i32
    %ne3A_185 = arith.cmpi ne, %rem3A_183, %ne3A_184 : i32
    %and3A_186 = arith.andi %ne3A_182, %ne3A_185 : i1
    %sub3A_187 = arith.constant 1 : i32
    %sub3A_188 = arith.subi %div3A_167, %sub3A_187 : i32
    %select_n3A_189 = arith.select %and3A_186, %sub3A_188, %div3A_167 : i32
    %add3A_190 = arith.constant 256 : i32
    %add3A_191 = arith.addi %convert_element_type3A_53, %add3A_190 : i32
    %sub3A_192 = arith.constant 1 : i32
    %sub3A_193 = arith.subi %add3A_191, %sub3A_192 : i32
    %jit3A_194 = arith.constant 256 : i32
    %div3A_195 = arith.divsi %sub3A_193, %jit3A_194 : i32
    %sign3A_196 = arith.constant 0 : i32
    %sign3A_197 = arith.cmpi sgt, %sub3A_193, %sign3A_196 : i32
    %sign3A_198 = arith.extui %sign3A_197 : i1 to i32
    %sign3A_199 = arith.constant 0 : i32
    %sign3A_200 = arith.cmpi slt, %sub3A_193, %sign3A_199 : i32
    %sign3A_201 = arith.extui %sign3A_200 : i1 to i32
    %sign3A_202 = arith.subi %sign3A_198, %sign3A_201 : i32
    %sign3A_203 = arith.constant 0 : i32
    %sign3A_204 = arith.cmpi sgt, %jit3A_194, %sign3A_203 : i32
    %sign3A_205 = arith.extui %sign3A_204 : i1 to i32
    %sign3A_206 = arith.constant 0 : i32
    %sign3A_207 = arith.cmpi slt, %jit3A_194, %sign3A_206 : i32
    %sign3A_208 = arith.extui %sign3A_207 : i1 to i32
    %sign3A_209 = arith.subi %sign3A_205, %sign3A_208 : i32
    %ne3A_210 = arith.cmpi ne, %sign3A_202, %sign3A_209 : i32
    %rem3A_211 = arith.remsi %sub3A_193, %jit3A_194 : i32
    %ne3A_212 = arith.constant 0 : i32
    %ne3A_213 = arith.cmpi ne, %rem3A_211, %ne3A_212 : i32
    %and3A_214 = arith.andi %ne3A_210, %ne3A_213 : i1
    %sub3A_215 = arith.constant 1 : i32
    %sub3A_216 = arith.subi %div3A_195, %sub3A_215 : i32
    %select_n3A_217 = arith.select %and3A_214, %sub3A_216, %div3A_195 : i32
    %add3A_218 = arith.constant 256 : i32
    %add3A_219 = arith.addi %convert_element_type3A_64, %add3A_218 : i32
    %sub3A_220 = arith.constant 1 : i32
    %sub3A_221 = arith.subi %add3A_219, %sub3A_220 : i32
    %jit3A_222 = arith.constant 256 : i32
    %div3A_223 = arith.divsi %sub3A_221, %jit3A_222 : i32
    %sign3A_224 = arith.constant 0 : i32
    %sign3A_225 = arith.cmpi sgt, %sub3A_221, %sign3A_224 : i32
    %sign3A_226 = arith.extui %sign3A_225 : i1 to i32
    %sign3A_227 = arith.constant 0 : i32
    %sign3A_228 = arith.cmpi slt, %sub3A_221, %sign3A_227 : i32
    %sign3A_229 = arith.extui %sign3A_228 : i1 to i32
    %sign3A_230 = arith.subi %sign3A_226, %sign3A_229 : i32
    %sign3A_231 = arith.constant 0 : i32
    %sign3A_232 = arith.cmpi sgt, %jit3A_222, %sign3A_231 : i32
    %sign3A_233 = arith.extui %sign3A_232 : i1 to i32
    %sign3A_234 = arith.constant 0 : i32
    %sign3A_235 = arith.cmpi slt, %jit3A_222, %sign3A_234 : i32
    %sign3A_236 = arith.extui %sign3A_235 : i1 to i32
    %sign3A_237 = arith.subi %sign3A_233, %sign3A_236 : i32
    %ne3A_238 = arith.cmpi ne, %sign3A_230, %sign3A_237 : i32
    %rem3A_239 = arith.remsi %sub3A_221, %jit3A_222 : i32
    %ne3A_240 = arith.constant 0 : i32
    %ne3A_241 = arith.cmpi ne, %rem3A_239, %ne3A_240 : i32
    %and3A_242 = arith.andi %ne3A_238, %ne3A_241 : i1
    %sub3A_243 = arith.constant 1 : i32
    %sub3A_244 = arith.subi %div3A_223, %sub3A_243 : i32
    %select_n3A_245 = arith.select %and3A_242, %sub3A_244, %div3A_223 : i32
    %add3A_246 = arith.constant 256 : i32
    %add3A_247 = arith.addi %convert_element_type3A_75, %add3A_246 : i32
    %sub3A_248 = arith.constant 1 : i32
    %sub3A_249 = arith.subi %add3A_247, %sub3A_248 : i32
    %jit3A_250 = arith.constant 256 : i32
    %div3A_251 = arith.divsi %sub3A_249, %jit3A_250 : i32
    %sign3A_252 = arith.constant 0 : i32
    %sign3A_253 = arith.cmpi sgt, %sub3A_249, %sign3A_252 : i32
    %sign3A_254 = arith.extui %sign3A_253 : i1 to i32
    %sign3A_255 = arith.constant 0 : i32
    %sign3A_256 = arith.cmpi slt, %sub3A_249, %sign3A_255 : i32
    %sign3A_257 = arith.extui %sign3A_256 : i1 to i32
    %sign3A_258 = arith.subi %sign3A_254, %sign3A_257 : i32
    %sign3A_259 = arith.constant 0 : i32
    %sign3A_260 = arith.cmpi sgt, %jit3A_250, %sign3A_259 : i32
    %sign3A_261 = arith.extui %sign3A_260 : i1 to i32
    %sign3A_262 = arith.constant 0 : i32
    %sign3A_263 = arith.cmpi slt, %jit3A_250, %sign3A_262 : i32
    %sign3A_264 = arith.extui %sign3A_263 : i1 to i32
    %sign3A_265 = arith.subi %sign3A_261, %sign3A_264 : i32
    %ne3A_266 = arith.cmpi ne, %sign3A_258, %sign3A_265 : i32
    %rem3A_267 = arith.remsi %sub3A_249, %jit3A_250 : i32
    %ne3A_268 = arith.constant 0 : i32
    %ne3A_269 = arith.cmpi ne, %rem3A_267, %ne3A_268 : i32
    %and3A_270 = arith.andi %ne3A_266, %ne3A_269 : i1
    %sub3A_271 = arith.constant 1 : i32
    %sub3A_272 = arith.subi %div3A_251, %sub3A_271 : i32
    %select_n3A_273 = arith.select %and3A_270, %sub3A_272, %div3A_251 : i32
    %add3A_274 = arith.constant 256 : i32
    %add3A_275 = arith.addi %convert_element_type3A_86, %add3A_274 : i32
    %sub3A_276 = arith.constant 1 : i32
    %sub3A_277 = arith.subi %add3A_275, %sub3A_276 : i32
    %jit3A_278 = arith.constant 256 : i32
    %div3A_279 = arith.divsi %sub3A_277, %jit3A_278 : i32
    %sign3A_280 = arith.constant 0 : i32
    %sign3A_281 = arith.cmpi sgt, %sub3A_277, %sign3A_280 : i32
    %sign3A_282 = arith.extui %sign3A_281 : i1 to i32
    %sign3A_283 = arith.constant 0 : i32
    %sign3A_284 = arith.cmpi slt, %sub3A_277, %sign3A_283 : i32
    %sign3A_285 = arith.extui %sign3A_284 : i1 to i32
    %sign3A_286 = arith.subi %sign3A_282, %sign3A_285 : i32
    %sign3A_287 = arith.constant 0 : i32
    %sign3A_288 = arith.cmpi sgt, %jit3A_278, %sign3A_287 : i32
    %sign3A_289 = arith.extui %sign3A_288 : i1 to i32
    %sign3A_290 = arith.constant 0 : i32
    %sign3A_291 = arith.cmpi slt, %jit3A_278, %sign3A_290 : i32
    %sign3A_292 = arith.extui %sign3A_291 : i1 to i32
    %sign3A_293 = arith.subi %sign3A_289, %sign3A_292 : i32
    %ne3A_294 = arith.cmpi ne, %sign3A_286, %sign3A_293 : i32
    %rem3A_295 = arith.remsi %sub3A_277, %jit3A_278 : i32
    %ne3A_296 = arith.constant 0 : i32
    %ne3A_297 = arith.cmpi ne, %rem3A_295, %ne3A_296 : i32
    %and3A_298 = arith.andi %ne3A_294, %ne3A_297 : i1
    %sub3A_299 = arith.constant 1 : i32
    %sub3A_300 = arith.subi %div3A_279, %sub3A_299 : i32
    %select_n3A_301 = arith.select %and3A_298, %sub3A_300, %div3A_279 : i32
    %add3A_302 = arith.constant 0 : i32
    %add3A_303 = arith.addi %add3A_302, %select_n3A : i32
    %add3A_304 = arith.addi %add3A_303, %select_n3A_133 : i32
    %add3A_305 = arith.addi %add3A_304, %select_n3A_161 : i32
    %add3A_306 = arith.addi %add3A_305, %select_n3A_189 : i32
    %add3A_307 = arith.addi %add3A_306, %select_n3A_217 : i32
    %add3A_308 = arith.addi %add3A_307, %select_n3A_245 : i32
    %add3A_309 = arith.addi %add3A_308, %select_n3A_273 : i32
    %add3A_310 = arith.addi %add3A_309, %select_n3A_301 : i32
    %broadcast_in_dim3A = arith.constant 0.000000e+00 : f32
    %broadcast_in_dim3A_311 = vector.broadcast %broadcast_in_dim3A : f32 to vector<32x128xf32>
    %eq3A_312 = arith.constant 0 : i32
    %eq3A_313 = vector.broadcast %eq3A_312 : i32 to vector<32x128xi32>
    %eq3A_314 = arith.cmpi eq, %get3A_1, %eq3A_313 : vector<32x128xi32>
    %convert_element_type3A_315 = arith.extui %eq3A_314 : vector<32x128xi1> to vector<32x128xi32>
    %convert_element_type3A_316 = arith.sitofp %convert_element_type3A_315 : vector<32x128xi32> to vector<32x128xf32>
    %broadcast_in_dim3A_317 = arith.constant 0.000000e+00 : f32
    %broadcast_in_dim3A_318 = vector.broadcast %broadcast_in_dim3A_317 : f32 to vector<32x1xf32>
    %slice3A = vector.extract_strided_slice %convert_element_type3A_316 {offsets = [0, 0], sizes = [32, 127], strides = [1, 1]} : vector<32x128xf32> to vector<32x127xf32>
    %concatenate3A = tpu.concatenate %broadcast_in_dim3A_318, %slice3A in 1 : vector<32x1xf32>, vector<32x127xf32> -> vector<32x128xf32>
    %add3A_319 = arith.addf %convert_element_type3A_316, %concatenate3A : vector<32x128xf32>
    %broadcast_in_dim3A_320 = arith.constant 0.000000e+00 : f32
    %broadcast_in_dim3A_321 = vector.broadcast %broadcast_in_dim3A_320 : f32 to vector<32x2xf32>
    %slice3A_322 = vector.extract_strided_slice %add3A_319 {offsets = [0, 0], sizes = [32, 126], strides = [1, 1]} : vector<32x128xf32> to vector<32x126xf32>
    %concatenate3A_323 = tpu.concatenate %broadcast_in_dim3A_321, %slice3A_322 in 1 : vector<32x2xf32>, vector<32x126xf32> -> vector<32x128xf32>
    %add3A_324 = arith.addf %add3A_319, %concatenate3A_323 : vector<32x128xf32>
    %broadcast_in_dim3A_325 = arith.constant 0.000000e+00 : f32
    %broadcast_in_dim3A_326 = vector.broadcast %broadcast_in_dim3A_325 : f32 to vector<32x4xf32>
    %slice3A_327 = vector.extract_strided_slice %add3A_324 {offsets = [0, 0], sizes = [32, 124], strides = [1, 1]} : vector<32x128xf32> to vector<32x124xf32>
    %concatenate3A_328 = tpu.concatenate %broadcast_in_dim3A_326, %slice3A_327 in 1 : vector<32x4xf32>, vector<32x124xf32> -> vector<32x128xf32>
    %add3A_329 = arith.addf %add3A_324, %concatenate3A_328 : vector<32x128xf32>
    %broadcast_in_dim3A_330 = arith.constant 0.000000e+00 : f32
    %broadcast_in_dim3A_331 = vector.broadcast %broadcast_in_dim3A_330 : f32 to vector<32x8xf32>
    %slice3A_332 = vector.extract_strided_slice %add3A_329 {offsets = [0, 0], sizes = [32, 120], strides = [1, 1]} : vector<32x128xf32> to vector<32x120xf32>
    %concatenate3A_333 = tpu.concatenate %broadcast_in_dim3A_331, %slice3A_332 in 1 : vector<32x8xf32>, vector<32x120xf32> -> vector<32x128xf32>
    %add3A_334 = arith.addf %add3A_329, %concatenate3A_333 : vector<32x128xf32>
    %broadcast_in_dim3A_335 = arith.constant 0.000000e+00 : f32
    %broadcast_in_dim3A_336 = vector.broadcast %broadcast_in_dim3A_335 : f32 to vector<32x16xf32>
    %slice3A_337 = vector.extract_strided_slice %add3A_334 {offsets = [0, 0], sizes = [32, 112], strides = [1, 1]} : vector<32x128xf32> to vector<32x112xf32>
    %concatenate3A_338 = tpu.concatenate %broadcast_in_dim3A_336, %slice3A_337 in 1 : vector<32x16xf32>, vector<32x112xf32> -> vector<32x128xf32>
    %add3A_339 = arith.addf %add3A_334, %concatenate3A_338 : vector<32x128xf32>
    %broadcast_in_dim3A_340 = arith.constant 0.000000e+00 : f32
    %broadcast_in_dim3A_341 = vector.broadcast %broadcast_in_dim3A_340 : f32 to vector<32x32xf32>
    %slice3A_342 = vector.extract_strided_slice %add3A_339 {offsets = [0, 0], sizes = [32, 96], strides = [1, 1]} : vector<32x128xf32> to vector<32x96xf32>
    %concatenate3A_343 = tpu.concatenate %broadcast_in_dim3A_341, %slice3A_342 in 1 : vector<32x32xf32>, vector<32x96xf32> -> vector<32x128xf32>
    %add3A_344 = arith.addf %add3A_339, %concatenate3A_343 : vector<32x128xf32>
    %broadcast_in_dim3A_345 = arith.constant 0.000000e+00 : f32
    %broadcast_in_dim3A_346 = vector.broadcast %broadcast_in_dim3A_345 : f32 to vector<32x64xf32>
    %slice3A_347 = vector.extract_strided_slice %add3A_344 {offsets = [0, 0], sizes = [32, 64], strides = [1, 1]} : vector<32x128xf32> to vector<32x64xf32>
    %concatenate3A_348 = tpu.concatenate %broadcast_in_dim3A_346, %slice3A_347 in 1 : vector<32x64xf32>, vector<32x64xf32> -> vector<32x128xf32>
    %add3A_349 = arith.addf %add3A_344, %concatenate3A_348 : vector<32x128xf32>
    %slice3A_350 = vector.extract_strided_slice %add3A_349 {offsets = [0, 127], sizes = [32, 1], strides = [1, 1]} : vector<32x128xf32> to vector<32x1xf32>
    %broadcast_in_dim3A_351 = arith.constant 0.000000e+00 : f32
    %broadcast_in_dim3A_352 = vector.broadcast %broadcast_in_dim3A_351 : f32 to vector<1x1xf32>
    %slice3A_353 = vector.extract_strided_slice %slice3A_350 {offsets = [0, 0], sizes = [31, 1], strides = [1, 1]} : vector<32x1xf32> to vector<31x1xf32>
    %concatenate3A_354 = tpu.concatenate %broadcast_in_dim3A_352, %slice3A_353 in 0 : vector<1x1xf32>, vector<31x1xf32> -> vector<32x1xf32>
    %add3A_355 = arith.addf %slice3A_350, %concatenate3A_354 : vector<32x1xf32>
    %broadcast_in_dim3A_356 = arith.constant 0.000000e+00 : f32
    %broadcast_in_dim3A_357 = vector.broadcast %broadcast_in_dim3A_356 : f32 to vector<2x1xf32>
    %slice3A_358 = vector.extract_strided_slice %add3A_355 {offsets = [0, 0], sizes = [30, 1], strides = [1, 1]} : vector<32x1xf32> to vector<30x1xf32>
    %concatenate3A_359 = tpu.concatenate %broadcast_in_dim3A_357, %slice3A_358 in 0 : vector<2x1xf32>, vector<30x1xf32> -> vector<32x1xf32>
    %add3A_360 = arith.addf %add3A_355, %concatenate3A_359 : vector<32x1xf32>
    %broadcast_in_dim3A_361 = arith.constant 0.000000e+00 : f32
    %broadcast_in_dim3A_362 = vector.broadcast %broadcast_in_dim3A_361 : f32 to vector<4x1xf32>
    %slice3A_363 = vector.extract_strided_slice %add3A_360 {offsets = [0, 0], sizes = [28, 1], strides = [1, 1]} : vector<32x1xf32> to vector<28x1xf32>
    %concatenate3A_364 = tpu.concatenate %broadcast_in_dim3A_362, %slice3A_363 in 0 : vector<4x1xf32>, vector<28x1xf32> -> vector<32x1xf32>
    %add3A_365 = arith.addf %add3A_360, %concatenate3A_364 : vector<32x1xf32>
    %broadcast_in_dim3A_366 = arith.constant 0.000000e+00 : f32
    %broadcast_in_dim3A_367 = vector.broadcast %broadcast_in_dim3A_366 : f32 to vector<8x1xf32>
    %slice3A_368 = vector.extract_strided_slice %add3A_365 {offsets = [0, 0], sizes = [24, 1], strides = [1, 1]} : vector<32x1xf32> to vector<24x1xf32>
    %concatenate3A_369 = tpu.concatenate %broadcast_in_dim3A_367, %slice3A_368 in 0 : vector<8x1xf32>, vector<24x1xf32> -> vector<32x1xf32>
    %add3A_370 = arith.addf %add3A_365, %concatenate3A_369 : vector<32x1xf32>
    %broadcast_in_dim3A_371 = arith.constant 0.000000e+00 : f32
    %broadcast_in_dim3A_372 = vector.broadcast %broadcast_in_dim3A_371 : f32 to vector<16x1xf32>
    %slice3A_373 = vector.extract_strided_slice %add3A_370 {offsets = [0, 0], sizes = [16, 1], strides = [1, 1]} : vector<32x1xf32> to vector<16x1xf32>
    %concatenate3A_374 = tpu.concatenate %broadcast_in_dim3A_372, %slice3A_373 in 0 : vector<16x1xf32>, vector<16x1xf32> -> vector<32x1xf32>
    %add3A_375 = arith.addf %add3A_370, %concatenate3A_374 : vector<32x1xf32>
    %sub3A_376 = arith.subf %add3A_375, %slice3A_350 : vector<32x1xf32>
    %add3A_377 = vector.broadcast %sub3A_376 : vector<32x1xf32> to vector<32x128xf32>
    %add3A_378 = arith.addf %add3A_349, %add3A_377 : vector<32x128xf32>
    %sub3A_379 = arith.constant 1.000000e+00 : f32
    %sub3A_380 = vector.broadcast %sub3A_379 : f32 to vector<32x128xf32>
    %sub3A_381 = arith.subf %add3A_378, %sub3A_380 : vector<32x128xf32>
    %mul3A = arith.constant 0 : i32
    %mul3A_382 = arith.constant 256 : i32
    %mul3A_383 = arith.muli %mul3A, %mul3A_382 : i32
    %convert_element_type3A_384 = arith.sitofp %mul3A_383 : i32 to f32
    %add3A_385 = vector.broadcast %convert_element_type3A_384 : f32 to vector<32x128xf32>
    %add3A_386 = arith.addf %sub3A_381, %add3A_385 : vector<32x128xf32>
    %mul3A_387 = arith.mulf %convert_element_type3A_316, %add3A_386 : vector<32x128xf32>
    %add3A_388 = arith.addf %broadcast_in_dim3A_311, %mul3A_387 : vector<32x128xf32>
    %eq3A_389 = arith.constant 1 : i32
    %eq3A_390 = vector.broadcast %eq3A_389 : i32 to vector<32x128xi32>
    %eq3A_391 = arith.cmpi eq, %get3A_1, %eq3A_390 : vector<32x128xi32>
    %convert_element_type3A_392 = arith.extui %eq3A_391 : vector<32x128xi1> to vector<32x128xi32>
    %convert_element_type3A_393 = arith.sitofp %convert_element_type3A_392 : vector<32x128xi32> to vector<32x128xf32>
    %broadcast_in_dim3A_394 = arith.constant 0.000000e+00 : f32
    %broadcast_in_dim3A_395 = vector.broadcast %broadcast_in_dim3A_394 : f32 to vector<32x1xf32>
    %slice3A_396 = vector.extract_strided_slice %convert_element_type3A_393 {offsets = [0, 0], sizes = [32, 127], strides = [1, 1]} : vector<32x128xf32> to vector<32x127xf32>
    %concatenate3A_397 = tpu.concatenate %broadcast_in_dim3A_395, %slice3A_396 in 1 : vector<32x1xf32>, vector<32x127xf32> -> vector<32x128xf32>
    %add3A_398 = arith.addf %convert_element_type3A_393, %concatenate3A_397 : vector<32x128xf32>
    %broadcast_in_dim3A_399 = arith.constant 0.000000e+00 : f32
    %broadcast_in_dim3A_400 = vector.broadcast %broadcast_in_dim3A_399 : f32 to vector<32x2xf32>
    %slice3A_401 = vector.extract_strided_slice %add3A_398 {offsets = [0, 0], sizes = [32, 126], strides = [1, 1]} : vector<32x128xf32> to vector<32x126xf32>
    %concatenate3A_402 = tpu.concatenate %broadcast_in_dim3A_400, %slice3A_401 in 1 : vector<32x2xf32>, vector<32x126xf32> -> vector<32x128xf32>
    %add3A_403 = arith.addf %add3A_398, %concatenate3A_402 : vector<32x128xf32>
    %broadcast_in_dim3A_404 = arith.constant 0.000000e+00 : f32
    %broadcast_in_dim3A_405 = vector.broadcast %broadcast_in_dim3A_404 : f32 to vector<32x4xf32>
    %slice3A_406 = vector.extract_strided_slice %add3A_403 {offsets = [0, 0], sizes = [32, 124], strides = [1, 1]} : vector<32x128xf32> to vector<32x124xf32>
    %concatenate3A_407 = tpu.concatenate %broadcast_in_dim3A_405, %slice3A_406 in 1 : vector<32x4xf32>, vector<32x124xf32> -> vector<32x128xf32>
    %add3A_408 = arith.addf %add3A_403, %concatenate3A_407 : vector<32x128xf32>
    %broadcast_in_dim3A_409 = arith.constant 0.000000e+00 : f32
    %broadcast_in_dim3A_410 = vector.broadcast %broadcast_in_dim3A_409 : f32 to vector<32x8xf32>
    %slice3A_411 = vector.extract_strided_slice %add3A_408 {offsets = [0, 0], sizes = [32, 120], strides = [1, 1]} : vector<32x128xf32> to vector<32x120xf32>
    %concatenate3A_412 = tpu.concatenate %broadcast_in_dim3A_410, %slice3A_411 in 1 : vector<32x8xf32>, vector<32x120xf32> -> vector<32x128xf32>
    %add3A_413 = arith.addf %add3A_408, %concatenate3A_412 : vector<32x128xf32>
    %broadcast_in_dim3A_414 = arith.constant 0.000000e+00 : f32
    %broadcast_in_dim3A_415 = vector.broadcast %broadcast_in_dim3A_414 : f32 to vector<32x16xf32>
    %slice3A_416 = vector.extract_strided_slice %add3A_413 {offsets = [0, 0], sizes = [32, 112], strides = [1, 1]} : vector<32x128xf32> to vector<32x112xf32>
    %concatenate3A_417 = tpu.concatenate %broadcast_in_dim3A_415, %slice3A_416 in 1 : vector<32x16xf32>, vector<32x112xf32> -> vector<32x128xf32>
    %add3A_418 = arith.addf %add3A_413, %concatenate3A_417 : vector<32x128xf32>
    %broadcast_in_dim3A_419 = arith.constant 0.000000e+00 : f32
    %broadcast_in_dim3A_420 = vector.broadcast %broadcast_in_dim3A_419 : f32 to vector<32x32xf32>
    %slice3A_421 = vector.extract_strided_slice %add3A_418 {offsets = [0, 0], sizes = [32, 96], strides = [1, 1]} : vector<32x128xf32> to vector<32x96xf32>
    %concatenate3A_422 = tpu.concatenate %broadcast_in_dim3A_420, %slice3A_421 in 1 : vector<32x32xf32>, vector<32x96xf32> -> vector<32x128xf32>
    %add3A_423 = arith.addf %add3A_418, %concatenate3A_422 : vector<32x128xf32>
    %broadcast_in_dim3A_424 = arith.constant 0.000000e+00 : f32
    %broadcast_in_dim3A_425 = vector.broadcast %broadcast_in_dim3A_424 : f32 to vector<32x64xf32>
    %slice3A_426 = vector.extract_strided_slice %add3A_423 {offsets = [0, 0], sizes = [32, 64], strides = [1, 1]} : vector<32x128xf32> to vector<32x64xf32>
    %concatenate3A_427 = tpu.concatenate %broadcast_in_dim3A_425, %slice3A_426 in 1 : vector<32x64xf32>, vector<32x64xf32> -> vector<32x128xf32>
    %add3A_428 = arith.addf %add3A_423, %concatenate3A_427 : vector<32x128xf32>
    %slice3A_429 = vector.extract_strided_slice %add3A_428 {offsets = [0, 127], sizes = [32, 1], strides = [1, 1]} : vector<32x128xf32> to vector<32x1xf32>
    %broadcast_in_dim3A_430 = arith.constant 0.000000e+00 : f32
    %broadcast_in_dim3A_431 = vector.broadcast %broadcast_in_dim3A_430 : f32 to vector<1x1xf32>
    %slice3A_432 = vector.extract_strided_slice %slice3A_429 {offsets = [0, 0], sizes = [31, 1], strides = [1, 1]} : vector<32x1xf32> to vector<31x1xf32>
    %concatenate3A_433 = tpu.concatenate %broadcast_in_dim3A_431, %slice3A_432 in 0 : vector<1x1xf32>, vector<31x1xf32> -> vector<32x1xf32>
    %add3A_434 = arith.addf %slice3A_429, %concatenate3A_433 : vector<32x1xf32>
    %broadcast_in_dim3A_435 = arith.constant 0.000000e+00 : f32
    %broadcast_in_dim3A_436 = vector.broadcast %broadcast_in_dim3A_435 : f32 to vector<2x1xf32>
    %slice3A_437 = vector.extract_strided_slice %add3A_434 {offsets = [0, 0], sizes = [30, 1], strides = [1, 1]} : vector<32x1xf32> to vector<30x1xf32>
    %concatenate3A_438 = tpu.concatenate %broadcast_in_dim3A_436, %slice3A_437 in 0 : vector<2x1xf32>, vector<30x1xf32> -> vector<32x1xf32>
    %add3A_439 = arith.addf %add3A_434, %concatenate3A_438 : vector<32x1xf32>
    %broadcast_in_dim3A_440 = arith.constant 0.000000e+00 : f32
    %broadcast_in_dim3A_441 = vector.broadcast %broadcast_in_dim3A_440 : f32 to vector<4x1xf32>
    %slice3A_442 = vector.extract_strided_slice %add3A_439 {offsets = [0, 0], sizes = [28, 1], strides = [1, 1]} : vector<32x1xf32> to vector<28x1xf32>
    %concatenate3A_443 = tpu.concatenate %broadcast_in_dim3A_441, %slice3A_442 in 0 : vector<4x1xf32>, vector<28x1xf32> -> vector<32x1xf32>
    %add3A_444 = arith.addf %add3A_439, %concatenate3A_443 : vector<32x1xf32>
    %broadcast_in_dim3A_445 = arith.constant 0.000000e+00 : f32
    %broadcast_in_dim3A_446 = vector.broadcast %broadcast_in_dim3A_445 : f32 to vector<8x1xf32>
    %slice3A_447 = vector.extract_strided_slice %add3A_444 {offsets = [0, 0], sizes = [24, 1], strides = [1, 1]} : vector<32x1xf32> to vector<24x1xf32>
    %concatenate3A_448 = tpu.concatenate %broadcast_in_dim3A_446, %slice3A_447 in 0 : vector<8x1xf32>, vector<24x1xf32> -> vector<32x1xf32>
    %add3A_449 = arith.addf %add3A_444, %concatenate3A_448 : vector<32x1xf32>
    %broadcast_in_dim3A_450 = arith.constant 0.000000e+00 : f32
    %broadcast_in_dim3A_451 = vector.broadcast %broadcast_in_dim3A_450 : f32 to vector<16x1xf32>
    %slice3A_452 = vector.extract_strided_slice %add3A_449 {offsets = [0, 0], sizes = [16, 1], strides = [1, 1]} : vector<32x1xf32> to vector<16x1xf32>
    %concatenate3A_453 = tpu.concatenate %broadcast_in_dim3A_451, %slice3A_452 in 0 : vector<16x1xf32>, vector<16x1xf32> -> vector<32x1xf32>
    %add3A_454 = arith.addf %add3A_449, %concatenate3A_453 : vector<32x1xf32>
    %sub3A_455 = arith.subf %add3A_454, %slice3A_429 : vector<32x1xf32>
    %add3A_456 = vector.broadcast %sub3A_455 : vector<32x1xf32> to vector<32x128xf32>
    %add3A_457 = arith.addf %add3A_428, %add3A_456 : vector<32x128xf32>
    %sub3A_458 = arith.constant 1.000000e+00 : f32
    %sub3A_459 = vector.broadcast %sub3A_458 : f32 to vector<32x128xf32>
    %sub3A_460 = arith.subf %add3A_457, %sub3A_459 : vector<32x128xf32>
    %mul3A_461 = arith.constant 256 : i32
    %mul3A_462 = arith.muli %add3A_303, %mul3A_461 : i32
    %convert_element_type3A_463 = arith.sitofp %mul3A_462 : i32 to f32
    %add3A_464 = vector.broadcast %convert_element_type3A_463 : f32 to vector<32x128xf32>
    %add3A_465 = arith.addf %sub3A_460, %add3A_464 : vector<32x128xf32>
    %mul3A_466 = arith.mulf %convert_element_type3A_393, %add3A_465 : vector<32x128xf32>
    %add3A_467 = arith.addf %add3A_388, %mul3A_466 : vector<32x128xf32>
    %eq3A_468 = arith.constant 2 : i32
    %eq3A_469 = vector.broadcast %eq3A_468 : i32 to vector<32x128xi32>
    %eq3A_470 = arith.cmpi eq, %get3A_1, %eq3A_469 : vector<32x128xi32>
    %convert_element_type3A_471 = arith.extui %eq3A_470 : vector<32x128xi1> to vector<32x128xi32>
    %convert_element_type3A_472 = arith.sitofp %convert_element_type3A_471 : vector<32x128xi32> to vector<32x128xf32>
    %broadcast_in_dim3A_473 = arith.constant 0.000000e+00 : f32
    %broadcast_in_dim3A_474 = vector.broadcast %broadcast_in_dim3A_473 : f32 to vector<32x1xf32>
    %slice3A_475 = vector.extract_strided_slice %convert_element_type3A_472 {offsets = [0, 0], sizes = [32, 127], strides = [1, 1]} : vector<32x128xf32> to vector<32x127xf32>
    %concatenate3A_476 = tpu.concatenate %broadcast_in_dim3A_474, %slice3A_475 in 1 : vector<32x1xf32>, vector<32x127xf32> -> vector<32x128xf32>
    %add3A_477 = arith.addf %convert_element_type3A_472, %concatenate3A_476 : vector<32x128xf32>
    %broadcast_in_dim3A_478 = arith.constant 0.000000e+00 : f32
    %broadcast_in_dim3A_479 = vector.broadcast %broadcast_in_dim3A_478 : f32 to vector<32x2xf32>
    %slice3A_480 = vector.extract_strided_slice %add3A_477 {offsets = [0, 0], sizes = [32, 126], strides = [1, 1]} : vector<32x128xf32> to vector<32x126xf32>
    %concatenate3A_481 = tpu.concatenate %broadcast_in_dim3A_479, %slice3A_480 in 1 : vector<32x2xf32>, vector<32x126xf32> -> vector<32x128xf32>
    %add3A_482 = arith.addf %add3A_477, %concatenate3A_481 : vector<32x128xf32>
    %broadcast_in_dim3A_483 = arith.constant 0.000000e+00 : f32
    %broadcast_in_dim3A_484 = vector.broadcast %broadcast_in_dim3A_483 : f32 to vector<32x4xf32>
    %slice3A_485 = vector.extract_strided_slice %add3A_482 {offsets = [0, 0], sizes = [32, 124], strides = [1, 1]} : vector<32x128xf32> to vector<32x124xf32>
    %concatenate3A_486 = tpu.concatenate %broadcast_in_dim3A_484, %slice3A_485 in 1 : vector<32x4xf32>, vector<32x124xf32> -> vector<32x128xf32>
    %add3A_487 = arith.addf %add3A_482, %concatenate3A_486 : vector<32x128xf32>
    %broadcast_in_dim3A_488 = arith.constant 0.000000e+00 : f32
    %broadcast_in_dim3A_489 = vector.broadcast %broadcast_in_dim3A_488 : f32 to vector<32x8xf32>
    %slice3A_490 = vector.extract_strided_slice %add3A_487 {offsets = [0, 0], sizes = [32, 120], strides = [1, 1]} : vector<32x128xf32> to vector<32x120xf32>
    %concatenate3A_491 = tpu.concatenate %broadcast_in_dim3A_489, %slice3A_490 in 1 : vector<32x8xf32>, vector<32x120xf32> -> vector<32x128xf32>
    %add3A_492 = arith.addf %add3A_487, %concatenate3A_491 : vector<32x128xf32>
    %broadcast_in_dim3A_493 = arith.constant 0.000000e+00 : f32
    %broadcast_in_dim3A_494 = vector.broadcast %broadcast_in_dim3A_493 : f32 to vector<32x16xf32>
    %slice3A_495 = vector.extract_strided_slice %add3A_492 {offsets = [0, 0], sizes = [32, 112], strides = [1, 1]} : vector<32x128xf32> to vector<32x112xf32>
    %concatenate3A_496 = tpu.concatenate %broadcast_in_dim3A_494, %slice3A_495 in 1 : vector<32x16xf32>, vector<32x112xf32> -> vector<32x128xf32>
    %add3A_497 = arith.addf %add3A_492, %concatenate3A_496 : vector<32x128xf32>
    %broadcast_in_dim3A_498 = arith.constant 0.000000e+00 : f32
    %broadcast_in_dim3A_499 = vector.broadcast %broadcast_in_dim3A_498 : f32 to vector<32x32xf32>
    %slice3A_500 = vector.extract_strided_slice %add3A_497 {offsets = [0, 0], sizes = [32, 96], strides = [1, 1]} : vector<32x128xf32> to vector<32x96xf32>
    %concatenate3A_501 = tpu.concatenate %broadcast_in_dim3A_499, %slice3A_500 in 1 : vector<32x32xf32>, vector<32x96xf32> -> vector<32x128xf32>
    %add3A_502 = arith.addf %add3A_497, %concatenate3A_501 : vector<32x128xf32>
    %broadcast_in_dim3A_503 = arith.constant 0.000000e+00 : f32
    %broadcast_in_dim3A_504 = vector.broadcast %broadcast_in_dim3A_503 : f32 to vector<32x64xf32>
    %slice3A_505 = vector.extract_strided_slice %add3A_502 {offsets = [0, 0], sizes = [32, 64], strides = [1, 1]} : vector<32x128xf32> to vector<32x64xf32>
    %concatenate3A_506 = tpu.concatenate %broadcast_in_dim3A_504, %slice3A_505 in 1 : vector<32x64xf32>, vector<32x64xf32> -> vector<32x128xf32>
    %add3A_507 = arith.addf %add3A_502, %concatenate3A_506 : vector<32x128xf32>
    %slice3A_508 = vector.extract_strided_slice %add3A_507 {offsets = [0, 127], sizes = [32, 1], strides = [1, 1]} : vector<32x128xf32> to vector<32x1xf32>
    %broadcast_in_dim3A_509 = arith.constant 0.000000e+00 : f32
    %broadcast_in_dim3A_510 = vector.broadcast %broadcast_in_dim3A_509 : f32 to vector<1x1xf32>
    %slice3A_511 = vector.extract_strided_slice %slice3A_508 {offsets = [0, 0], sizes = [31, 1], strides = [1, 1]} : vector<32x1xf32> to vector<31x1xf32>
    %concatenate3A_512 = tpu.concatenate %broadcast_in_dim3A_510, %slice3A_511 in 0 : vector<1x1xf32>, vector<31x1xf32> -> vector<32x1xf32>
    %add3A_513 = arith.addf %slice3A_508, %concatenate3A_512 : vector<32x1xf32>
    %broadcast_in_dim3A_514 = arith.constant 0.000000e+00 : f32
    %broadcast_in_dim3A_515 = vector.broadcast %broadcast_in_dim3A_514 : f32 to vector<2x1xf32>
    %slice3A_516 = vector.extract_strided_slice %add3A_513 {offsets = [0, 0], sizes = [30, 1], strides = [1, 1]} : vector<32x1xf32> to vector<30x1xf32>
    %concatenate3A_517 = tpu.concatenate %broadcast_in_dim3A_515, %slice3A_516 in 0 : vector<2x1xf32>, vector<30x1xf32> -> vector<32x1xf32>
    %add3A_518 = arith.addf %add3A_513, %concatenate3A_517 : vector<32x1xf32>
    %broadcast_in_dim3A_519 = arith.constant 0.000000e+00 : f32
    %broadcast_in_dim3A_520 = vector.broadcast %broadcast_in_dim3A_519 : f32 to vector<4x1xf32>
    %slice3A_521 = vector.extract_strided_slice %add3A_518 {offsets = [0, 0], sizes = [28, 1], strides = [1, 1]} : vector<32x1xf32> to vector<28x1xf32>
    %concatenate3A_522 = tpu.concatenate %broadcast_in_dim3A_520, %slice3A_521 in 0 : vector<4x1xf32>, vector<28x1xf32> -> vector<32x1xf32>
    %add3A_523 = arith.addf %add3A_518, %concatenate3A_522 : vector<32x1xf32>
    %broadcast_in_dim3A_524 = arith.constant 0.000000e+00 : f32
    %broadcast_in_dim3A_525 = vector.broadcast %broadcast_in_dim3A_524 : f32 to vector<8x1xf32>
    %slice3A_526 = vector.extract_strided_slice %add3A_523 {offsets = [0, 0], sizes = [24, 1], strides = [1, 1]} : vector<32x1xf32> to vector<24x1xf32>
    %concatenate3A_527 = tpu.concatenate %broadcast_in_dim3A_525, %slice3A_526 in 0 : vector<8x1xf32>, vector<24x1xf32> -> vector<32x1xf32>
    %add3A_528 = arith.addf %add3A_523, %concatenate3A_527 : vector<32x1xf32>
    %broadcast_in_dim3A_529 = arith.constant 0.000000e+00 : f32
    %broadcast_in_dim3A_530 = vector.broadcast %broadcast_in_dim3A_529 : f32 to vector<16x1xf32>
    %slice3A_531 = vector.extract_strided_slice %add3A_528 {offsets = [0, 0], sizes = [16, 1], strides = [1, 1]} : vector<32x1xf32> to vector<16x1xf32>
    %concatenate3A_532 = tpu.concatenate %broadcast_in_dim3A_530, %slice3A_531 in 0 : vector<16x1xf32>, vector<16x1xf32> -> vector<32x1xf32>
    %add3A_533 = arith.addf %add3A_528, %concatenate3A_532 : vector<32x1xf32>
    %sub3A_534 = arith.subf %add3A_533, %slice3A_508 : vector<32x1xf32>
    %add3A_535 = vector.broadcast %sub3A_534 : vector<32x1xf32> to vector<32x128xf32>
    %add3A_536 = arith.addf %add3A_507, %add3A_535 : vector<32x128xf32>
    %sub3A_537 = arith.constant 1.000000e+00 : f32
    %sub3A_538 = vector.broadcast %sub3A_537 : f32 to vector<32x128xf32>
    %sub3A_539 = arith.subf %add3A_536, %sub3A_538 : vector<32x128xf32>
    %mul3A_540 = arith.constant 256 : i32
    %mul3A_541 = arith.muli %add3A_304, %mul3A_540 : i32
    %convert_element_type3A_542 = arith.sitofp %mul3A_541 : i32 to f32
    %add3A_543 = vector.broadcast %convert_element_type3A_542 : f32 to vector<32x128xf32>
    %add3A_544 = arith.addf %sub3A_539, %add3A_543 : vector<32x128xf32>
    %mul3A_545 = arith.mulf %convert_element_type3A_472, %add3A_544 : vector<32x128xf32>
    %add3A_546 = arith.addf %add3A_467, %mul3A_545 : vector<32x128xf32>
    %eq3A_547 = arith.constant 3 : i32
    %eq3A_548 = vector.broadcast %eq3A_547 : i32 to vector<32x128xi32>
    %eq3A_549 = arith.cmpi eq, %get3A_1, %eq3A_548 : vector<32x128xi32>
    %convert_element_type3A_550 = arith.extui %eq3A_549 : vector<32x128xi1> to vector<32x128xi32>
    %convert_element_type3A_551 = arith.sitofp %convert_element_type3A_550 : vector<32x128xi32> to vector<32x128xf32>
    %broadcast_in_dim3A_552 = arith.constant 0.000000e+00 : f32
    %broadcast_in_dim3A_553 = vector.broadcast %broadcast_in_dim3A_552 : f32 to vector<32x1xf32>
    %slice3A_554 = vector.extract_strided_slice %convert_element_type3A_551 {offsets = [0, 0], sizes = [32, 127], strides = [1, 1]} : vector<32x128xf32> to vector<32x127xf32>
    %concatenate3A_555 = tpu.concatenate %broadcast_in_dim3A_553, %slice3A_554 in 1 : vector<32x1xf32>, vector<32x127xf32> -> vector<32x128xf32>
    %add3A_556 = arith.addf %convert_element_type3A_551, %concatenate3A_555 : vector<32x128xf32>
    %broadcast_in_dim3A_557 = arith.constant 0.000000e+00 : f32
    %broadcast_in_dim3A_558 = vector.broadcast %broadcast_in_dim3A_557 : f32 to vector<32x2xf32>
    %slice3A_559 = vector.extract_strided_slice %add3A_556 {offsets = [0, 0], sizes = [32, 126], strides = [1, 1]} : vector<32x128xf32> to vector<32x126xf32>
    %concatenate3A_560 = tpu.concatenate %broadcast_in_dim3A_558, %slice3A_559 in 1 : vector<32x2xf32>, vector<32x126xf32> -> vector<32x128xf32>
    %add3A_561 = arith.addf %add3A_556, %concatenate3A_560 : vector<32x128xf32>
    %broadcast_in_dim3A_562 = arith.constant 0.000000e+00 : f32
    %broadcast_in_dim3A_563 = vector.broadcast %broadcast_in_dim3A_562 : f32 to vector<32x4xf32>
    %slice3A_564 = vector.extract_strided_slice %add3A_561 {offsets = [0, 0], sizes = [32, 124], strides = [1, 1]} : vector<32x128xf32> to vector<32x124xf32>
    %concatenate3A_565 = tpu.concatenate %broadcast_in_dim3A_563, %slice3A_564 in 1 : vector<32x4xf32>, vector<32x124xf32> -> vector<32x128xf32>
    %add3A_566 = arith.addf %add3A_561, %concatenate3A_565 : vector<32x128xf32>
    %broadcast_in_dim3A_567 = arith.constant 0.000000e+00 : f32
    %broadcast_in_dim3A_568 = vector.broadcast %broadcast_in_dim3A_567 : f32 to vector<32x8xf32>
    %slice3A_569 = vector.extract_strided_slice %add3A_566 {offsets = [0, 0], sizes = [32, 120], strides = [1, 1]} : vector<32x128xf32> to vector<32x120xf32>
    %concatenate3A_570 = tpu.concatenate %broadcast_in_dim3A_568, %slice3A_569 in 1 : vector<32x8xf32>, vector<32x120xf32> -> vector<32x128xf32>
    %add3A_571 = arith.addf %add3A_566, %concatenate3A_570 : vector<32x128xf32>
    %broadcast_in_dim3A_572 = arith.constant 0.000000e+00 : f32
    %broadcast_in_dim3A_573 = vector.broadcast %broadcast_in_dim3A_572 : f32 to vector<32x16xf32>
    %slice3A_574 = vector.extract_strided_slice %add3A_571 {offsets = [0, 0], sizes = [32, 112], strides = [1, 1]} : vector<32x128xf32> to vector<32x112xf32>
    %concatenate3A_575 = tpu.concatenate %broadcast_in_dim3A_573, %slice3A_574 in 1 : vector<32x16xf32>, vector<32x112xf32> -> vector<32x128xf32>
    %add3A_576 = arith.addf %add3A_571, %concatenate3A_575 : vector<32x128xf32>
    %broadcast_in_dim3A_577 = arith.constant 0.000000e+00 : f32
    %broadcast_in_dim3A_578 = vector.broadcast %broadcast_in_dim3A_577 : f32 to vector<32x32xf32>
    %slice3A_579 = vector.extract_strided_slice %add3A_576 {offsets = [0, 0], sizes = [32, 96], strides = [1, 1]} : vector<32x128xf32> to vector<32x96xf32>
    %concatenate3A_580 = tpu.concatenate %broadcast_in_dim3A_578, %slice3A_579 in 1 : vector<32x32xf32>, vector<32x96xf32> -> vector<32x128xf32>
    %add3A_581 = arith.addf %add3A_576, %concatenate3A_580 : vector<32x128xf32>
    %broadcast_in_dim3A_582 = arith.constant 0.000000e+00 : f32
    %broadcast_in_dim3A_583 = vector.broadcast %broadcast_in_dim3A_582 : f32 to vector<32x64xf32>
    %slice3A_584 = vector.extract_strided_slice %add3A_581 {offsets = [0, 0], sizes = [32, 64], strides = [1, 1]} : vector<32x128xf32> to vector<32x64xf32>
    %concatenate3A_585 = tpu.concatenate %broadcast_in_dim3A_583, %slice3A_584 in 1 : vector<32x64xf32>, vector<32x64xf32> -> vector<32x128xf32>
    %add3A_586 = arith.addf %add3A_581, %concatenate3A_585 : vector<32x128xf32>
    %slice3A_587 = vector.extract_strided_slice %add3A_586 {offsets = [0, 127], sizes = [32, 1], strides = [1, 1]} : vector<32x128xf32> to vector<32x1xf32>
    %broadcast_in_dim3A_588 = arith.constant 0.000000e+00 : f32
    %broadcast_in_dim3A_589 = vector.broadcast %broadcast_in_dim3A_588 : f32 to vector<1x1xf32>
    %slice3A_590 = vector.extract_strided_slice %slice3A_587 {offsets = [0, 0], sizes = [31, 1], strides = [1, 1]} : vector<32x1xf32> to vector<31x1xf32>
    %concatenate3A_591 = tpu.concatenate %broadcast_in_dim3A_589, %slice3A_590 in 0 : vector<1x1xf32>, vector<31x1xf32> -> vector<32x1xf32>
    %add3A_592 = arith.addf %slice3A_587, %concatenate3A_591 : vector<32x1xf32>
    %broadcast_in_dim3A_593 = arith.constant 0.000000e+00 : f32
    %broadcast_in_dim3A_594 = vector.broadcast %broadcast_in_dim3A_593 : f32 to vector<2x1xf32>
    %slice3A_595 = vector.extract_strided_slice %add3A_592 {offsets = [0, 0], sizes = [30, 1], strides = [1, 1]} : vector<32x1xf32> to vector<30x1xf32>
    %concatenate3A_596 = tpu.concatenate %broadcast_in_dim3A_594, %slice3A_595 in 0 : vector<2x1xf32>, vector<30x1xf32> -> vector<32x1xf32>
    %add3A_597 = arith.addf %add3A_592, %concatenate3A_596 : vector<32x1xf32>
    %broadcast_in_dim3A_598 = arith.constant 0.000000e+00 : f32
    %broadcast_in_dim3A_599 = vector.broadcast %broadcast_in_dim3A_598 : f32 to vector<4x1xf32>
    %slice3A_600 = vector.extract_strided_slice %add3A_597 {offsets = [0, 0], sizes = [28, 1], strides = [1, 1]} : vector<32x1xf32> to vector<28x1xf32>
    %concatenate3A_601 = tpu.concatenate %broadcast_in_dim3A_599, %slice3A_600 in 0 : vector<4x1xf32>, vector<28x1xf32> -> vector<32x1xf32>
    %add3A_602 = arith.addf %add3A_597, %concatenate3A_601 : vector<32x1xf32>
    %broadcast_in_dim3A_603 = arith.constant 0.000000e+00 : f32
    %broadcast_in_dim3A_604 = vector.broadcast %broadcast_in_dim3A_603 : f32 to vector<8x1xf32>
    %slice3A_605 = vector.extract_strided_slice %add3A_602 {offsets = [0, 0], sizes = [24, 1], strides = [1, 1]} : vector<32x1xf32> to vector<24x1xf32>
    %concatenate3A_606 = tpu.concatenate %broadcast_in_dim3A_604, %slice3A_605 in 0 : vector<8x1xf32>, vector<24x1xf32> -> vector<32x1xf32>
    %add3A_607 = arith.addf %add3A_602, %concatenate3A_606 : vector<32x1xf32>
    %broadcast_in_dim3A_608 = arith.constant 0.000000e+00 : f32
    %broadcast_in_dim3A_609 = vector.broadcast %broadcast_in_dim3A_608 : f32 to vector<16x1xf32>
    %slice3A_610 = vector.extract_strided_slice %add3A_607 {offsets = [0, 0], sizes = [16, 1], strides = [1, 1]} : vector<32x1xf32> to vector<16x1xf32>
    %concatenate3A_611 = tpu.concatenate %broadcast_in_dim3A_609, %slice3A_610 in 0 : vector<16x1xf32>, vector<16x1xf32> -> vector<32x1xf32>
    %add3A_612 = arith.addf %add3A_607, %concatenate3A_611 : vector<32x1xf32>
    %sub3A_613 = arith.subf %add3A_612, %slice3A_587 : vector<32x1xf32>
    %add3A_614 = vector.broadcast %sub3A_613 : vector<32x1xf32> to vector<32x128xf32>
    %add3A_615 = arith.addf %add3A_586, %add3A_614 : vector<32x128xf32>
    %sub3A_616 = arith.constant 1.000000e+00 : f32
    %sub3A_617 = vector.broadcast %sub3A_616 : f32 to vector<32x128xf32>
    %sub3A_618 = arith.subf %add3A_615, %sub3A_617 : vector<32x128xf32>
    %mul3A_619 = arith.constant 256 : i32
    %mul3A_620 = arith.muli %add3A_305, %mul3A_619 : i32
    %convert_element_type3A_621 = arith.sitofp %mul3A_620 : i32 to f32
    %add3A_622 = vector.broadcast %convert_element_type3A_621 : f32 to vector<32x128xf32>
    %add3A_623 = arith.addf %sub3A_618, %add3A_622 : vector<32x128xf32>
    %mul3A_624 = arith.mulf %convert_element_type3A_551, %add3A_623 : vector<32x128xf32>
    %add3A_625 = arith.addf %add3A_546, %mul3A_624 : vector<32x128xf32>
    %eq3A_626 = arith.constant 4 : i32
    %eq3A_627 = vector.broadcast %eq3A_626 : i32 to vector<32x128xi32>
    %eq3A_628 = arith.cmpi eq, %get3A_1, %eq3A_627 : vector<32x128xi32>
    %convert_element_type3A_629 = arith.extui %eq3A_628 : vector<32x128xi1> to vector<32x128xi32>
    %convert_element_type3A_630 = arith.sitofp %convert_element_type3A_629 : vector<32x128xi32> to vector<32x128xf32>
    %broadcast_in_dim3A_631 = arith.constant 0.000000e+00 : f32
    %broadcast_in_dim3A_632 = vector.broadcast %broadcast_in_dim3A_631 : f32 to vector<32x1xf32>
    %slice3A_633 = vector.extract_strided_slice %convert_element_type3A_630 {offsets = [0, 0], sizes = [32, 127], strides = [1, 1]} : vector<32x128xf32> to vector<32x127xf32>
    %concatenate3A_634 = tpu.concatenate %broadcast_in_dim3A_632, %slice3A_633 in 1 : vector<32x1xf32>, vector<32x127xf32> -> vector<32x128xf32>
    %add3A_635 = arith.addf %convert_element_type3A_630, %concatenate3A_634 : vector<32x128xf32>
    %broadcast_in_dim3A_636 = arith.constant 0.000000e+00 : f32
    %broadcast_in_dim3A_637 = vector.broadcast %broadcast_in_dim3A_636 : f32 to vector<32x2xf32>
    %slice3A_638 = vector.extract_strided_slice %add3A_635 {offsets = [0, 0], sizes = [32, 126], strides = [1, 1]} : vector<32x128xf32> to vector<32x126xf32>
    %concatenate3A_639 = tpu.concatenate %broadcast_in_dim3A_637, %slice3A_638 in 1 : vector<32x2xf32>, vector<32x126xf32> -> vector<32x128xf32>
    %add3A_640 = arith.addf %add3A_635, %concatenate3A_639 : vector<32x128xf32>
    %broadcast_in_dim3A_641 = arith.constant 0.000000e+00 : f32
    %broadcast_in_dim3A_642 = vector.broadcast %broadcast_in_dim3A_641 : f32 to vector<32x4xf32>
    %slice3A_643 = vector.extract_strided_slice %add3A_640 {offsets = [0, 0], sizes = [32, 124], strides = [1, 1]} : vector<32x128xf32> to vector<32x124xf32>
    %concatenate3A_644 = tpu.concatenate %broadcast_in_dim3A_642, %slice3A_643 in 1 : vector<32x4xf32>, vector<32x124xf32> -> vector<32x128xf32>
    %add3A_645 = arith.addf %add3A_640, %concatenate3A_644 : vector<32x128xf32>
    %broadcast_in_dim3A_646 = arith.constant 0.000000e+00 : f32
    %broadcast_in_dim3A_647 = vector.broadcast %broadcast_in_dim3A_646 : f32 to vector<32x8xf32>
    %slice3A_648 = vector.extract_strided_slice %add3A_645 {offsets = [0, 0], sizes = [32, 120], strides = [1, 1]} : vector<32x128xf32> to vector<32x120xf32>
    %concatenate3A_649 = tpu.concatenate %broadcast_in_dim3A_647, %slice3A_648 in 1 : vector<32x8xf32>, vector<32x120xf32> -> vector<32x128xf32>
    %add3A_650 = arith.addf %add3A_645, %concatenate3A_649 : vector<32x128xf32>
    %broadcast_in_dim3A_651 = arith.constant 0.000000e+00 : f32
    %broadcast_in_dim3A_652 = vector.broadcast %broadcast_in_dim3A_651 : f32 to vector<32x16xf32>
    %slice3A_653 = vector.extract_strided_slice %add3A_650 {offsets = [0, 0], sizes = [32, 112], strides = [1, 1]} : vector<32x128xf32> to vector<32x112xf32>
    %concatenate3A_654 = tpu.concatenate %broadcast_in_dim3A_652, %slice3A_653 in 1 : vector<32x16xf32>, vector<32x112xf32> -> vector<32x128xf32>
    %add3A_655 = arith.addf %add3A_650, %concatenate3A_654 : vector<32x128xf32>
    %broadcast_in_dim3A_656 = arith.constant 0.000000e+00 : f32
    %broadcast_in_dim3A_657 = vector.broadcast %broadcast_in_dim3A_656 : f32 to vector<32x32xf32>
    %slice3A_658 = vector.extract_strided_slice %add3A_655 {offsets = [0, 0], sizes = [32, 96], strides = [1, 1]} : vector<32x128xf32> to vector<32x96xf32>
    %concatenate3A_659 = tpu.concatenate %broadcast_in_dim3A_657, %slice3A_658 in 1 : vector<32x32xf32>, vector<32x96xf32> -> vector<32x128xf32>
    %add3A_660 = arith.addf %add3A_655, %concatenate3A_659 : vector<32x128xf32>
    %broadcast_in_dim3A_661 = arith.constant 0.000000e+00 : f32
    %broadcast_in_dim3A_662 = vector.broadcast %broadcast_in_dim3A_661 : f32 to vector<32x64xf32>
    %slice3A_663 = vector.extract_strided_slice %add3A_660 {offsets = [0, 0], sizes = [32, 64], strides = [1, 1]} : vector<32x128xf32> to vector<32x64xf32>
    %concatenate3A_664 = tpu.concatenate %broadcast_in_dim3A_662, %slice3A_663 in 1 : vector<32x64xf32>, vector<32x64xf32> -> vector<32x128xf32>
    %add3A_665 = arith.addf %add3A_660, %concatenate3A_664 : vector<32x128xf32>
    %slice3A_666 = vector.extract_strided_slice %add3A_665 {offsets = [0, 127], sizes = [32, 1], strides = [1, 1]} : vector<32x128xf32> to vector<32x1xf32>
    %broadcast_in_dim3A_667 = arith.constant 0.000000e+00 : f32
    %broadcast_in_dim3A_668 = vector.broadcast %broadcast_in_dim3A_667 : f32 to vector<1x1xf32>
    %slice3A_669 = vector.extract_strided_slice %slice3A_666 {offsets = [0, 0], sizes = [31, 1], strides = [1, 1]} : vector<32x1xf32> to vector<31x1xf32>
    %concatenate3A_670 = tpu.concatenate %broadcast_in_dim3A_668, %slice3A_669 in 0 : vector<1x1xf32>, vector<31x1xf32> -> vector<32x1xf32>
    %add3A_671 = arith.addf %slice3A_666, %concatenate3A_670 : vector<32x1xf32>
    %broadcast_in_dim3A_672 = arith.constant 0.000000e+00 : f32
    %broadcast_in_dim3A_673 = vector.broadcast %broadcast_in_dim3A_672 : f32 to vector<2x1xf32>
    %slice3A_674 = vector.extract_strided_slice %add3A_671 {offsets = [0, 0], sizes = [30, 1], strides = [1, 1]} : vector<32x1xf32> to vector<30x1xf32>
    %concatenate3A_675 = tpu.concatenate %broadcast_in_dim3A_673, %slice3A_674 in 0 : vector<2x1xf32>, vector<30x1xf32> -> vector<32x1xf32>
    %add3A_676 = arith.addf %add3A_671, %concatenate3A_675 : vector<32x1xf32>
    %broadcast_in_dim3A_677 = arith.constant 0.000000e+00 : f32
    %broadcast_in_dim3A_678 = vector.broadcast %broadcast_in_dim3A_677 : f32 to vector<4x1xf32>
    %slice3A_679 = vector.extract_strided_slice %add3A_676 {offsets = [0, 0], sizes = [28, 1], strides = [1, 1]} : vector<32x1xf32> to vector<28x1xf32>
    %concatenate3A_680 = tpu.concatenate %broadcast_in_dim3A_678, %slice3A_679 in 0 : vector<4x1xf32>, vector<28x1xf32> -> vector<32x1xf32>
    %add3A_681 = arith.addf %add3A_676, %concatenate3A_680 : vector<32x1xf32>
    %broadcast_in_dim3A_682 = arith.constant 0.000000e+00 : f32
    %broadcast_in_dim3A_683 = vector.broadcast %broadcast_in_dim3A_682 : f32 to vector<8x1xf32>
    %slice3A_684 = vector.extract_strided_slice %add3A_681 {offsets = [0, 0], sizes = [24, 1], strides = [1, 1]} : vector<32x1xf32> to vector<24x1xf32>
    %concatenate3A_685 = tpu.concatenate %broadcast_in_dim3A_683, %slice3A_684 in 0 : vector<8x1xf32>, vector<24x1xf32> -> vector<32x1xf32>
    %add3A_686 = arith.addf %add3A_681, %concatenate3A_685 : vector<32x1xf32>
    %broadcast_in_dim3A_687 = arith.constant 0.000000e+00 : f32
    %broadcast_in_dim3A_688 = vector.broadcast %broadcast_in_dim3A_687 : f32 to vector<16x1xf32>
    %slice3A_689 = vector.extract_strided_slice %add3A_686 {offsets = [0, 0], sizes = [16, 1], strides = [1, 1]} : vector<32x1xf32> to vector<16x1xf32>
    %concatenate3A_690 = tpu.concatenate %broadcast_in_dim3A_688, %slice3A_689 in 0 : vector<16x1xf32>, vector<16x1xf32> -> vector<32x1xf32>
    %add3A_691 = arith.addf %add3A_686, %concatenate3A_690 : vector<32x1xf32>
    %sub3A_692 = arith.subf %add3A_691, %slice3A_666 : vector<32x1xf32>
    %add3A_693 = vector.broadcast %sub3A_692 : vector<32x1xf32> to vector<32x128xf32>
    %add3A_694 = arith.addf %add3A_665, %add3A_693 : vector<32x128xf32>
    %sub3A_695 = arith.constant 1.000000e+00 : f32
    %sub3A_696 = vector.broadcast %sub3A_695 : f32 to vector<32x128xf32>
    %sub3A_697 = arith.subf %add3A_694, %sub3A_696 : vector<32x128xf32>
    %mul3A_698 = arith.constant 256 : i32
    %mul3A_699 = arith.muli %add3A_306, %mul3A_698 : i32
    %convert_element_type3A_700 = arith.sitofp %mul3A_699 : i32 to f32
    %add3A_701 = vector.broadcast %convert_element_type3A_700 : f32 to vector<32x128xf32>
    %add3A_702 = arith.addf %sub3A_697, %add3A_701 : vector<32x128xf32>
    %mul3A_703 = arith.mulf %convert_element_type3A_630, %add3A_702 : vector<32x128xf32>
    %add3A_704 = arith.addf %add3A_625, %mul3A_703 : vector<32x128xf32>
    %eq3A_705 = arith.constant 5 : i32
    %eq3A_706 = vector.broadcast %eq3A_705 : i32 to vector<32x128xi32>
    %eq3A_707 = arith.cmpi eq, %get3A_1, %eq3A_706 : vector<32x128xi32>
    %convert_element_type3A_708 = arith.extui %eq3A_707 : vector<32x128xi1> to vector<32x128xi32>
    %convert_element_type3A_709 = arith.sitofp %convert_element_type3A_708 : vector<32x128xi32> to vector<32x128xf32>
    %broadcast_in_dim3A_710 = arith.constant 0.000000e+00 : f32
    %broadcast_in_dim3A_711 = vector.broadcast %broadcast_in_dim3A_710 : f32 to vector<32x1xf32>
    %slice3A_712 = vector.extract_strided_slice %convert_element_type3A_709 {offsets = [0, 0], sizes = [32, 127], strides = [1, 1]} : vector<32x128xf32> to vector<32x127xf32>
    %concatenate3A_713 = tpu.concatenate %broadcast_in_dim3A_711, %slice3A_712 in 1 : vector<32x1xf32>, vector<32x127xf32> -> vector<32x128xf32>
    %add3A_714 = arith.addf %convert_element_type3A_709, %concatenate3A_713 : vector<32x128xf32>
    %broadcast_in_dim3A_715 = arith.constant 0.000000e+00 : f32
    %broadcast_in_dim3A_716 = vector.broadcast %broadcast_in_dim3A_715 : f32 to vector<32x2xf32>
    %slice3A_717 = vector.extract_strided_slice %add3A_714 {offsets = [0, 0], sizes = [32, 126], strides = [1, 1]} : vector<32x128xf32> to vector<32x126xf32>
    %concatenate3A_718 = tpu.concatenate %broadcast_in_dim3A_716, %slice3A_717 in 1 : vector<32x2xf32>, vector<32x126xf32> -> vector<32x128xf32>
    %add3A_719 = arith.addf %add3A_714, %concatenate3A_718 : vector<32x128xf32>
    %broadcast_in_dim3A_720 = arith.constant 0.000000e+00 : f32
    %broadcast_in_dim3A_721 = vector.broadcast %broadcast_in_dim3A_720 : f32 to vector<32x4xf32>
    %slice3A_722 = vector.extract_strided_slice %add3A_719 {offsets = [0, 0], sizes = [32, 124], strides = [1, 1]} : vector<32x128xf32> to vector<32x124xf32>
    %concatenate3A_723 = tpu.concatenate %broadcast_in_dim3A_721, %slice3A_722 in 1 : vector<32x4xf32>, vector<32x124xf32> -> vector<32x128xf32>
    %add3A_724 = arith.addf %add3A_719, %concatenate3A_723 : vector<32x128xf32>
    %broadcast_in_dim3A_725 = arith.constant 0.000000e+00 : f32
    %broadcast_in_dim3A_726 = vector.broadcast %broadcast_in_dim3A_725 : f32 to vector<32x8xf32>
    %slice3A_727 = vector.extract_strided_slice %add3A_724 {offsets = [0, 0], sizes = [32, 120], strides = [1, 1]} : vector<32x128xf32> to vector<32x120xf32>
    %concatenate3A_728 = tpu.concatenate %broadcast_in_dim3A_726, %slice3A_727 in 1 : vector<32x8xf32>, vector<32x120xf32> -> vector<32x128xf32>
    %add3A_729 = arith.addf %add3A_724, %concatenate3A_728 : vector<32x128xf32>
    %broadcast_in_dim3A_730 = arith.constant 0.000000e+00 : f32
    %broadcast_in_dim3A_731 = vector.broadcast %broadcast_in_dim3A_730 : f32 to vector<32x16xf32>
    %slice3A_732 = vector.extract_strided_slice %add3A_729 {offsets = [0, 0], sizes = [32, 112], strides = [1, 1]} : vector<32x128xf32> to vector<32x112xf32>
    %concatenate3A_733 = tpu.concatenate %broadcast_in_dim3A_731, %slice3A_732 in 1 : vector<32x16xf32>, vector<32x112xf32> -> vector<32x128xf32>
    %add3A_734 = arith.addf %add3A_729, %concatenate3A_733 : vector<32x128xf32>
    %broadcast_in_dim3A_735 = arith.constant 0.000000e+00 : f32
    %broadcast_in_dim3A_736 = vector.broadcast %broadcast_in_dim3A_735 : f32 to vector<32x32xf32>
    %slice3A_737 = vector.extract_strided_slice %add3A_734 {offsets = [0, 0], sizes = [32, 96], strides = [1, 1]} : vector<32x128xf32> to vector<32x96xf32>
    %concatenate3A_738 = tpu.concatenate %broadcast_in_dim3A_736, %slice3A_737 in 1 : vector<32x32xf32>, vector<32x96xf32> -> vector<32x128xf32>
    %add3A_739 = arith.addf %add3A_734, %concatenate3A_738 : vector<32x128xf32>
    %broadcast_in_dim3A_740 = arith.constant 0.000000e+00 : f32
    %broadcast_in_dim3A_741 = vector.broadcast %broadcast_in_dim3A_740 : f32 to vector<32x64xf32>
    %slice3A_742 = vector.extract_strided_slice %add3A_739 {offsets = [0, 0], sizes = [32, 64], strides = [1, 1]} : vector<32x128xf32> to vector<32x64xf32>
    %concatenate3A_743 = tpu.concatenate %broadcast_in_dim3A_741, %slice3A_742 in 1 : vector<32x64xf32>, vector<32x64xf32> -> vector<32x128xf32>
    %add3A_744 = arith.addf %add3A_739, %concatenate3A_743 : vector<32x128xf32>
    %slice3A_745 = vector.extract_strided_slice %add3A_744 {offsets = [0, 127], sizes = [32, 1], strides = [1, 1]} : vector<32x128xf32> to vector<32x1xf32>
    %broadcast_in_dim3A_746 = arith.constant 0.000000e+00 : f32
    %broadcast_in_dim3A_747 = vector.broadcast %broadcast_in_dim3A_746 : f32 to vector<1x1xf32>
    %slice3A_748 = vector.extract_strided_slice %slice3A_745 {offsets = [0, 0], sizes = [31, 1], strides = [1, 1]} : vector<32x1xf32> to vector<31x1xf32>
    %concatenate3A_749 = tpu.concatenate %broadcast_in_dim3A_747, %slice3A_748 in 0 : vector<1x1xf32>, vector<31x1xf32> -> vector<32x1xf32>
    %add3A_750 = arith.addf %slice3A_745, %concatenate3A_749 : vector<32x1xf32>
    %broadcast_in_dim3A_751 = arith.constant 0.000000e+00 : f32
    %broadcast_in_dim3A_752 = vector.broadcast %broadcast_in_dim3A_751 : f32 to vector<2x1xf32>
    %slice3A_753 = vector.extract_strided_slice %add3A_750 {offsets = [0, 0], sizes = [30, 1], strides = [1, 1]} : vector<32x1xf32> to vector<30x1xf32>
    %concatenate3A_754 = tpu.concatenate %broadcast_in_dim3A_752, %slice3A_753 in 0 : vector<2x1xf32>, vector<30x1xf32> -> vector<32x1xf32>
    %add3A_755 = arith.addf %add3A_750, %concatenate3A_754 : vector<32x1xf32>
    %broadcast_in_dim3A_756 = arith.constant 0.000000e+00 : f32
    %broadcast_in_dim3A_757 = vector.broadcast %broadcast_in_dim3A_756 : f32 to vector<4x1xf32>
    %slice3A_758 = vector.extract_strided_slice %add3A_755 {offsets = [0, 0], sizes = [28, 1], strides = [1, 1]} : vector<32x1xf32> to vector<28x1xf32>
    %concatenate3A_759 = tpu.concatenate %broadcast_in_dim3A_757, %slice3A_758 in 0 : vector<4x1xf32>, vector<28x1xf32> -> vector<32x1xf32>
    %add3A_760 = arith.addf %add3A_755, %concatenate3A_759 : vector<32x1xf32>
    %broadcast_in_dim3A_761 = arith.constant 0.000000e+00 : f32
    %broadcast_in_dim3A_762 = vector.broadcast %broadcast_in_dim3A_761 : f32 to vector<8x1xf32>
    %slice3A_763 = vector.extract_strided_slice %add3A_760 {offsets = [0, 0], sizes = [24, 1], strides = [1, 1]} : vector<32x1xf32> to vector<24x1xf32>
    %concatenate3A_764 = tpu.concatenate %broadcast_in_dim3A_762, %slice3A_763 in 0 : vector<8x1xf32>, vector<24x1xf32> -> vector<32x1xf32>
    %add3A_765 = arith.addf %add3A_760, %concatenate3A_764 : vector<32x1xf32>
    %broadcast_in_dim3A_766 = arith.constant 0.000000e+00 : f32
    %broadcast_in_dim3A_767 = vector.broadcast %broadcast_in_dim3A_766 : f32 to vector<16x1xf32>
    %slice3A_768 = vector.extract_strided_slice %add3A_765 {offsets = [0, 0], sizes = [16, 1], strides = [1, 1]} : vector<32x1xf32> to vector<16x1xf32>
    %concatenate3A_769 = tpu.concatenate %broadcast_in_dim3A_767, %slice3A_768 in 0 : vector<16x1xf32>, vector<16x1xf32> -> vector<32x1xf32>
    %add3A_770 = arith.addf %add3A_765, %concatenate3A_769 : vector<32x1xf32>
    %sub3A_771 = arith.subf %add3A_770, %slice3A_745 : vector<32x1xf32>
    %add3A_772 = vector.broadcast %sub3A_771 : vector<32x1xf32> to vector<32x128xf32>
    %add3A_773 = arith.addf %add3A_744, %add3A_772 : vector<32x128xf32>
    %sub3A_774 = arith.constant 1.000000e+00 : f32
    %sub3A_775 = vector.broadcast %sub3A_774 : f32 to vector<32x128xf32>
    %sub3A_776 = arith.subf %add3A_773, %sub3A_775 : vector<32x128xf32>
    %mul3A_777 = arith.constant 256 : i32
    %mul3A_778 = arith.muli %add3A_307, %mul3A_777 : i32
    %convert_element_type3A_779 = arith.sitofp %mul3A_778 : i32 to f32
    %add3A_780 = vector.broadcast %convert_element_type3A_779 : f32 to vector<32x128xf32>
    %add3A_781 = arith.addf %sub3A_776, %add3A_780 : vector<32x128xf32>
    %mul3A_782 = arith.mulf %convert_element_type3A_709, %add3A_781 : vector<32x128xf32>
    %add3A_783 = arith.addf %add3A_704, %mul3A_782 : vector<32x128xf32>
    %eq3A_784 = arith.constant 6 : i32
    %eq3A_785 = vector.broadcast %eq3A_784 : i32 to vector<32x128xi32>
    %eq3A_786 = arith.cmpi eq, %get3A_1, %eq3A_785 : vector<32x128xi32>
    %convert_element_type3A_787 = arith.extui %eq3A_786 : vector<32x128xi1> to vector<32x128xi32>
    %convert_element_type3A_788 = arith.sitofp %convert_element_type3A_787 : vector<32x128xi32> to vector<32x128xf32>
    %broadcast_in_dim3A_789 = arith.constant 0.000000e+00 : f32
    %broadcast_in_dim3A_790 = vector.broadcast %broadcast_in_dim3A_789 : f32 to vector<32x1xf32>
    %slice3A_791 = vector.extract_strided_slice %convert_element_type3A_788 {offsets = [0, 0], sizes = [32, 127], strides = [1, 1]} : vector<32x128xf32> to vector<32x127xf32>
    %concatenate3A_792 = tpu.concatenate %broadcast_in_dim3A_790, %slice3A_791 in 1 : vector<32x1xf32>, vector<32x127xf32> -> vector<32x128xf32>
    %add3A_793 = arith.addf %convert_element_type3A_788, %concatenate3A_792 : vector<32x128xf32>
    %broadcast_in_dim3A_794 = arith.constant 0.000000e+00 : f32
    %broadcast_in_dim3A_795 = vector.broadcast %broadcast_in_dim3A_794 : f32 to vector<32x2xf32>
    %slice3A_796 = vector.extract_strided_slice %add3A_793 {offsets = [0, 0], sizes = [32, 126], strides = [1, 1]} : vector<32x128xf32> to vector<32x126xf32>
    %concatenate3A_797 = tpu.concatenate %broadcast_in_dim3A_795, %slice3A_796 in 1 : vector<32x2xf32>, vector<32x126xf32> -> vector<32x128xf32>
    %add3A_798 = arith.addf %add3A_793, %concatenate3A_797 : vector<32x128xf32>
    %broadcast_in_dim3A_799 = arith.constant 0.000000e+00 : f32
    %broadcast_in_dim3A_800 = vector.broadcast %broadcast_in_dim3A_799 : f32 to vector<32x4xf32>
    %slice3A_801 = vector.extract_strided_slice %add3A_798 {offsets = [0, 0], sizes = [32, 124], strides = [1, 1]} : vector<32x128xf32> to vector<32x124xf32>
    %concatenate3A_802 = tpu.concatenate %broadcast_in_dim3A_800, %slice3A_801 in 1 : vector<32x4xf32>, vector<32x124xf32> -> vector<32x128xf32>
    %add3A_803 = arith.addf %add3A_798, %concatenate3A_802 : vector<32x128xf32>
    %broadcast_in_dim3A_804 = arith.constant 0.000000e+00 : f32
    %broadcast_in_dim3A_805 = vector.broadcast %broadcast_in_dim3A_804 : f32 to vector<32x8xf32>
    %slice3A_806 = vector.extract_strided_slice %add3A_803 {offsets = [0, 0], sizes = [32, 120], strides = [1, 1]} : vector<32x128xf32> to vector<32x120xf32>
    %concatenate3A_807 = tpu.concatenate %broadcast_in_dim3A_805, %slice3A_806 in 1 : vector<32x8xf32>, vector<32x120xf32> -> vector<32x128xf32>
    %add3A_808 = arith.addf %add3A_803, %concatenate3A_807 : vector<32x128xf32>
    %broadcast_in_dim3A_809 = arith.constant 0.000000e+00 : f32
    %broadcast_in_dim3A_810 = vector.broadcast %broadcast_in_dim3A_809 : f32 to vector<32x16xf32>
    %slice3A_811 = vector.extract_strided_slice %add3A_808 {offsets = [0, 0], sizes = [32, 112], strides = [1, 1]} : vector<32x128xf32> to vector<32x112xf32>
    %concatenate3A_812 = tpu.concatenate %broadcast_in_dim3A_810, %slice3A_811 in 1 : vector<32x16xf32>, vector<32x112xf32> -> vector<32x128xf32>
    %add3A_813 = arith.addf %add3A_808, %concatenate3A_812 : vector<32x128xf32>
    %broadcast_in_dim3A_814 = arith.constant 0.000000e+00 : f32
    %broadcast_in_dim3A_815 = vector.broadcast %broadcast_in_dim3A_814 : f32 to vector<32x32xf32>
    %slice3A_816 = vector.extract_strided_slice %add3A_813 {offsets = [0, 0], sizes = [32, 96], strides = [1, 1]} : vector<32x128xf32> to vector<32x96xf32>
    %concatenate3A_817 = tpu.concatenate %broadcast_in_dim3A_815, %slice3A_816 in 1 : vector<32x32xf32>, vector<32x96xf32> -> vector<32x128xf32>
    %add3A_818 = arith.addf %add3A_813, %concatenate3A_817 : vector<32x128xf32>
    %broadcast_in_dim3A_819 = arith.constant 0.000000e+00 : f32
    %broadcast_in_dim3A_820 = vector.broadcast %broadcast_in_dim3A_819 : f32 to vector<32x64xf32>
    %slice3A_821 = vector.extract_strided_slice %add3A_818 {offsets = [0, 0], sizes = [32, 64], strides = [1, 1]} : vector<32x128xf32> to vector<32x64xf32>
    %concatenate3A_822 = tpu.concatenate %broadcast_in_dim3A_820, %slice3A_821 in 1 : vector<32x64xf32>, vector<32x64xf32> -> vector<32x128xf32>
    %add3A_823 = arith.addf %add3A_818, %concatenate3A_822 : vector<32x128xf32>
    %slice3A_824 = vector.extract_strided_slice %add3A_823 {offsets = [0, 127], sizes = [32, 1], strides = [1, 1]} : vector<32x128xf32> to vector<32x1xf32>
    %broadcast_in_dim3A_825 = arith.constant 0.000000e+00 : f32
    %broadcast_in_dim3A_826 = vector.broadcast %broadcast_in_dim3A_825 : f32 to vector<1x1xf32>
    %slice3A_827 = vector.extract_strided_slice %slice3A_824 {offsets = [0, 0], sizes = [31, 1], strides = [1, 1]} : vector<32x1xf32> to vector<31x1xf32>
    %concatenate3A_828 = tpu.concatenate %broadcast_in_dim3A_826, %slice3A_827 in 0 : vector<1x1xf32>, vector<31x1xf32> -> vector<32x1xf32>
    %add3A_829 = arith.addf %slice3A_824, %concatenate3A_828 : vector<32x1xf32>
    %broadcast_in_dim3A_830 = arith.constant 0.000000e+00 : f32
    %broadcast_in_dim3A_831 = vector.broadcast %broadcast_in_dim3A_830 : f32 to vector<2x1xf32>
    %slice3A_832 = vector.extract_strided_slice %add3A_829 {offsets = [0, 0], sizes = [30, 1], strides = [1, 1]} : vector<32x1xf32> to vector<30x1xf32>
    %concatenate3A_833 = tpu.concatenate %broadcast_in_dim3A_831, %slice3A_832 in 0 : vector<2x1xf32>, vector<30x1xf32> -> vector<32x1xf32>
    %add3A_834 = arith.addf %add3A_829, %concatenate3A_833 : vector<32x1xf32>
    %broadcast_in_dim3A_835 = arith.constant 0.000000e+00 : f32
    %broadcast_in_dim3A_836 = vector.broadcast %broadcast_in_dim3A_835 : f32 to vector<4x1xf32>
    %slice3A_837 = vector.extract_strided_slice %add3A_834 {offsets = [0, 0], sizes = [28, 1], strides = [1, 1]} : vector<32x1xf32> to vector<28x1xf32>
    %concatenate3A_838 = tpu.concatenate %broadcast_in_dim3A_836, %slice3A_837 in 0 : vector<4x1xf32>, vector<28x1xf32> -> vector<32x1xf32>
    %add3A_839 = arith.addf %add3A_834, %concatenate3A_838 : vector<32x1xf32>
    %broadcast_in_dim3A_840 = arith.constant 0.000000e+00 : f32
    %broadcast_in_dim3A_841 = vector.broadcast %broadcast_in_dim3A_840 : f32 to vector<8x1xf32>
    %slice3A_842 = vector.extract_strided_slice %add3A_839 {offsets = [0, 0], sizes = [24, 1], strides = [1, 1]} : vector<32x1xf32> to vector<24x1xf32>
    %concatenate3A_843 = tpu.concatenate %broadcast_in_dim3A_841, %slice3A_842 in 0 : vector<8x1xf32>, vector<24x1xf32> -> vector<32x1xf32>
    %add3A_844 = arith.addf %add3A_839, %concatenate3A_843 : vector<32x1xf32>
    %broadcast_in_dim3A_845 = arith.constant 0.000000e+00 : f32
    %broadcast_in_dim3A_846 = vector.broadcast %broadcast_in_dim3A_845 : f32 to vector<16x1xf32>
    %slice3A_847 = vector.extract_strided_slice %add3A_844 {offsets = [0, 0], sizes = [16, 1], strides = [1, 1]} : vector<32x1xf32> to vector<16x1xf32>
    %concatenate3A_848 = tpu.concatenate %broadcast_in_dim3A_846, %slice3A_847 in 0 : vector<16x1xf32>, vector<16x1xf32> -> vector<32x1xf32>
    %add3A_849 = arith.addf %add3A_844, %concatenate3A_848 : vector<32x1xf32>
    %sub3A_850 = arith.subf %add3A_849, %slice3A_824 : vector<32x1xf32>
    %add3A_851 = vector.broadcast %sub3A_850 : vector<32x1xf32> to vector<32x128xf32>
    %add3A_852 = arith.addf %add3A_823, %add3A_851 : vector<32x128xf32>
    %sub3A_853 = arith.constant 1.000000e+00 : f32
    %sub3A_854 = vector.broadcast %sub3A_853 : f32 to vector<32x128xf32>
    %sub3A_855 = arith.subf %add3A_852, %sub3A_854 : vector<32x128xf32>
    %mul3A_856 = arith.constant 256 : i32
    %mul3A_857 = arith.muli %add3A_308, %mul3A_856 : i32
    %convert_element_type3A_858 = arith.sitofp %mul3A_857 : i32 to f32
    %add3A_859 = vector.broadcast %convert_element_type3A_858 : f32 to vector<32x128xf32>
    %add3A_860 = arith.addf %sub3A_855, %add3A_859 : vector<32x128xf32>
    %mul3A_861 = arith.mulf %convert_element_type3A_788, %add3A_860 : vector<32x128xf32>
    %add3A_862 = arith.addf %add3A_783, %mul3A_861 : vector<32x128xf32>
    %eq3A_863 = arith.constant 7 : i32
    %eq3A_864 = vector.broadcast %eq3A_863 : i32 to vector<32x128xi32>
    %eq3A_865 = arith.cmpi eq, %get3A_1, %eq3A_864 : vector<32x128xi32>
    %convert_element_type3A_866 = arith.extui %eq3A_865 : vector<32x128xi1> to vector<32x128xi32>
    %convert_element_type3A_867 = arith.sitofp %convert_element_type3A_866 : vector<32x128xi32> to vector<32x128xf32>
    %broadcast_in_dim3A_868 = arith.constant 0.000000e+00 : f32
    %broadcast_in_dim3A_869 = vector.broadcast %broadcast_in_dim3A_868 : f32 to vector<32x1xf32>
    %slice3A_870 = vector.extract_strided_slice %convert_element_type3A_867 {offsets = [0, 0], sizes = [32, 127], strides = [1, 1]} : vector<32x128xf32> to vector<32x127xf32>
    %concatenate3A_871 = tpu.concatenate %broadcast_in_dim3A_869, %slice3A_870 in 1 : vector<32x1xf32>, vector<32x127xf32> -> vector<32x128xf32>
    %add3A_872 = arith.addf %convert_element_type3A_867, %concatenate3A_871 : vector<32x128xf32>
    %broadcast_in_dim3A_873 = arith.constant 0.000000e+00 : f32
    %broadcast_in_dim3A_874 = vector.broadcast %broadcast_in_dim3A_873 : f32 to vector<32x2xf32>
    %slice3A_875 = vector.extract_strided_slice %add3A_872 {offsets = [0, 0], sizes = [32, 126], strides = [1, 1]} : vector<32x128xf32> to vector<32x126xf32>
    %concatenate3A_876 = tpu.concatenate %broadcast_in_dim3A_874, %slice3A_875 in 1 : vector<32x2xf32>, vector<32x126xf32> -> vector<32x128xf32>
    %add3A_877 = arith.addf %add3A_872, %concatenate3A_876 : vector<32x128xf32>
    %broadcast_in_dim3A_878 = arith.constant 0.000000e+00 : f32
    %broadcast_in_dim3A_879 = vector.broadcast %broadcast_in_dim3A_878 : f32 to vector<32x4xf32>
    %slice3A_880 = vector.extract_strided_slice %add3A_877 {offsets = [0, 0], sizes = [32, 124], strides = [1, 1]} : vector<32x128xf32> to vector<32x124xf32>
    %concatenate3A_881 = tpu.concatenate %broadcast_in_dim3A_879, %slice3A_880 in 1 : vector<32x4xf32>, vector<32x124xf32> -> vector<32x128xf32>
    %add3A_882 = arith.addf %add3A_877, %concatenate3A_881 : vector<32x128xf32>
    %broadcast_in_dim3A_883 = arith.constant 0.000000e+00 : f32
    %broadcast_in_dim3A_884 = vector.broadcast %broadcast_in_dim3A_883 : f32 to vector<32x8xf32>
    %slice3A_885 = vector.extract_strided_slice %add3A_882 {offsets = [0, 0], sizes = [32, 120], strides = [1, 1]} : vector<32x128xf32> to vector<32x120xf32>
    %concatenate3A_886 = tpu.concatenate %broadcast_in_dim3A_884, %slice3A_885 in 1 : vector<32x8xf32>, vector<32x120xf32> -> vector<32x128xf32>
    %add3A_887 = arith.addf %add3A_882, %concatenate3A_886 : vector<32x128xf32>
    %broadcast_in_dim3A_888 = arith.constant 0.000000e+00 : f32
    %broadcast_in_dim3A_889 = vector.broadcast %broadcast_in_dim3A_888 : f32 to vector<32x16xf32>
    %slice3A_890 = vector.extract_strided_slice %add3A_887 {offsets = [0, 0], sizes = [32, 112], strides = [1, 1]} : vector<32x128xf32> to vector<32x112xf32>
    %concatenate3A_891 = tpu.concatenate %broadcast_in_dim3A_889, %slice3A_890 in 1 : vector<32x16xf32>, vector<32x112xf32> -> vector<32x128xf32>
    %add3A_892 = arith.addf %add3A_887, %concatenate3A_891 : vector<32x128xf32>
    %broadcast_in_dim3A_893 = arith.constant 0.000000e+00 : f32
    %broadcast_in_dim3A_894 = vector.broadcast %broadcast_in_dim3A_893 : f32 to vector<32x32xf32>
    %slice3A_895 = vector.extract_strided_slice %add3A_892 {offsets = [0, 0], sizes = [32, 96], strides = [1, 1]} : vector<32x128xf32> to vector<32x96xf32>
    %concatenate3A_896 = tpu.concatenate %broadcast_in_dim3A_894, %slice3A_895 in 1 : vector<32x32xf32>, vector<32x96xf32> -> vector<32x128xf32>
    %add3A_897 = arith.addf %add3A_892, %concatenate3A_896 : vector<32x128xf32>
    %broadcast_in_dim3A_898 = arith.constant 0.000000e+00 : f32
    %broadcast_in_dim3A_899 = vector.broadcast %broadcast_in_dim3A_898 : f32 to vector<32x64xf32>
    %slice3A_900 = vector.extract_strided_slice %add3A_897 {offsets = [0, 0], sizes = [32, 64], strides = [1, 1]} : vector<32x128xf32> to vector<32x64xf32>
    %concatenate3A_901 = tpu.concatenate %broadcast_in_dim3A_899, %slice3A_900 in 1 : vector<32x64xf32>, vector<32x64xf32> -> vector<32x128xf32>
    %add3A_902 = arith.addf %add3A_897, %concatenate3A_901 : vector<32x128xf32>
    %slice3A_903 = vector.extract_strided_slice %add3A_902 {offsets = [0, 127], sizes = [32, 1], strides = [1, 1]} : vector<32x128xf32> to vector<32x1xf32>
    %broadcast_in_dim3A_904 = arith.constant 0.000000e+00 : f32
    %broadcast_in_dim3A_905 = vector.broadcast %broadcast_in_dim3A_904 : f32 to vector<1x1xf32>
    %slice3A_906 = vector.extract_strided_slice %slice3A_903 {offsets = [0, 0], sizes = [31, 1], strides = [1, 1]} : vector<32x1xf32> to vector<31x1xf32>
    %concatenate3A_907 = tpu.concatenate %broadcast_in_dim3A_905, %slice3A_906 in 0 : vector<1x1xf32>, vector<31x1xf32> -> vector<32x1xf32>
    %add3A_908 = arith.addf %slice3A_903, %concatenate3A_907 : vector<32x1xf32>
    %broadcast_in_dim3A_909 = arith.constant 0.000000e+00 : f32
    %broadcast_in_dim3A_910 = vector.broadcast %broadcast_in_dim3A_909 : f32 to vector<2x1xf32>
    %slice3A_911 = vector.extract_strided_slice %add3A_908 {offsets = [0, 0], sizes = [30, 1], strides = [1, 1]} : vector<32x1xf32> to vector<30x1xf32>
    %concatenate3A_912 = tpu.concatenate %broadcast_in_dim3A_910, %slice3A_911 in 0 : vector<2x1xf32>, vector<30x1xf32> -> vector<32x1xf32>
    %add3A_913 = arith.addf %add3A_908, %concatenate3A_912 : vector<32x1xf32>
    %broadcast_in_dim3A_914 = arith.constant 0.000000e+00 : f32
    %broadcast_in_dim3A_915 = vector.broadcast %broadcast_in_dim3A_914 : f32 to vector<4x1xf32>
    %slice3A_916 = vector.extract_strided_slice %add3A_913 {offsets = [0, 0], sizes = [28, 1], strides = [1, 1]} : vector<32x1xf32> to vector<28x1xf32>
    %concatenate3A_917 = tpu.concatenate %broadcast_in_dim3A_915, %slice3A_916 in 0 : vector<4x1xf32>, vector<28x1xf32> -> vector<32x1xf32>
    %add3A_918 = arith.addf %add3A_913, %concatenate3A_917 : vector<32x1xf32>
    %broadcast_in_dim3A_919 = arith.constant 0.000000e+00 : f32
    %broadcast_in_dim3A_920 = vector.broadcast %broadcast_in_dim3A_919 : f32 to vector<8x1xf32>
    %slice3A_921 = vector.extract_strided_slice %add3A_918 {offsets = [0, 0], sizes = [24, 1], strides = [1, 1]} : vector<32x1xf32> to vector<24x1xf32>
    %concatenate3A_922 = tpu.concatenate %broadcast_in_dim3A_920, %slice3A_921 in 0 : vector<8x1xf32>, vector<24x1xf32> -> vector<32x1xf32>
    %add3A_923 = arith.addf %add3A_918, %concatenate3A_922 : vector<32x1xf32>
    %broadcast_in_dim3A_924 = arith.constant 0.000000e+00 : f32
    %broadcast_in_dim3A_925 = vector.broadcast %broadcast_in_dim3A_924 : f32 to vector<16x1xf32>
    %slice3A_926 = vector.extract_strided_slice %add3A_923 {offsets = [0, 0], sizes = [16, 1], strides = [1, 1]} : vector<32x1xf32> to vector<16x1xf32>
    %concatenate3A_927 = tpu.concatenate %broadcast_in_dim3A_925, %slice3A_926 in 0 : vector<16x1xf32>, vector<16x1xf32> -> vector<32x1xf32>
    %add3A_928 = arith.addf %add3A_923, %concatenate3A_927 : vector<32x1xf32>
    %sub3A_929 = arith.subf %add3A_928, %slice3A_903 : vector<32x1xf32>
    %add3A_930 = vector.broadcast %sub3A_929 : vector<32x1xf32> to vector<32x128xf32>
    %add3A_931 = arith.addf %add3A_902, %add3A_930 : vector<32x128xf32>
    %sub3A_932 = arith.constant 1.000000e+00 : f32
    %sub3A_933 = vector.broadcast %sub3A_932 : f32 to vector<32x128xf32>
    %sub3A_934 = arith.subf %add3A_931, %sub3A_933 : vector<32x128xf32>
    %mul3A_935 = arith.constant 256 : i32
    %mul3A_936 = arith.muli %add3A_309, %mul3A_935 : i32
    %convert_element_type3A_937 = arith.sitofp %mul3A_936 : i32 to f32
    %add3A_938 = vector.broadcast %convert_element_type3A_937 : f32 to vector<32x128xf32>
    %add3A_939 = arith.addf %sub3A_934, %add3A_938 : vector<32x128xf32>
    %mul3A_940 = arith.mulf %convert_element_type3A_867, %add3A_939 : vector<32x128xf32>
    %add3A_941 = arith.addf %add3A_862, %mul3A_940 : vector<32x128xf32>
    %convert_element_type3A_942 = arith.fptosi %add3A_941 : vector<32x128xf32> to vector<32x128xi32>
    %swap3A = arith.constant 0 : index
    %swap3A_943 = arith.constant 0 : index
    %swap3A_944 = vector.load %arg1[%swap3A, %swap3A_943] : memref<32x128xi32, #tpu.memory_space<vmem>>, vector<32x128xi32>
    tpu.vector_store %arg1[%swap3A, %swap3A_943], %convert_element_type3A_942 {strides = array<i32>} : memref<32x128xi32, #tpu.memory_space<vmem>>, vector<32x128xi32>,
    %iota3A = tpu.iota {dimensions = array<i32: 1>} : vector<1x128xi32>
    %broadcast_in_dim3A_945 = arith.constant -1 : i32
    %broadcast_in_dim3A_946 = vector.broadcast %broadcast_in_dim3A_945 : i32 to vector<1x128xi32>
    %le3A = arith.constant 0 : i32
    %le3A_947 = vector.broadcast %le3A : i32 to vector<1x128xi32>
    %le3A_948 = arith.cmpi sle, %le3A_947, %iota3A : vector<1x128xi32>
    %jit3A_949 = arith.constant 1 : i32
    %jit3A_950 = arith.constant 0 : i32
    %broadcast_in_dim3A_951 = vector.broadcast %jit3A_949 : i32 to vector<1x128xi32>
    %broadcast_in_dim3A_952 = vector.broadcast %jit3A_950 : i32 to vector<1x128xi32>
    %select_n3A_953 = arith.select %le3A_948, %broadcast_in_dim3A_951, %broadcast_in_dim3A_952 : vector<1x128xi1>, vector<1x128xi32>
    %add3A_954 = arith.addi %broadcast_in_dim3A_946, %select_n3A_953 : vector<1x128xi32>
    %le3A_955 = vector.broadcast %add3A_303 : i32 to vector<1x128xi32>
    %le3A_956 = arith.cmpi sle, %le3A_955, %iota3A : vector<1x128xi32>
    %jit3A_957 = arith.constant 1 : i32
    %jit3A_958 = arith.constant 0 : i32
    %broadcast_in_dim3A_959 = vector.broadcast %jit3A_957 : i32 to vector<1x128xi32>
    %broadcast_in_dim3A_960 = vector.broadcast %jit3A_958 : i32 to vector<1x128xi32>
    %select_n3A_961 = arith.select %le3A_956, %broadcast_in_dim3A_959, %broadcast_in_dim3A_960 : vector<1x128xi1>, vector<1x128xi32>
    %add3A_962 = arith.addi %add3A_954, %select_n3A_961 : vector<1x128xi32>
    %le3A_963 = vector.broadcast %add3A_304 : i32 to vector<1x128xi32>
    %le3A_964 = arith.cmpi sle, %le3A_963, %iota3A : vector<1x128xi32>
    %jit3A_965 = arith.constant 1 : i32
    %jit3A_966 = arith.constant 0 : i32
    %broadcast_in_dim3A_967 = vector.broadcast %jit3A_965 : i32 to vector<1x128xi32>
    %broadcast_in_dim3A_968 = vector.broadcast %jit3A_966 : i32 to vector<1x128xi32>
    %select_n3A_969 = arith.select %le3A_964, %broadcast_in_dim3A_967, %broadcast_in_dim3A_968 : vector<1x128xi1>, vector<1x128xi32>
    %add3A_970 = arith.addi %add3A_962, %select_n3A_969 : vector<1x128xi32>
    %le3A_971 = vector.broadcast %add3A_305 : i32 to vector<1x128xi32>
    %le3A_972 = arith.cmpi sle, %le3A_971, %iota3A : vector<1x128xi32>
    %jit3A_973 = arith.constant 1 : i32
    %jit3A_974 = arith.constant 0 : i32
    %broadcast_in_dim3A_975 = vector.broadcast %jit3A_973 : i32 to vector<1x128xi32>
    %broadcast_in_dim3A_976 = vector.broadcast %jit3A_974 : i32 to vector<1x128xi32>
    %select_n3A_977 = arith.select %le3A_972, %broadcast_in_dim3A_975, %broadcast_in_dim3A_976 : vector<1x128xi1>, vector<1x128xi32>
    %add3A_978 = arith.addi %add3A_970, %select_n3A_977 : vector<1x128xi32>
    %le3A_979 = vector.broadcast %add3A_306 : i32 to vector<1x128xi32>
    %le3A_980 = arith.cmpi sle, %le3A_979, %iota3A : vector<1x128xi32>
    %jit3A_981 = arith.constant 1 : i32
    %jit3A_982 = arith.constant 0 : i32
    %broadcast_in_dim3A_983 = vector.broadcast %jit3A_981 : i32 to vector<1x128xi32>
    %broadcast_in_dim3A_984 = vector.broadcast %jit3A_982 : i32 to vector<1x128xi32>
    %select_n3A_985 = arith.select %le3A_980, %broadcast_in_dim3A_983, %broadcast_in_dim3A_984 : vector<1x128xi1>, vector<1x128xi32>
    %add3A_986 = arith.addi %add3A_978, %select_n3A_985 : vector<1x128xi32>
    %le3A_987 = vector.broadcast %add3A_307 : i32 to vector<1x128xi32>
    %le3A_988 = arith.cmpi sle, %le3A_987, %iota3A : vector<1x128xi32>
    %jit3A_989 = arith.constant 1 : i32
    %jit3A_990 = arith.constant 0 : i32
    %broadcast_in_dim3A_991 = vector.broadcast %jit3A_989 : i32 to vector<1x128xi32>
    %broadcast_in_dim3A_992 = vector.broadcast %jit3A_990 : i32 to vector<1x128xi32>
    %select_n3A_993 = arith.select %le3A_988, %broadcast_in_dim3A_991, %broadcast_in_dim3A_992 : vector<1x128xi1>, vector<1x128xi32>
    %add3A_994 = arith.addi %add3A_986, %select_n3A_993 : vector<1x128xi32>
    %le3A_995 = vector.broadcast %add3A_308 : i32 to vector<1x128xi32>
    %le3A_996 = arith.cmpi sle, %le3A_995, %iota3A : vector<1x128xi32>
    %jit3A_997 = arith.constant 1 : i32
    %jit3A_998 = arith.constant 0 : i32
    %broadcast_in_dim3A_999 = vector.broadcast %jit3A_997 : i32 to vector<1x128xi32>
    %broadcast_in_dim3A_1000 = vector.broadcast %jit3A_998 : i32 to vector<1x128xi32>
    %select_n3A_1001 = arith.select %le3A_996, %broadcast_in_dim3A_999, %broadcast_in_dim3A_1000 : vector<1x128xi1>, vector<1x128xi32>
    %add3A_1002 = arith.addi %add3A_994, %select_n3A_1001 : vector<1x128xi32>
    %le3A_1003 = vector.broadcast %add3A_309 : i32 to vector<1x128xi32>
    %le3A_1004 = arith.cmpi sle, %le3A_1003, %iota3A : vector<1x128xi32>
    %jit3A_1005 = arith.constant 1 : i32
    %jit3A_1006 = arith.constant 0 : i32
    %broadcast_in_dim3A_1007 = vector.broadcast %jit3A_1005 : i32 to vector<1x128xi32>
    %broadcast_in_dim3A_1008 = vector.broadcast %jit3A_1006 : i32 to vector<1x128xi32>
    %select_n3A_1009 = arith.select %le3A_1004, %broadcast_in_dim3A_1007, %broadcast_in_dim3A_1008 : vector<1x128xi1>, vector<1x128xi32>
    %add3A_1010 = arith.addi %add3A_1002, %select_n3A_1009 : vector<1x128xi32>
    %eq3A_1011 = arith.constant 127 : i32
    %eq3A_1012 = vector.broadcast %eq3A_1011 : i32 to vector<1x128xi32>
    %eq3A_1013 = arith.cmpi eq, %iota3A, %eq3A_1012 : vector<1x128xi32>
    %broadcast_in_dim3A_1014 = vector.broadcast %add3A_310 : i32 to vector<1x128xi32>
    %select_n3A_1015 = arith.select %eq3A_1013, %broadcast_in_dim3A_1014, %add3A_1010 : vector<1x128xi1>, vector<1x128xi32>
    %swap3A_1016 = arith.constant 0 : index
    %swap3A_1017 = arith.constant 0 : index
    %swap3A_1018 = vector.load %arg2[%swap3A_1016, %swap3A_1017] : memref<1x128xi32, #tpu.memory_space<vmem>>, vector<1x128xi32>
    tpu.vector_store %arg2[%swap3A_1016, %swap3A_1017], %select_n3A_1015 {strides = array<i32>} : memref<1x128xi32, #tpu.memory_space<vmem>>, vector<1x128xi32>,
    return
  }
}

module attributes {stable_mosaic.version = 14 : i64} {
  func.func @_expert_body(%arg0: i32, %arg1: memref<24xi32, #tpu.memory_space<smem>>, %arg2: memref<1xi32, #tpu.memory_space<smem>>, %arg3: memref<256x768xf32, #tpu.memory_space<vmem>>, %arg4: memref<1x768x2048xf32, #tpu.memory_space<vmem>>, %arg5: memref<1x768x2048xf32, #tpu.memory_space<vmem>>, %arg6: memref<1x2048x768xf32, #tpu.memory_space<vmem>>, %arg7: memref<256x768xf32, #tpu.memory_space<vmem>>) attributes {dimension_semantics = [#tpu.dimension_semantics<arbitrary>], iteration_bounds = array<i64: 24>, scalar_prefetch = 2 : i64, scratch_operands = 0 : i64, tpu.core_type = #tpu.core_type<tc>, window_params = [{transform_indices = @transform_0, window_bounds = array<i64: 256, 768>}, {transform_indices = @transform_1, window_bounds = array<i64: 1, 768, 2048>}, {transform_indices = @transform_2, window_bounds = array<i64: 1, 768, 2048>}, {transform_indices = @transform_3, window_bounds = array<i64: 1, 2048, 768>}, {transform_indices = @transform_4, window_bounds = array<i64: 256, 768>}]} {
    %get3A = arith.constant 0 : index
    %get3A_0 = memref.load %arg2[%get3A] : memref<1xi32, #tpu.memory_space<smem>>
    %lt3A = arith.cmpi slt, %arg0, %get3A_0 : i32
    %convert_element_type3A = arith.extui %lt3A : i1 to i32
    %cond3A = arith.constant 0 : i32
    %cond3A_1 = arith.cmpi ne, %convert_element_type3A, %cond3A : i32
    scf.if %cond3A_1 {
      %get3A_7 = arith.constant 0 : index
      %get3A_8 = arith.constant 0 : index
      %get3A_9 = vector.load %arg3[%get3A_7, %get3A_8] : memref<256x768xf32, #tpu.memory_space<vmem>>, vector<256x768xf32>
      %get3A_10 = arith.constant 0 : index
      %get3A_11 = arith.constant 0 : index
      %get3A_12 = arith.constant 0 : index
      %get3A_13 = vector.load %arg4[%get3A_10, %get3A_11, %get3A_12] : memref<1x768x2048xf32, #tpu.memory_space<vmem>>, vector<1x768x2048xf32>
      %get3A_14 = vector.shape_cast %get3A_13 : vector<1x768x2048xf32> to vector<768x2048xf32>
      %dot_general3A = arith.constant dense<0.000000e+00> : vector<256x2048xf32>
      %dot_general3A_15 = tpu.matmul %get3A_9, %get3A_14, %dot_general3A {dimension_numbers = #tpu.dot_dimension_numbers<[1], [0], [0], [1], [0, 0, 1, 1], [], []>, transpose_lhs_hint = false} : vector<256x768xf32>, vector<768x2048xf32>, vector<256x2048xf32> -> vector<256x2048xf32>
      %get3A_16 = arith.constant 0 : index
      %get3A_17 = arith.constant 0 : index
      %get3A_18 = arith.constant 0 : index
      %get3A_19 = vector.load %arg5[%get3A_16, %get3A_17, %get3A_18] : memref<1x768x2048xf32, #tpu.memory_space<vmem>>, vector<1x768x2048xf32>
      %get3A_20 = vector.shape_cast %get3A_19 : vector<1x768x2048xf32> to vector<768x2048xf32>
      %dot_general3A_21 = arith.constant dense<0.000000e+00> : vector<256x2048xf32>
      %dot_general3A_22 = tpu.matmul %get3A_9, %get3A_20, %dot_general3A_21 {dimension_numbers = #tpu.dot_dimension_numbers<[1], [0], [0], [1], [0, 0, 1, 1], [], []>, transpose_lhs_hint = false} : vector<256x768xf32>, vector<768x2048xf32>, vector<256x2048xf32> -> vector<256x2048xf32>
      %neg3A = arith.constant 0.000000e+00 : f32
      %neg3A_23 = vector.broadcast %neg3A : f32 to vector<256x2048xf32>
      %neg3A_24 = arith.subf %neg3A_23, %dot_general3A_15 : vector<256x2048xf32>
      %exp3A = math.exp %neg3A_24 : vector<256x2048xf32>
      %add3A = arith.constant 1.000000e+00 : f32
      %add3A_25 = vector.broadcast %add3A : f32 to vector<256x2048xf32>
      %add3A_26 = arith.addf %add3A_25, %exp3A : vector<256x2048xf32>
      %div3A = arith.divf %dot_general3A_15, %add3A_26 : vector<256x2048xf32>
      %mul3A = arith.mulf %div3A, %dot_general3A_22 : vector<256x2048xf32>
      %get3A_27 = arith.constant 0 : index
      %get3A_28 = arith.constant 0 : index
      %get3A_29 = arith.constant 0 : index
      %get3A_30 = vector.load %arg6[%get3A_27, %get3A_28, %get3A_29] : memref<1x2048x768xf32, #tpu.memory_space<vmem>>, vector<1x2048x768xf32>
      %get3A_31 = vector.shape_cast %get3A_30 : vector<1x2048x768xf32> to vector<2048x768xf32>
      %dot_general3A_32 = arith.constant dense<0.000000e+00> : vector<256x768xf32>
      %dot_general3A_33 = tpu.matmul %mul3A, %get3A_31, %dot_general3A_32 {dimension_numbers = #tpu.dot_dimension_numbers<[1], [0], [0], [1], [0, 0, 1, 1], [], []>, transpose_lhs_hint = false} : vector<256x2048xf32>, vector<2048x768xf32>, vector<256x768xf32> -> vector<256x768xf32>
      %swap3A = arith.constant 0 : index
      %swap3A_34 = arith.constant 0 : index
      %swap3A_35 = vector.load %arg7[%swap3A, %swap3A_34] : memref<256x768xf32, #tpu.memory_space<vmem>>, vector<256x768xf32>
      tpu.vector_store %arg7[%swap3A, %swap3A_34], %dot_general3A_33 {strides = array<i32>} : memref<256x768xf32, #tpu.memory_space<vmem>>, vector<256x768xf32>,
    } else {
    }
    %get3A_2 = arith.constant 0 : index
    %get3A_3 = memref.load %arg2[%get3A_2] : memref<1xi32, #tpu.memory_space<smem>>
    %ge3A = arith.cmpi sge, %arg0, %get3A_3 : i32
    %convert_element_type3A_4 = arith.extui %ge3A : i1 to i32
    %cond3A_5 = arith.constant 0 : i32
    %cond3A_6 = arith.cmpi ne, %convert_element_type3A_4, %cond3A_5 : i32
    scf.if %cond3A_6 {
      %broadcast_in_dim3A = arith.constant 0.000000e+00 : f32
      %broadcast_in_dim3A_7 = vector.broadcast %broadcast_in_dim3A : f32 to vector<256x768xf32>
      %swap3A = arith.constant 0 : index
      %swap3A_8 = arith.constant 0 : index
      %swap3A_9 = vector.load %arg7[%swap3A, %swap3A_8] : memref<256x768xf32, #tpu.memory_space<vmem>>, vector<256x768xf32>
      tpu.vector_store %arg7[%swap3A, %swap3A_8], %broadcast_in_dim3A_7 {strides = array<i32>} : memref<256x768xf32, #tpu.memory_space<vmem>>, vector<256x768xf32>,
    } else {
    }
    return
  }
  func.func @transform_0(%arg0: i32, %arg1: memref<24xi32, #tpu.memory_space<smem>>, %arg2: memref<1xi32, #tpu.memory_space<smem>>) -> (i32, i32) {
    %c0_i32 = arith.constant 0 : i32
    %c0_i32_0 = arith.constant 0 : i32
    return %arg0, %c0_i32 : i32, i32
  }
  func.func @transform_1(%arg0: i32, %arg1: memref<24xi32, #tpu.memory_space<smem>>, %arg2: memref<1xi32, #tpu.memory_space<smem>>) -> (i32, i32, i32) {
    %get3A = arith.index_cast %arg0 : i32 to index
    %get3A_0 = memref.load %arg1[%get3A] : memref<24xi32, #tpu.memory_space<smem>>
    %c0_i32 = arith.constant 0 : i32
    %c0_i32_1 = arith.constant 0 : i32
    %c0_i32_2 = arith.constant 0 : i32
    return %get3A_0, %c0_i32, %c0_i32_1 : i32, i32, i32
  }
  func.func @transform_2(%arg0: i32, %arg1: memref<24xi32, #tpu.memory_space<smem>>, %arg2: memref<1xi32, #tpu.memory_space<smem>>) -> (i32, i32, i32) {
    %get3A = arith.index_cast %arg0 : i32 to index
    %get3A_0 = memref.load %arg1[%get3A] : memref<24xi32, #tpu.memory_space<smem>>
    %c0_i32 = arith.constant 0 : i32
    %c0_i32_1 = arith.constant 0 : i32
    %c0_i32_2 = arith.constant 0 : i32
    return %get3A_0, %c0_i32, %c0_i32_1 : i32, i32, i32
  }
  func.func @transform_3(%arg0: i32, %arg1: memref<24xi32, #tpu.memory_space<smem>>, %arg2: memref<1xi32, #tpu.memory_space<smem>>) -> (i32, i32, i32) {
    %get3A = arith.index_cast %arg0 : i32 to index
    %get3A_0 = memref.load %arg1[%get3A] : memref<24xi32, #tpu.memory_space<smem>>
    %c0_i32 = arith.constant 0 : i32
    %c0_i32_1 = arith.constant 0 : i32
    %c0_i32_2 = arith.constant 0 : i32
    return %get3A_0, %c0_i32, %c0_i32_1 : i32, i32, i32
  }
  func.func @transform_4(%arg0: i32, %arg1: memref<24xi32, #tpu.memory_space<smem>>, %arg2: memref<1xi32, #tpu.memory_space<smem>>) -> (i32, i32) {
    %c0_i32 = arith.constant 0 : i32
    %c0_i32_0 = arith.constant 0 : i32
    return %arg0, %c0_i32 : i32, i32
  }
}

module attributes {stable_mosaic.version = 14 : i64} {
  func.func @_shared_body(%arg0: i32, %arg1: memref<256x768xf32, #tpu.memory_space<vmem>>, %arg2: memref<768x2048xf32, #tpu.memory_space<vmem>>, %arg3: memref<768x2048xf32, #tpu.memory_space<vmem>>, %arg4: memref<2048x768xf32, #tpu.memory_space<vmem>>, %arg5: memref<256x768xf32, #tpu.memory_space<vmem>>) attributes {dimension_semantics = [#tpu.dimension_semantics<arbitrary>], iteration_bounds = array<i64: 8>, scalar_prefetch = 0 : i64, scratch_operands = 0 : i64, tpu.core_type = #tpu.core_type<tc>, window_params = [{transform_indices = @transform_0, window_bounds = array<i64: 256, 768>}, {pipeline_mode = #tpu.pipeline_mode<synchronous>, transform_indices = @transform_1, window_bounds = array<i64: 768, 2048>}, {pipeline_mode = #tpu.pipeline_mode<synchronous>, transform_indices = @transform_2, window_bounds = array<i64: 768, 2048>}, {pipeline_mode = #tpu.pipeline_mode<synchronous>, transform_indices = @transform_3, window_bounds = array<i64: 2048, 768>}, {transform_indices = @transform_4, window_bounds = array<i64: 256, 768>}]} {
    %get3A = arith.constant 0 : index
    %get3A_0 = arith.constant 0 : index
    %get3A_1 = vector.load %arg1[%get3A, %get3A_0] : memref<256x768xf32, #tpu.memory_space<vmem>>, vector<256x768xf32>
    %get3A_2 = arith.constant 0 : index
    %get3A_3 = arith.constant 0 : index
    %get3A_4 = vector.load %arg2[%get3A_2, %get3A_3] : memref<768x2048xf32, #tpu.memory_space<vmem>>, vector<768x2048xf32>
    %dot_general3A = arith.constant dense<0.000000e+00> : vector<256x2048xf32>
    %dot_general3A_5 = tpu.matmul %get3A_1, %get3A_4, %dot_general3A {dimension_numbers = #tpu.dot_dimension_numbers<[1], [0], [0], [1], [0, 0, 1, 1], [], []>, transpose_lhs_hint = false} : vector<256x768xf32>, vector<768x2048xf32>, vector<256x2048xf32> -> vector<256x2048xf32>
    %get3A_6 = arith.constant 0 : index
    %get3A_7 = arith.constant 0 : index
    %get3A_8 = vector.load %arg3[%get3A_6, %get3A_7] : memref<768x2048xf32, #tpu.memory_space<vmem>>, vector<768x2048xf32>
    %dot_general3A_9 = arith.constant dense<0.000000e+00> : vector<256x2048xf32>
    %dot_general3A_10 = tpu.matmul %get3A_1, %get3A_8, %dot_general3A_9 {dimension_numbers = #tpu.dot_dimension_numbers<[1], [0], [0], [1], [0, 0, 1, 1], [], []>, transpose_lhs_hint = false} : vector<256x768xf32>, vector<768x2048xf32>, vector<256x2048xf32> -> vector<256x2048xf32>
    %neg3A = arith.constant 0.000000e+00 : f32
    %neg3A_11 = vector.broadcast %neg3A : f32 to vector<256x2048xf32>
    %neg3A_12 = arith.subf %neg3A_11, %dot_general3A_5 : vector<256x2048xf32>
    %exp3A = math.exp %neg3A_12 : vector<256x2048xf32>
    %add3A = arith.constant 1.000000e+00 : f32
    %add3A_13 = vector.broadcast %add3A : f32 to vector<256x2048xf32>
    %add3A_14 = arith.addf %add3A_13, %exp3A : vector<256x2048xf32>
    %div3A = arith.divf %dot_general3A_5, %add3A_14 : vector<256x2048xf32>
    %mul3A = arith.mulf %div3A, %dot_general3A_10 : vector<256x2048xf32>
    %get3A_15 = arith.constant 0 : index
    %get3A_16 = arith.constant 0 : index
    %get3A_17 = vector.load %arg4[%get3A_15, %get3A_16] : memref<2048x768xf32, #tpu.memory_space<vmem>>, vector<2048x768xf32>
    %dot_general3A_18 = arith.constant dense<0.000000e+00> : vector<256x768xf32>
    %dot_general3A_19 = tpu.matmul %mul3A, %get3A_17, %dot_general3A_18 {dimension_numbers = #tpu.dot_dimension_numbers<[1], [0], [0], [1], [0, 0, 1, 1], [], []>, transpose_lhs_hint = false} : vector<256x2048xf32>, vector<2048x768xf32>, vector<256x768xf32> -> vector<256x768xf32>
    %swap3A = arith.constant 0 : index
    %swap3A_20 = arith.constant 0 : index
    %swap3A_21 = vector.load %arg5[%swap3A, %swap3A_20] : memref<256x768xf32, #tpu.memory_space<vmem>>, vector<256x768xf32>
    tpu.vector_store %arg5[%swap3A, %swap3A_20], %dot_general3A_19 {strides = array<i32>} : memref<256x768xf32, #tpu.memory_space<vmem>>, vector<256x768xf32>,
    return
  }
  func.func @transform_0(%arg0: i32) -> (i32, i32) {
    %c0_i32 = arith.constant 0 : i32
    %c0_i32_0 = arith.constant 0 : i32
    return %arg0, %c0_i32 : i32, i32
  }
  func.func @transform_1(%arg0: i32) -> (i32, i32) {
    %c0_i32 = arith.constant 0 : i32
    %c0_i32_0 = arith.constant 0 : i32
    %c0_i32_1 = arith.constant 0 : i32
    return %c0_i32, %c0_i32_0 : i32, i32
  }
  func.func @transform_2(%arg0: i32) -> (i32, i32) {
    %c0_i32 = arith.constant 0 : i32
    %c0_i32_0 = arith.constant 0 : i32
    %c0_i32_1 = arith.constant 0 : i32
    return %c0_i32, %c0_i32_0 : i32, i32
  }
  func.func @transform_3(%arg0: i32) -> (i32, i32) {
    %c0_i32 = arith.constant 0 : i32
    %c0_i32_0 = arith.constant 0 : i32
    %c0_i32_1 = arith.constant 0 : i32
    return %c0_i32, %c0_i32_0 : i32, i32
  }
  func.func @transform_4(%arg0: i32) -> (i32, i32) {
    %c0_i32 = arith.constant 0 : i32
    %c0_i32_0 = arith.constant 0 : i32
    return %arg0, %c0_i32 : i32, i32
  }
}

module attributes {stable_mosaic.version = 14 : i64} {
  func.func @_final_body(%arg0: i32, %arg1: memref<256x768xf32, #tpu.memory_space<vmem>>, %arg2: memref<256x768xf32, #tpu.memory_space<vmem>>, %arg3: memref<256x128xf32, #tpu.memory_space<vmem>>, %arg4: memref<256x128xf32, #tpu.memory_space<vmem>>, %arg5: memref<256x768xf32, #tpu.memory_space<vmem>>, %arg6: memref<256x768xf32, #tpu.memory_space<vmem>>, %arg7: memref<1x768xf32, #tpu.memory_space<vmem>>, %arg8: memref<1x768xf32, #tpu.memory_space<vmem>>, %arg9: memref<256x768xf32, #tpu.memory_space<vmem>>) attributes {dimension_semantics = [#tpu.dimension_semantics<arbitrary>], iteration_bounds = array<i64: 8>, scalar_prefetch = 0 : i64, scratch_operands = 0 : i64, tpu.core_type = #tpu.core_type<tc>, window_params = [{transform_indices = @transform_0, window_bounds = array<i64: 256, 768>}, {transform_indices = @transform_1, window_bounds = array<i64: 256, 768>}, {transform_indices = @transform_2, window_bounds = array<i64: 256, 128>}, {transform_indices = @transform_3, window_bounds = array<i64: 256, 128>}, {transform_indices = @transform_4, window_bounds = array<i64: 256, 768>}, {transform_indices = @transform_5, window_bounds = array<i64: 256, 768>}, {pipeline_mode = #tpu.pipeline_mode<synchronous>, transform_indices = @transform_6, window_bounds = array<i64: 1, 768>}, {pipeline_mode = #tpu.pipeline_mode<synchronous>, transform_indices = @transform_7, window_bounds = array<i64: 1, 768>}, {transform_indices = @transform_8, window_bounds = array<i64: 256, 768>}]} {
    %get3A = arith.constant 0 : index
    %get3A_0 = arith.constant 0 : index
    %get3A_1 = vector.load %arg3[%get3A, %get3A_0] : memref<256x128xf32, #tpu.memory_space<vmem>>, vector<256x1xf32>
    %get3A_2 = arith.constant 0 : index
    %get3A_3 = arith.constant 0 : index
    %get3A_4 = vector.load %arg1[%get3A_2, %get3A_3] : memref<256x768xf32, #tpu.memory_space<vmem>>, vector<256x768xf32>
    %mul3A = vector.broadcast %get3A_1 : vector<256x1xf32> to vector<256x768xf32>
    %mul3A_5 = arith.mulf %mul3A, %get3A_4 : vector<256x768xf32>
    %get3A_6 = arith.constant 0 : index
    %get3A_7 = arith.constant 0 : index
    %get3A_8 = vector.load %arg4[%get3A_6, %get3A_7] : memref<256x128xf32, #tpu.memory_space<vmem>>, vector<256x1xf32>
    %get3A_9 = arith.constant 0 : index
    %get3A_10 = arith.constant 0 : index
    %get3A_11 = vector.load %arg2[%get3A_9, %get3A_10] : memref<256x768xf32, #tpu.memory_space<vmem>>, vector<256x768xf32>
    %mul3A_12 = vector.broadcast %get3A_8 : vector<256x1xf32> to vector<256x768xf32>
    %mul3A_13 = arith.mulf %mul3A_12, %get3A_11 : vector<256x768xf32>
    %add3A = arith.addf %mul3A_5, %mul3A_13 : vector<256x768xf32>
    %get3A_14 = arith.constant 0 : index
    %get3A_15 = arith.constant 0 : index
    %get3A_16 = vector.load %arg5[%get3A_14, %get3A_15] : memref<256x768xf32, #tpu.memory_space<vmem>>, vector<256x768xf32>
    %add3A_17 = arith.addf %add3A, %get3A_16 : vector<256x768xf32>
    %get3A_18 = arith.constant 0 : index
    %get3A_19 = arith.constant 0 : index
    %get3A_20 = vector.load %arg6[%get3A_18, %get3A_19] : memref<256x768xf32, #tpu.memory_space<vmem>>, vector<256x768xf32>
    %add3A_21 = arith.addf %add3A_17, %get3A_20 : vector<256x768xf32>
    %get3A_22 = arith.constant 0 : index
    %get3A_23 = arith.constant 0 : index
    %get3A_24 = vector.load %arg7[%get3A_22, %get3A_23] : memref<1x768xf32, #tpu.memory_space<vmem>>, vector<1x768xf32>
    %get3A_25 = arith.constant 0 : index
    %get3A_26 = arith.constant 0 : index
    %get3A_27 = vector.load %arg8[%get3A_25, %get3A_26] : memref<1x768xf32, #tpu.memory_space<vmem>>, vector<1x768xf32>
    %reduce_sum3A = arith.constant dense<0.000000e+00> : vector<256xf32>
    %reduce_sum3A_28 = vector.multi_reduction <add>, %add3A_21, %reduce_sum3A [1] : vector<256x768xf32> to vector<256xf32>
    %broadcast_in_dim3A = vector.shape_cast %reduce_sum3A_28 : vector<256xf32> to vector<256x1xf32>
    %div3A = arith.constant 7.680000e+02 : f32
    %div3A_29 = vector.broadcast %div3A : f32 to vector<256x1xf32>
    %div3A_30 = arith.divf %broadcast_in_dim3A, %div3A_29 : vector<256x1xf32>
    %sub3A = vector.broadcast %div3A_30 : vector<256x1xf32> to vector<256x768xf32>
    %sub3A_31 = arith.subf %add3A_21, %sub3A : vector<256x768xf32>
    %sub3A_32 = vector.broadcast %div3A_30 : vector<256x1xf32> to vector<256x768xf32>
    %sub3A_33 = arith.subf %add3A_21, %sub3A_32 : vector<256x768xf32>
    %mul3A_34 = arith.mulf %sub3A_31, %sub3A_33 : vector<256x768xf32>
    %reduce_sum3A_35 = arith.constant dense<0.000000e+00> : vector<256xf32>
    %reduce_sum3A_36 = vector.multi_reduction <add>, %mul3A_34, %reduce_sum3A_35 [1] : vector<256x768xf32> to vector<256xf32>
    %broadcast_in_dim3A_37 = vector.shape_cast %reduce_sum3A_36 : vector<256xf32> to vector<256x1xf32>
    %div3A_38 = arith.constant 7.680000e+02 : f32
    %div3A_39 = vector.broadcast %div3A_38 : f32 to vector<256x1xf32>
    %div3A_40 = arith.divf %broadcast_in_dim3A_37, %div3A_39 : vector<256x1xf32>
    %sub3A_41 = vector.broadcast %div3A_30 : vector<256x1xf32> to vector<256x768xf32>
    %sub3A_42 = arith.subf %add3A_21, %sub3A_41 : vector<256x768xf32>
    %add3A_43 = arith.constant 9.99999974E-6 : f32
    %add3A_44 = vector.broadcast %add3A_43 : f32 to vector<256x1xf32>
    %add3A_45 = arith.addf %div3A_40, %add3A_44 : vector<256x1xf32>
    %sqrt3A = math.sqrt %add3A_45 : vector<256x1xf32>
    %div3A_46 = vector.broadcast %sqrt3A : vector<256x1xf32> to vector<256x768xf32>
    %div3A_47 = arith.divf %sub3A_42, %div3A_46 : vector<256x768xf32>
    %mul3A_48 = vector.broadcast %get3A_24 : vector<1x768xf32> to vector<256x768xf32>
    %mul3A_49 = arith.mulf %div3A_47, %mul3A_48 : vector<256x768xf32>
    %add3A_50 = vector.broadcast %get3A_27 : vector<1x768xf32> to vector<256x768xf32>
    %add3A_51 = arith.addf %mul3A_49, %add3A_50 : vector<256x768xf32>
    %swap3A = arith.constant 0 : index
    %swap3A_52 = arith.constant 0 : index
    %swap3A_53 = vector.load %arg9[%swap3A, %swap3A_52] : memref<256x768xf32, #tpu.memory_space<vmem>>, vector<256x768xf32>
    tpu.vector_store %arg9[%swap3A, %swap3A_52], %add3A_51 {strides = array<i32>} : memref<256x768xf32, #tpu.memory_space<vmem>>, vector<256x768xf32>,
    return
  }
  func.func @transform_0(%arg0: i32) -> (i32, i32) {
    %c0_i32 = arith.constant 0 : i32
    %c0_i32_0 = arith.constant 0 : i32
    return %arg0, %c0_i32 : i32, i32
  }
  func.func @transform_1(%arg0: i32) -> (i32, i32) {
    %c0_i32 = arith.constant 0 : i32
    %c0_i32_0 = arith.constant 0 : i32
    return %arg0, %c0_i32 : i32, i32
  }
  func.func @transform_2(%arg0: i32) -> (i32, i32) {
    %c0_i32 = arith.constant 0 : i32
    %c0_i32_0 = arith.constant 0 : i32
    return %arg0, %c0_i32 : i32, i32
  }
  func.func @transform_3(%arg0: i32) -> (i32, i32) {
    %c0_i32 = arith.constant 0 : i32
    %c0_i32_0 = arith.constant 0 : i32
    return %arg0, %c0_i32 : i32, i32
  }
  func.func @transform_4(%arg0: i32) -> (i32, i32) {
    %c0_i32 = arith.constant 0 : i32
    %c0_i32_0 = arith.constant 0 : i32
    return %arg0, %c0_i32 : i32, i32
  }
  func.func @transform_5(%arg0: i32) -> (i32, i32) {
    %c0_i32 = arith.constant 0 : i32
    %c0_i32_0 = arith.constant 0 : i32
    return %arg0, %c0_i32 : i32, i32
  }
  func.func @transform_6(%arg0: i32) -> (i32, i32) {
    %c0_i32 = arith.constant 0 : i32
    %c0_i32_0 = arith.constant 0 : i32
    %c0_i32_1 = arith.constant 0 : i32
    return %c0_i32, %c0_i32_0 : i32, i32
  }
  func.func @transform_7(%arg0: i32) -> (i32, i32) {
    %c0_i32 = arith.constant 0 : i32
    %c0_i32_0 = arith.constant 0 : i32
    %c0_i32_1 = arith.constant 0 : i32
    return %c0_i32, %c0_i32_0 : i32, i32
  }
  func.func @transform_8(%arg0: i32) -> (i32, i32) {
    %c0_i32 = arith.constant 0 : i32
    %c0_i32_0 = arith.constant 0 : i32
    return %arg0, %c0_i32 : i32, i32
  }
}

module attributes {stable_mosaic.version = 14 : i64} {
  func.func @_lm_body(%arg0: i32, %arg1: memref<2048x768xf32, #tpu.memory_space<vmem>>, %arg2: memref<768x1280xf32, #tpu.memory_space<vmem>>, %arg3: memref<2048x1280xf32, #tpu.memory_space<vmem>>) attributes {dimension_semantics = [#tpu.dimension_semantics<arbitrary>], iteration_bounds = array<i64: 25>, scalar_prefetch = 0 : i64, scratch_operands = 0 : i64, tpu.core_type = #tpu.core_type<tc>, window_params = [{pipeline_mode = #tpu.pipeline_mode<synchronous>, transform_indices = @transform_0, window_bounds = array<i64: 2048, 768>}, {transform_indices = @transform_1, window_bounds = array<i64: 768, 1280>}, {transform_indices = @transform_2, window_bounds = array<i64: 2048, 1280>}]} {
    %get3A = arith.constant 0 : index
    %get3A_0 = arith.constant 0 : index
    %get3A_1 = vector.load %arg1[%get3A, %get3A_0] : memref<2048x768xf32, #tpu.memory_space<vmem>>, vector<2048x768xf32>
    %get3A_2 = arith.constant 0 : index
    %get3A_3 = arith.constant 0 : index
    %get3A_4 = vector.load %arg2[%get3A_2, %get3A_3] : memref<768x1280xf32, #tpu.memory_space<vmem>>, vector<768x1280xf32>
    %dot_general3A = arith.constant dense<0.000000e+00> : vector<2048x1280xf32>
    %dot_general3A_5 = tpu.matmul %get3A_1, %get3A_4, %dot_general3A {dimension_numbers = #tpu.dot_dimension_numbers<[1], [0], [0], [1], [0, 0, 1, 1], [], []>, transpose_lhs_hint = false} : vector<2048x768xf32>, vector<768x1280xf32>, vector<2048x1280xf32> -> vector<2048x1280xf32>
    %swap3A = arith.constant 0 : index
    %swap3A_6 = arith.constant 0 : index
    %swap3A_7 = vector.load %arg3[%swap3A, %swap3A_6] : memref<2048x1280xf32, #tpu.memory_space<vmem>>, vector<2048x1280xf32>
    tpu.vector_store %arg3[%swap3A, %swap3A_6], %dot_general3A_5 {strides = array<i32>} : memref<2048x1280xf32, #tpu.memory_space<vmem>>, vector<2048x1280xf32>,
    return
  }
  func.func @transform_0(%arg0: i32) -> (i32, i32) {
    %c0_i32 = arith.constant 0 : i32
    %c0_i32_0 = arith.constant 0 : i32
    %c0_i32_1 = arith.constant 0 : i32
    return %c0_i32, %c0_i32_0 : i32, i32
  }
  func.func @transform_1(%arg0: i32) -> (i32, i32) {
    %c0_i32 = arith.constant 0 : i32
    %c0_i32_0 = arith.constant 0 : i32
    return %c0_i32, %arg0 : i32, i32
  }
  func.func @transform_2(%arg0: i32) -> (i32, i32) {
    %c0_i32 = arith.constant 0 : i32
    %c0_i32_0 = arith.constant 0 : i32
    return %c0_i32, %arg0 : i32, i32
  }
}

</mosaic_0001>

<sc_bundles>
// kernel: kernel.14.cloned.1.call-start
scs
__scs_entry_jumppad:
0x0: {  	(pc) =	sbr.rel $0x88, $3  }
0x1: {  	(tag) =	ssettag $0x0;
	lr =	simm.s32 $0x1  }
0x2: {  	[smem:$0x3F8D] =	sst lr;
	_ =	strace $0xD0000000  }
0x3: {  	_ = 	snop  }
0x4: {  	_ = 	snop  }
0x5: {  	_ = 	snop  }
0x6: {  	_ = 	snop  }
0x7: {  	_ = 	snop  }
__scs_overlays_trampoline_lowered:
0x8: {  	[smem:$0x3F9C] =	sst s0  }
0x9: {  	[smem:$0x3F9D] =	sst s1  }
0xa: {  	[smem:$0x3F9E] =	sst s2  }
0xb: {  	[smem:$0x3F9F] =	sst s3  }
0xc: {  	[smem:$0x3FA0] =	sst s4  }
0xd: {  	[smem:$0x3FA1] =	sst s5  }
0xe: {  	[smem:$0x3FA2] =	sst s6  }
0xf: {  	[smem:$0x3FA3] =	sst s7  }
0x10: {  	[smem:$0x3FA4] =	sst s8  }
0x11: {  	[smem:$0x3FA5] =	sst s9;
	s0 =	simm.s32 @!p0 $0x0  }
0x12: {  	s1 =	sld [smem:$0x3F8B];
	s0 =	simm.s32 @p0 $0x1  }
0x13: {  	[smem:$0x3FA6] =	sst s0;
	s0 =	simm.s32 @!p1 $0x0  }
0x14: {  	s2 =	sld [smem:$0x3F8A];
	s0 =	simm.s32 @p1 $0x1  }
0x15: {  	[smem:$0x3FA7] =	sst s0;
	s0 =	simm.s32 @!p2 $0x0  }
0x16: {  	s3 =	sld [smem:$0x3FDB];
	s0 =	simm.s32 @p2 $0x1  }
0x17: {  	s4 =	simm.s32 $0x1BF5;
	[smem:$0x3FA9] =	sst s0  }
0x18: {  	s0 =	sld [smem:$0x3F8C];
	_ =	swait.ge [sflag:s4], $0x0  }
0x19: {  	s7 =	sld [smem:$0x3F8D]  }
0x1a: {  	s8 =	sadd.s32 $0xFFFFE003, lr  }
0x1b: {  	s9 =	sadd.s32 $0xFFFFFEF7, lr;
	s5 =	simm.s32 $0xFFFFFFFF;
	p2 =	slt.u32 s8, $0xFFFFF086  }
0x1c: {  	p1 =	slt.u32 s9, $0xF7A;
	s5 =	simm.s32 @!p2 $0x0  }
0x1d: {  	s5 =	simm.s32 @p1 $0x1;
	p0 =	seq.s32 s7, s2  }
0x1e: {  	s7 =	smul.u32 @!p0 $0xF7A, s2;
	p2 =	seq.s32 @!p0 s5, $0x0  }
0x1f: {  	s9 =	smul.u32 $0xF7A, s1;
	s8 =	simm.s32 @!p0 $0x1BF5;
	p2 =	por !p2, p0  }
0x20: {  	[sflag:s8] =	ssyncset.s32 @!p0 $0xFFFFF086;
	s6 =	sadd.s32 @!p0 s3, s7;
	s7 =	simm.s32 @!p0 $0x108  }
0x21: {  	s3 =	sadd.s32 s3, s9;
	s6 =	sadd.s32 @!p0 $0x88, s6;
	s7 =	simm.s32 @p2 $0x1082  }
0x22: {  	[simem:s7], [sflag:s8] =	dma.local @!p0 [hbm:s6], $0xF7A  }
0x23: {  	s9 =	sor.u32 $0xD0000000, s2;
	s6 =	simm.s32 $0x108;
	_ =	swait.ge @!p0 [sflag:s8], $0x0  }
0x24: {  	s3 =	sadd.s32 $0x88, s3;
	s6 =	simm.s32 @!p1 $0x1082;
	[sflag:s4] =	ssyncset.s32 $0xFFFFF086  }
0x25: {  	[simem:s6], [sflag:s4] =	dma.local [hbm:s3], $0xF7A  }
0x26: {  	[smem:$0x3F8D] =	sst s1;
	(tag) =	ssettag s2;
	_ =	strace s9  }
0x27: {  	s1 =	sld [smem:$0x3F9D]  }
0x28: {  	s2 =	sld [smem:$0x3F9E]  }
0x29: {  	s4 =	sld [smem:$0x3FA0]  }
0x2a: {  	p0 =	seq.s32 s5, $0x0;
	s5 =	sld [smem:$0x3FA1]  }
0x2b: {  	s6 =	sld [smem:$0x3FA2]  }
0x2c: {  	s7 =	sld [smem:$0x3FA3]  }
0x2d: {  	s3 =	simm.s32 $0x108;
	s8 =	sld [smem:$0x3FA4]  }
0x2e: {  	s3 =	simm.s32 @!p0 $0x1082;
	s9 =	sld [smem:$0x3FA5]  }
0x2f: {  	lr =	sadd.s32 s0, s3;
	s0 =	sld [smem:$0x3F9C]  }
0x30: {  	s3 =	sld [smem:$0x3F9F]  }
0x31: {  	[smem:$0x3FA8] =	sst s10  }
0x32: {  	s10 =	sld [smem:$0x3FA6];
	_ =	sdelay $0x3  }
0x33: {  	p0 =	seq.s32 s10, $0x1;
	s10 =	sld [smem:$0x3FA8];
	_ =	sdelay $0x3  }
0x34: {  	[smem:$0x3FA8] =	sst s10  }
0x35: {  	s10 =	sld [smem:$0x3FA7];
	_ =	sdelay $0x3  }
0x36: {  	p1 =	seq.s32 s10, $0x1;
	s10 =	sld [smem:$0x3FA8];
	_ =	sdelay $0x3  }
0x37: {  	[smem:$0x3FA8] =	sst s10  }
0x38: {  	s10 =	sld [smem:$0x3FA9]  }
0x39: {  	_ = 	snop;
	(pc) =	sbr.ind lr, $3  }
0x3a: {  	_ = 	snop  }
0x3b: {  	_ = 	snop  }
0x3c: {  	p2 =	seq.s32 s10, $0x1;
	s10 =	sld [smem:$0x3FA8]  }
0x3d: {  	_ =	shalt  }
0x3e: {  	_ =	shalt  }
0x3f: {  	_ =	shalt  }
0x40: {  	_ =	shalt  }
0x41: {  	_ =	shalt  }
0x42: {  	_ =	shalt  }
0x43: {  	_ =	shalt  }
0x44: {  	_ =	shalt  }
0x45: {  	_ =	shalt  }
0x46: {  	_ =	shalt  }
0x47: {  	_ =	shalt  }
0x48: {  	_ =	shalt  }
0x49: {  	_ =	shalt  }
0x4a: {  	_ =	shalt  }
0x4b: {  	_ =	shalt  }
0x4c: {  	_ =	shalt  }
0x4d: {  	_ =	shalt  }
0x4e: {  	_ =	shalt  }
0x4f: {  	_ =	shalt  }
0x50: {  	_ =	shalt  }
0x51: {  	_ =	shalt  }
0x52: {  	_ =	shalt  }
0x53: {  	_ =	shalt  }
0x54: {  	_ =	shalt  }
0x55: {  	_ =	shalt  }
0x56: {  	_ =	shalt  }
0x57: {  	_ =	shalt  }
0x58: {  	_ =	shalt  }
0x59: {  	_ =	shalt  }
0x5a: {  	_ =	shalt  }
0x5b: {  	_ =	shalt  }
0x5c: {  	_ =	shalt  }
0x5d: {  	_ =	shalt  }
0x5e: {  	_ =	shalt  }
0x5f: {  	_ =	shalt  }
0x60: {  	_ =	shalt  }
0x61: {  	_ =	shalt  }
0x62: {  	_ =	shalt  }
0x63: {  	_ =	shalt  }
0x64: {  	_ =	shalt  }
0x65: {  	_ =	shalt  }
0x66: {  	_ =	shalt  }
0x67: {  	_ =	shalt  }
0x68: {  	_ =	shalt  }
0x69: {  	_ =	shalt  }
0x6a: {  	_ =	shalt  }
0x6b: {  	_ =	shalt  }
0x6c: {  	_ =	shalt  }
0x6d: {  	_ =	shalt  }
0x6e: {  	_ =	shalt  }
0x6f: {  	_ =	shalt  }
0x70: {  	_ =	shalt  }
0x71: {  	_ =	shalt  }
0x72: {  	_ =	shalt  }
0x73: {  	_ =	shalt  }
0x74: {  	_ =	shalt  }
0x75: {  	_ =	shalt  }
0x76: {  	_ =	shalt  }
0x77: {  	_ =	shalt  }
0x78: {  	_ =	shalt  }
0x79: {  	_ =	shalt  }
0x7a: {  	_ =	shalt  }
0x7b: {  	_ =	shalt  }
0x7c: {  	_ =	shalt  }
0x7d: {  	_ =	shalt  }
0x7e: {  	_ =	shalt  }
0x7f: {  	_ =	shalt  }
0x80: {  	_ =	shalt  }
0x81: {  	_ =	shalt  }
0x82: {  	_ =	shalt  }
0x83: {  	_ =	shalt  }
0x84: {  	_ =	shalt  }
0x85: {  	_ =	shalt  }
0x86: {  	_ =	shalt  }
0x87: {  	_ =	shalt  }
.Lfunc_end0:
.L_simem_size_0:
called_computation_lowered:
.L_overlay_start_0:
0x88: {  	s2 =	sld [smem:$0x3FD9]  }
0x89: {  	s3 =	sld [smem:$0x3FFE];
	_ =	sdelay $0x1  }
0x8a: {  	s1 =	srdreg.scid  }
0x8b: {  	s0 =	sand.u32 $0x1, s1  }
0x8c: {  	s17 =	sshll.u32 s0, $0xA;
	s2 =	sadd.s32 s3, s2  }
0x8d: {  	s2 =	sadd.s32 s2, s17  }
0x8e: {  	[smem:$0x3FB4] =	sst s2  }
0x8f: {  	_ = 	snop  }
0x90: {  	s2 =	sld [smem:$0x3FC9]  }
0x91: {  	s18 =	sld [smem:$0x3FC8];
	(tm) =	ssettm $0x1  }
0x92: {  	s4 =	sld [smem:$0x3FFB];
	_ =	sdelay $0x3  }
0x93: {  	_ =	strace s4  }
0x94: {  	s4 =	sld [smem:$0x3FFC];
	_ =	sdelay $0x3  }
0x95: {  	_ =	strace s4  }
0x96: {  	s4 =	sld [smem:$0x3FFD];
	_ =	sdelay $0x3  }
0x97: {  	_ =	strace s4  }
0x98: {  	_ =	strace $0x8FFFFFFF  }
0x99: {  	s19 =	sld [smem:$0x3FDB];
	_ =	sdelay $0x1  }
0x9a: {  	s5 =	simm.s32 $_scs_section_size  }
0x9b: {  	s6 =	simm.s32 $_size__tile_overlayer_lowered;
	s7 =	simm.s32 $_tile_overlayer_lowered  }
0x9c: {  	s22 =	simm.s32 $0x1BFF;
	s21 =	sshll.u32 s7, $0x1;
	s4 =	sadd.s32 s5, s19  }
0x9d: {  	s8 =	simm.s32 $0x0;
	s20 =	sshll.u32 s6, $0x1;
	s6 =	sadd.s32 s21, s4  }
0x9e: {  	[timem:s8], [sflag:s22] =	dma.local [hbm:s6], s20  }
0x9f: {  	_ =	swait.ge [sflag:s22], s20  }
0xa0: {  	s5 =	ssub.s32 $0x0, s20;
	[sflag:s22] =	ssyncset.done $0x0  }
0xa1: {  	[sflag:s22] =	ssyncadd.s32 s5;
	_ =	sdelay $0x1  }
0xa2: {  	s23 =	simm.s32 $0x1B8B  }
0xa3: {  	_ =	swait.ge [sflag:s23], $0x1  }
0xa4: {  	[sflag:s23] =	ssyncset.done $0x0  }
0xa5: {  	s25 =	simm.s32 $0x1B8E;
	s24 =	sld [smem:$0x3FFE];
	[sflag:s23] =	ssyncadd.s32 $0xFFFFFFFF  }
0xa6: {  	s26 =	simm.s32 $execute0_lowered;
	[smem:$0x3FD2] =	sst s25  }
0xa7: {  	s6 =	sshll.u32 s26, $0x1;
	_ =	strace $0x80000046;
	[dreg:$0x1] =	wrdreg $0xFFFFFFFF  }
0xa8: {  	s28 =	simm.s32 $_size_execute0_lowered;
	s4 =	sadd.s32 s4, s6;
	[dreg:$0x0] =	wrdreg $0x0  }
0xa9: {  	s6 =	sshll.u32 s28, $0x1;
	[dreg:$0x2] =	wrdreg s4  }
0xaa: {  	[dreg:$0x3] =	wrdreg s6  }
0xab: {  	[dreg:$0x4] =	wrdreg $0xC0  }
0xac: {  	_ =	task [dreg:s8], $0x5FFFF  }
0xad: {  	[dreg:$0x1] =	wrdreg $0xFFFFFFFF  }
0xae: {  	[dreg:$0x0] =	wrdreg $0x60  }
0xaf: {  	[dreg:$0x2] =	wrdreg s18  }
0xb0: {  	[dreg:$0x3] =	wrdreg s2  }
0xb1: {  	[dreg:$0x4] =	wrdreg s24  }
0xb2: {  	[dreg:$0x5] =	wrdreg $0x9  }
0xb3: {  	_ =	task.clear_ibuf [dreg:s8], $0x6FFFF;
	_ =	strace $0x90000046  }
0xb4: {  	s29 =	simm.s32 $0x9;
	_ =	strace $0x80000048  }
0xb5: {  	_ =	swait.ge [sflag:s29], $0x1  }
0xb6: {  	[sflag:s29] =	ssyncadd.s32 $0xFFFFFFFF  }
0xb7: {  	_ =	strace $0x90000048  }
0xb8: {  	_ =	sfence  }
0xb9: {  	s30 =	sld [smem:$0x0];
	_ =	sdelay $0x2  }
0xba: {  	s31 =	sshll.u32 s1, $0xD;
	s1 =	sshrl.u32 s1, $0x2  }
0xbb: {  	s3 =	sand.u32 $0x4000, s31;
	s1 =	sadd.s32 s1, s30  }
0xbc: {  	s0 =	sor.u32 s3, s0;
	s1 =	sshll.u32 s1, $0x11  }
0xbd: {  	s0 =	sor.u32 s1, s0  }
0xbe: {  	s0 =	sadd.s32 $0x8F2B, s0  }
0xbf: {  	[sflag:s0] =	ssyncadd.remote.s32 $0x1  }
0xc0: {  	_ =	sfence.sel $0xFFFF  }
0xc1: {  	[dreg:$0x0] =	wrdreg $0xFFFFFFFF;
	(pc) =	sbr.abs _section_cstart, $3  }
0xc2: {  	[dreg:$0x1] =	wrdreg $0xFFFFFFFF  }
0xc3: {  	_ =	task.clear_ibuf [dreg:s8], $0x2FFFF;
	_ =	strace $0x9FFFFFFF  }
0xc4: {  	(tm) =	ssettm $0x7FFFFFFF  }
0xc5: {  	_ =	shalt  }
tec
execute0_lowered:
.L_overlay_start_1:
0x0: {  	(tag) =	ssettag $0x1  }
0x1: {  	s1 =	rddreg [dreg:$0x0]  }
0x2: {  	s2 =	srdreg.scid;
	s4 =	rddreg [dreg:$0x1]  }
0x3: {  	s0 =	stileid.u32;
	s5 =	rddreg [dreg:$0x2];
	s3 =	simm.s32 $0x0  }
0x4: {  	s26 =	simm.s32 $0x880;
	s9 =	simm.s32 $0x1080;
	s10 =	simm.s32 $0x1880  }
0x5: {  	s11 =	simm.s32 $0x2080;
	s12 =	simm.s32 $0x2880;
	s13 =	simm.s32 $0x3080  }
0x6: {  	s14 =	simm.s32 $0x3880;
	s15 =	simm.s32 $0x4080;
	s16 =	simm.s32 $0x4880  }
0x7: {  	s17 =	simm.s32 $0x5080;
	s18 =	simm.s32 $0x5880;
	s19 =	simm.s32 $0x6080  }
0x8: {  	s20 =	simm.s32 $0x6880;
	s21 =	simm.s32 $0x7080;
	s22 =	simm.s32 $0x7880  }
0x9: {  	s23 =	simm.s32 $0x8080;
	s24 =	simm.s32 $0x8880;
	s28 =	simm.s32 $0xA080  }
0xa: {  	s29 =	simm.s32 $0xA880;
	s30 =	simm.s32 $0xB080;
	s31 =	simm.s32 $0xB880  }
0xb: {  	s2 =	sand.u32 $0x1, s2;
	s6 =	sshll.u32 s0, $0x4;
	[smem:$0x7FF] =	sst s3  }
0xc: {  	s7 =	sshll.u32 s2, $0x3;
	s2 =	ssub.s32 $0x2, s2;
	_ =	strace $0x80000047  }
0xd: {  	[dreg:$0x6] =	wrdreg s26;
	s26 =	simm.s32 $0x9880;
	s6 =	sor.u32 s7, s6  }
0xe: {  	s8 =	sshrl.u32 s2, $0x1;
	s7 =	smul.u32 $0x300, s6;
	s4 =	sadd.s32 s4, s6  }
0xf: {  	s2 =	ssub.s32 s2, s8;
	s8 =	simm.s32 $0x80;
	[dreg:$0x4] =	wrdreg s4  }
0x10: {  	v2 =	vlaneseq.u32;
	s4 =	sadd.s32 $0x100, s1;
	s6 =	smax.u32 s2, $0x1;
	s5 =	sadd.s32 s7, s5  }
0x11: {  	vm0 =	vmmov $0xffff;
	v1 =	vshrl.u32 v2, $0x3;
	s2 =	simm.s32 $0x1;
	s7 =	simm.s32 $0x2;
	s25 =	sadd.s32 $0x4C00, s5  }
0x12: {  	v0 =	vand.u32 $0x7, v2;
	v2 =	vor.u32 $0x8, v2;
	v1 =	vmul.u32 $0x8, v1;
	s5 =	sadd.s32 $0x200, s1;
	[dreg:$0x5] =	wrdreg s25;
	s25 =	simm.s32 $0x9080  }
.LBB2_1:
0x13: {  	s0 =	rddreg [dreg:$0x4]  }
0x14: {  	[tilespmem:s3], [sflag:$0x2] =	stream.linear.gather [hbm4b:s0+s3], $0x40, $0x38;
	[tilespmem:$0xC080] =	vst v63  }
0x15: {  	_ =	swait.ge [sflag:s7], $0x40  }
0x16: {  	[sflag:s7] =	ssyncset.done $0x0  }
0x17: {  	[sflag:s7] =	ssyncadd.s32 $0xFFFFFFC0  }
0x18: {  	v3 =	vld [tilespmem:$0x0];
	_ =	sdelay $0x4  }
0x19: {  	v4 =	vshrl.u32 v3, $0x3  }
0x1a: {  	v4 =	vmul.u32 $0x30, v4  }
0x1b: {  	v3 =	vand.u32 $0x7, v3  }
0x1c: {  	v3 =	vor.u32 v3, v4  }
0x1d: {  	v4 =	vperm.xlane v3, v0;
	_ =	sdelay $0x1  }
0x1e: {  	v4 =	vadd.s32 v1, v4;
	_ =	sdelay $0x3  }
0x1f: {  	v3 =	vperm.xlane v3, v2  }
0x20: {  	[tilespmem:s8], [sflag:$0x1] =	stream.indirect_vreg.gather [hbm4b:s1+s3], $0x80, v4, vm0, $0xb8;
	[tilespmem:$0xC080] =	vst v63  }
0x21: {  	s0 =	rddreg [dreg:$0x6];
	v3 =	vadd.s32 v1, v3  }
0x22: {  	[tilespmem:s0], [sflag:$0x1] =	stream.indirect_vreg.gather [hbm4b:s4+s3], $0x80, v4, vm0, $0xb8;
	[tilespmem:$0xC080] =	vst v63  }
0x23: {  	_ = 	snop  }
0x24: {  	[tilespmem:s9], [sflag:$0x1] =	stream.indirect_vreg.gather [hbm4b:s5+s3], $0x80, v4, vm0, $0xb8;
	[tilespmem:$0xC080] =	vst v63  }
0x25: {  	_ = 	snop  }
0x26: {  	[tilespmem:s10], [sflag:$0x1] =	stream.indirect_vreg.gather [hbm4b:s1+s3], $0x80, v3, vm0, $0xb8;
	[tilespmem:$0xC080] =	vst v63  }
0x27: {  	_ = 	snop  }
0x28: {  	[tilespmem:s11], [sflag:$0x1] =	stream.indirect_vreg.gather [hbm4b:s4+s3], $0x80, v3, vm0, $0xb8;
	[tilespmem:$0xC080] =	vst v63  }
0x29: {  	_ = 	snop  }
0x2a: {  	[tilespmem:s12], [sflag:$0x1] =	stream.indirect_vreg.gather [hbm4b:s5+s3], $0x80, v3, vm0, $0xb8;
	[tilespmem:$0xC080] =	vst v63  }
0x2b: {  	v3 =	vld [tilespmem:$0x10];
	_ =	sdelay $0x4  }
0x2c: {  	v61 =	vshrl.u32 v3, $0x3  }
0x2d: {  	v4 =	vmul.u32 $0x30, v61  }
0x2e: {  	v3 =	vand.u32 $0x7, v3  }
0x2f: {  	v3 =	vor.u32 v3, v4  }
0x30: {  	v4 =	vperm.xlane v3, v0;
	_ =	sdelay $0x1  }
0x31: {  	v4 =	vadd.s32 v1, v4;
	_ =	sdelay $0x3  }
0x32: {  	v3 =	vperm.xlane v3, v2  }
0x33: {  	[tilespmem:s13], [sflag:$0x1] =	stream.indirect_vreg.gather [hbm4b:s1+s3], $0x80, v4, vm0, $0xb8;
	[tilespmem:$0xC080] =	vst v63  }
0x34: {  	v3 =	vadd.s32 v1, v3  }
0x35: {  	[tilespmem:s14], [sflag:$0x1] =	stream.indirect_vreg.gather [hbm4b:s4+s3], $0x80, v4, vm0, $0xb8;
	[tilespmem:$0xC080] =	vst v63  }
0x36: {  	_ = 	snop  }
0x37: {  	[tilespmem:s15], [sflag:$0x1] =	stream.indirect_vreg.gather [hbm4b:s5+s3], $0x80, v4, vm0, $0xb8;
	[tilespmem:$0xC080] =	vst v63  }
0x38: {  	_ = 	snop  }
0x39: {  	[tilespmem:s16], [sflag:$0x1] =	stream.indirect_vreg.gather [hbm4b:s1+s3], $0x80, v3, vm0, $0xb8;
	[tilespmem:$0xC080] =	vst v63  }
0x3a: {  	_ = 	snop  }
0x3b: {  	[tilespmem:s17], [sflag:$0x1] =	stream.indirect_vreg.gather [hbm4b:s4+s3], $0x80, v3, vm0, $0xb8;
	[tilespmem:$0xC080] =	vst v63  }
0x3c: {  	_ = 	snop  }
0x3d: {  	[tilespmem:s18], [sflag:$0x1] =	stream.indirect_vreg.gather [hbm4b:s5+s3], $0x80, v3, vm0, $0xb8;
	[tilespmem:$0xC080] =	vst v63  }
0x3e: {  	v3 =	vld [tilespmem:$0x20];
	_ =	sdelay $0x4  }
0x3f: {  	v62 =	vshrl.u32 v3, $0x3  }
0x40: {  	v4 =	vmul.u32 $0x30, v62  }
0x41: {  	v3 =	vand.u32 $0x7, v3  }
0x42: {  	v3 =	vor.u32 v3, v4  }
0x43: {  	v4 =	vperm.xlane v3, v0;
	_ =	sdelay $0x1  }
0x44: {  	v4 =	vadd.s32 v1, v4;
	_ =	sdelay $0x3  }
0x45: {  	v3 =	vperm.xlane v3, v2  }
0x46: {  	[tilespmem:s19], [sflag:$0x1] =	stream.indirect_vreg.gather [hbm4b:s1+s3], $0x80, v4, vm0, $0xb8;
	[tilespmem:$0xC080] =	vst v63  }
0x47: {  	v3 =	vadd.s32 v1, v3  }
0x48: {  	[tilespmem:s20], [sflag:$0x1] =	stream.indirect_vreg.gather [hbm4b:s4+s3], $0x80, v4, vm0, $0xb8;
	[tilespmem:$0xC080] =	vst v63  }
0x49: {  	_ = 	snop  }
0x4a: {  	[tilespmem:s21], [sflag:$0x1] =	stream.indirect_vreg.gather [hbm4b:s5+s3], $0x80, v4, vm0, $0xb8;
	[tilespmem:$0xC080] =	vst v63  }
0x4b: {  	_ = 	snop  }
0x4c: {  	[tilespmem:s22], [sflag:$0x1] =	stream.indirect_vreg.gather [hbm4b:s1+s3], $0x80, v3, vm0, $0xb8;
	[tilespmem:$0xC080] =	vst v63  }
0x4d: {  	_ = 	snop  }
0x4e: {  	[tilespmem:s23], [sflag:$0x1] =	stream.indirect_vreg.gather [hbm4b:s4+s3], $0x80, v3, vm0, $0xb8;
	[tilespmem:$0xC080] =	vst v63  }
0x4f: {  	_ = 	snop  }
0x50: {  	[tilespmem:s24], [sflag:$0x1] =	stream.indirect_vreg.gather [hbm4b:s5+s3], $0x80, v3, vm0, $0xb8;
	[tilespmem:$0xC080] =	vst v63  }
0x51: {  	v3 =	vld [tilespmem:$0x30];
	_ =	sdelay $0x4  }
0x52: {  	v63 =	vshrl.u32 v3, $0x3  }
0x53: {  	v4 =	vmul.u32 $0x30, v63  }
0x54: {  	v3 =	vand.u32 $0x7, v3  }
0x55: {  	v3 =	vor.u32 v3, v4  }
0x56: {  	v4 =	vperm.xlane v3, v0;
	_ =	sdelay $0x1  }
0x57: {  	v4 =	vadd.s32 v1, v4;
	_ =	sdelay $0x3  }
0x58: {  	v3 =	vperm.xlane v3, v2  }
0x59: {  	[tilespmem:s25], [sflag:$0x1] =	stream.indirect_vreg.gather [hbm4b:s1+s3], $0x80, v4, vm0, $0xb8;
	[tilespmem:$0xC080] =	vst v63  }
0x5a: {  	v3 =	vadd.s32 v1, v3  }
0x5b: {  	[tilespmem:s26], [sflag:$0x1] =	stream.indirect_vreg.gather [hbm4b:s4+s3], $0x80, v4, vm0, $0xb8;
	[tilespmem:$0xC080] =	vst v63  }
0x5c: {  	_ = 	snop  }
0x5d: {  	[tilespmem:s28], [sflag:$0x1] =	stream.indirect_vreg.gather [hbm4b:s5+s3], $0x80, v4, vm0, $0xb8;
	[tilespmem:$0xC080] =	vst v63  }
0x5e: {  	_ = 	snop  }
0x5f: {  	[tilespmem:s29], [sflag:$0x1] =	stream.indirect_vreg.gather [hbm4b:s1+s3], $0x80, v3, vm0, $0xb8;
	[tilespmem:$0xC080] =	vst v63  }
0x60: {  	_ = 	snop  }
0x61: {  	[tilespmem:s30], [sflag:$0x1] =	stream.indirect_vreg.gather [hbm4b:s4+s3], $0x80, v3, vm0, $0xb8;
	[tilespmem:$0xC080] =	vst v63  }
0x62: {  	_ = 	snop  }
0x63: {  	[tilespmem:s31], [sflag:$0x1] =	stream.indirect_vreg.gather [hbm4b:s5+s3], $0x80, v3, vm0, $0xb8;
	[tilespmem:$0xC080] =	vst v63  }
0x64: {  	_ =	swait.ge [sflag:s2], $0xC000  }
0x65: {  	p0 =	sne.s32 s6, $0x1;
	[sflag:s2] =	ssyncset.done $0x0  }
.Ltmp0:
0x66: {  	s0 =	rddreg [dreg:$0x5];
	[sflag:s2] =	ssyncadd.s32 $0xFFFF4000;
	(pc) =	sbr.rel @p0 .LBB2_1-.Ltmp0, $4  }
0x67: {  	[hbm4b:s0+s3] =	stream.linear.scatter [tilespmem:s8], [sflag:$0x2], $0xC000, $0x38;
	[tilespmem:$0xC080] =	vst v63  }
0x68: {  	_ =	swait.ge [sflag:s7], $0xC000  }
0x69: {  	[sflag:s7] =	ssyncset.done $0x0  }
0x6a: {  	s6 =	sadd.s32 $0xFFFFFFFF, s6;
	[sflag:s7] =	ssyncadd.s32 $0xFFFF4000  }
0x6b: {  	_ =	sfence.sel $0x180000  }
0x6c: {  	[bflag:$0x0] =	sbarrier.arrive $0xFFFF  }
0x6d: {  	_ =	strace $0x90000047  }
0x6e: {  	s0 =	stileid.u32;
	[bflag:$0x2] =	sbarrier.arrive $0xFFFF  }
0x6f: {  	p0 =	sne.s32 s0, $0x0;
	s0 =	rddreg [dreg:$0x3]  }
0x70: {  	s0 =	sadd.s32 @!p0 $0x100000, s0  }
0x71: {  	[sflag:s0] =	ssyncadd.tile.s32 @!p0 $0x1;
	_ =	shalt  }
.Lfunc_end2:
_tile_overlayer_lowered:
.L_overlay_start_2:
0x72: {  	(tag) =	ssettag $0x2  }
0x73: {  	s0 =	rddreg [dreg:$0x0];
	s2 =	stileid.u32  }
0x74: {  	s1 =	rddreg [dreg:$0x1];
	p0 =	sne.s32 s2, $0x0  }
0x75: {  	s3 =	rddreg [dreg:$0x2];
	[bflag:$0x3] =	sbarrier.arrive $0xFFFF;
	s2 =	simm.s32 @!p0 $0x1C02  }
0x76: {  	[timem:s3], [sflag:s2] =	dma.local @!p0 [hbm:s0], s1  }
0x77: {  	s0 =	simm.s32 @!p0 $0x2  }
0x78: {  	_ =	swait.ge @!p0 [sflag:s0], s1  }
0x79: {  	s1 =	ssub.s32 @!p0 $0x0, s1;
	[sflag:s0] =	ssyncset.done @!p0 $0x0  }
0x7a: {  	[sflag:s0] =	ssyncadd.s32 @!p0 s1  }
0x7b: {  	[bflag:$0x3] =	sbarrier.arrive $0xFFFF  }
0x7c: {  	_ =	shalt  }

// kernel: kernel.17.cloned.1.call-start
scs
__scs_entry_jumppad:
0x0: {  	(pc) =	sbr.rel $0x88, $3  }
0x1: {  	(tag) =	ssettag $0x0;
	lr =	simm.s32 $0x1  }
0x2: {  	[smem:$0x3F8D] =	sst lr;
	_ =	strace $0xD0000000  }
0x3: {  	_ = 	snop  }
0x4: {  	_ = 	snop  }
0x5: {  	_ = 	snop  }
0x6: {  	_ = 	snop  }
0x7: {  	_ = 	snop  }
__scs_overlays_trampoline_lowered:
0x8: {  	[smem:$0x3F9C] =	sst s0  }
0x9: {  	[smem:$0x3F9D] =	sst s1  }
0xa: {  	[smem:$0x3F9E] =	sst s2  }
0xb: {  	[smem:$0x3F9F] =	sst s3  }
0xc: {  	[smem:$0x3FA0] =	sst s4  }
0xd: {  	[smem:$0x3FA1] =	sst s5  }
0xe: {  	[smem:$0x3FA2] =	sst s6  }
0xf: {  	[smem:$0x3FA3] =	sst s7  }
0x10: {  	[smem:$0x3FA4] =	sst s8  }
0x11: {  	[smem:$0x3FA5] =	sst s9;
	s0 =	simm.s32 @!p0 $0x0  }
0x12: {  	s1 =	sld [smem:$0x3F8B];
	s0 =	simm.s32 @p0 $0x1  }
0x13: {  	[smem:$0x3FA6] =	sst s0;
	s0 =	simm.s32 @!p1 $0x0  }
0x14: {  	s2 =	sld [smem:$0x3F8A];
	s0 =	simm.s32 @p1 $0x1  }
0x15: {  	[smem:$0x3FA7] =	sst s0;
	s0 =	simm.s32 @!p2 $0x0  }
0x16: {  	s3 =	sld [smem:$0x3FDB];
	s0 =	simm.s32 @p2 $0x1  }
0x17: {  	s4 =	simm.s32 $0x1BF5;
	[smem:$0x3FA9] =	sst s0  }
0x18: {  	s0 =	sld [smem:$0x3F8C];
	_ =	swait.ge [sflag:s4], $0x0  }
0x19: {  	s7 =	sld [smem:$0x3F8D]  }
0x1a: {  	s8 =	sadd.s32 $0xFFFFE003, lr  }
0x1b: {  	s9 =	sadd.s32 $0xFFFFFEF7, lr;
	s5 =	simm.s32 $0xFFFFFFFF;
	p2 =	slt.u32 s8, $0xFFFFF086  }
0x1c: {  	p1 =	slt.u32 s9, $0xF7A;
	s5 =	simm.s32 @!p2 $0x0  }
0x1d: {  	s5 =	simm.s32 @p1 $0x1;
	p0 =	seq.s32 s7, s2  }
0x1e: {  	s7 =	smul.u32 @!p0 $0xF7A, s2;
	p2 =	seq.s32 @!p0 s5, $0x0  }
0x1f: {  	s9 =	smul.u32 $0xF7A, s1;
	s8 =	simm.s32 @!p0 $0x1BF5;
	p2 =	por !p2, p0  }
0x20: {  	[sflag:s8] =	ssyncset.s32 @!p0 $0xFFFFF086;
	s6 =	sadd.s32 @!p0 s3, s7;
	s7 =	simm.s32 @!p0 $0x108  }
0x21: {  	s3 =	sadd.s32 s3, s9;
	s6 =	sadd.s32 @!p0 $0x88, s6;
	s7 =	simm.s32 @p2 $0x1082  }
0x22: {  	[simem:s7], [sflag:s8] =	dma.local @!p0 [hbm:s6], $0xF7A  }
0x23: {  	s9 =	sor.u32 $0xD0000000, s2;
	s6 =	simm.s32 $0x108;
	_ =	swait.ge @!p0 [sflag:s8], $0x0  }
0x24: {  	s3 =	sadd.s32 $0x88, s3;
	s6 =	simm.s32 @!p1 $0x1082;
	[sflag:s4] =	ssyncset.s32 $0xFFFFF086  }
0x25: {  	[simem:s6], [sflag:s4] =	dma.local [hbm:s3], $0xF7A  }
0x26: {  	[smem:$0x3F8D] =	sst s1;
	(tag) =	ssettag s2;
	_ =	strace s9  }
0x27: {  	s1 =	sld [smem:$0x3F9D]  }
0x28: {  	s2 =	sld [smem:$0x3F9E]  }
0x29: {  	s4 =	sld [smem:$0x3FA0]  }
0x2a: {  	p0 =	seq.s32 s5, $0x0;
	s5 =	sld [smem:$0x3FA1]  }
0x2b: {  	s6 =	sld [smem:$0x3FA2]  }
0x2c: {  	s7 =	sld [smem:$0x3FA3]  }
0x2d: {  	s3 =	simm.s32 $0x108;
	s8 =	sld [smem:$0x3FA4]  }
0x2e: {  	s3 =	simm.s32 @!p0 $0x1082;
	s9 =	sld [smem:$0x3FA5]  }
0x2f: {  	lr =	sadd.s32 s0, s3;
	s0 =	sld [smem:$0x3F9C]  }
0x30: {  	s3 =	sld [smem:$0x3F9F]  }
0x31: {  	[smem:$0x3FA8] =	sst s10  }
0x32: {  	s10 =	sld [smem:$0x3FA6];
	_ =	sdelay $0x3  }
0x33: {  	p0 =	seq.s32 s10, $0x1;
	s10 =	sld [smem:$0x3FA8];
	_ =	sdelay $0x3  }
0x34: {  	[smem:$0x3FA8] =	sst s10  }
0x35: {  	s10 =	sld [smem:$0x3FA7];
	_ =	sdelay $0x3  }
0x36: {  	p1 =	seq.s32 s10, $0x1;
	s10 =	sld [smem:$0x3FA8];
	_ =	sdelay $0x3  }
0x37: {  	[smem:$0x3FA8] =	sst s10  }
0x38: {  	s10 =	sld [smem:$0x3FA9]  }
0x39: {  	_ = 	snop;
	(pc) =	sbr.ind lr, $3  }
0x3a: {  	_ = 	snop  }
0x3b: {  	_ = 	snop  }
0x3c: {  	p2 =	seq.s32 s10, $0x1;
	s10 =	sld [smem:$0x3FA8]  }
0x3d: {  	_ =	shalt  }
0x3e: {  	_ =	shalt  }
0x3f: {  	_ =	shalt  }
0x40: {  	_ =	shalt  }
0x41: {  	_ =	shalt  }
0x42: {  	_ =	shalt  }
0x43: {  	_ =	shalt  }
0x44: {  	_ =	shalt  }
0x45: {  	_ =	shalt  }
0x46: {  	_ =	shalt  }
0x47: {  	_ =	shalt  }
0x48: {  	_ =	shalt  }
0x49: {  	_ =	shalt  }
0x4a: {  	_ =	shalt  }
0x4b: {  	_ =	shalt  }
0x4c: {  	_ =	shalt  }
0x4d: {  	_ =	shalt  }
0x4e: {  	_ =	shalt  }
0x4f: {  	_ =	shalt  }
0x50: {  	_ =	shalt  }
0x51: {  	_ =	shalt  }
0x52: {  	_ =	shalt  }
0x53: {  	_ =	shalt  }
0x54: {  	_ =	shalt  }
0x55: {  	_ =	shalt  }
0x56: {  	_ =	shalt  }
0x57: {  	_ =	shalt  }
0x58: {  	_ =	shalt  }
0x59: {  	_ =	shalt  }
0x5a: {  	_ =	shalt  }
0x5b: {  	_ =	shalt  }
0x5c: {  	_ =	shalt  }
0x5d: {  	_ =	shalt  }
0x5e: {  	_ =	shalt  }
0x5f: {  	_ =	shalt  }
0x60: {  	_ =	shalt  }
0x61: {  	_ =	shalt  }
0x62: {  	_ =	shalt  }
0x63: {  	_ =	shalt  }
0x64: {  	_ =	shalt  }
0x65: {  	_ =	shalt  }
0x66: {  	_ =	shalt  }
0x67: {  	_ =	shalt  }
0x68: {  	_ =	shalt  }
0x69: {  	_ =	shalt  }
0x6a: {  	_ =	shalt  }
0x6b: {  	_ =	shalt  }
0x6c: {  	_ =	shalt  }
0x6d: {  	_ =	shalt  }
0x6e: {  	_ =	shalt  }
0x6f: {  	_ =	shalt  }
0x70: {  	_ =	shalt  }
0x71: {  	_ =	shalt  }
0x72: {  	_ =	shalt  }
0x73: {  	_ =	shalt  }
0x74: {  	_ =	shalt  }
0x75: {  	_ =	shalt  }
0x76: {  	_ =	shalt  }
0x77: {  	_ =	shalt  }
0x78: {  	_ =	shalt  }
0x79: {  	_ =	shalt  }
0x7a: {  	_ =	shalt  }
0x7b: {  	_ =	shalt  }
0x7c: {  	_ =	shalt  }
0x7d: {  	_ =	shalt  }
0x7e: {  	_ =	shalt  }
0x7f: {  	_ =	shalt  }
0x80: {  	_ =	shalt  }
0x81: {  	_ =	shalt  }
0x82: {  	_ =	shalt  }
0x83: {  	_ =	shalt  }
0x84: {  	_ =	shalt  }
0x85: {  	_ =	shalt  }
0x86: {  	_ =	shalt  }
0x87: {  	_ =	shalt  }
.Lfunc_end0:
.L_simem_size_0:
called_computation.1_lowered:
.L_overlay_start_0:
0x88: {  	s2 =	sld [smem:$0x3FD9]  }
0x89: {  	s3 =	sld [smem:$0x3FFE];
	_ =	sdelay $0x1  }
0x8a: {  	s1 =	srdreg.scid  }
0x8b: {  	s0 =	sand.u32 $0x1, s1  }
0x8c: {  	s16 =	sshll.u32 s0, $0xA;
	s2 =	sadd.s32 s3, s2  }
0x8d: {  	s2 =	sadd.s32 s2, s16  }
0x8e: {  	[smem:$0x3FB4] =	sst s2  }
0x8f: {  	_ = 	snop  }
0x90: {  	(tm) =	ssettm $0x1  }
0x91: {  	s17 =	sld [smem:$0x3FFB];
	_ =	sdelay $0x3  }
0x92: {  	_ =	strace s17  }
0x93: {  	s2 =	sld [smem:$0x3FFC];
	_ =	sdelay $0x3  }
0x94: {  	_ =	strace s2  }
0x95: {  	s2 =	sld [smem:$0x3FFD];
	_ =	sdelay $0x3  }
0x96: {  	_ =	strace s2  }
0x97: {  	_ =	strace $0x8FFFFFFF  }
0x98: {  	s18 =	sld [smem:$0x3FDB];
	_ =	sdelay $0x1  }
0x99: {  	s19 =	simm.s32 $_scs_section_size  }
0x9a: {  	s4 =	simm.s32 $_size__tile_overlayer_lowered;
	s5 =	simm.s32 $_tile_overlayer_lowered  }
0x9b: {  	s22 =	simm.s32 $0x1BFF;
	s21 =	sshll.u32 s5, $0x1;
	s2 =	sadd.s32 s19, s18  }
0x9c: {  	s6 =	simm.s32 $0x0;
	s20 =	sshll.u32 s4, $0x1;
	s4 =	sadd.s32 s21, s2  }
0x9d: {  	[timem:s6], [sflag:s22] =	dma.local [hbm:s4], s20  }
0x9e: {  	_ =	swait.ge [sflag:s22], s20  }
0x9f: {  	s3 =	ssub.s32 $0x0, s20;
	[sflag:s22] =	ssyncset.done $0x0  }
0xa0: {  	[sflag:s22] =	ssyncadd.s32 s3;
	_ =	sdelay $0x1  }
0xa1: {  	s23 =	simm.s32 $0x1B8B  }
0xa2: {  	_ =	swait.ge [sflag:s23], $0x1  }
0xa3: {  	[sflag:s23] =	ssyncset.done $0x0  }
0xa4: {  	s25 =	simm.s32 $0x1B8E;
	s24 =	sld [smem:$0x3FFE];
	[sflag:s23] =	ssyncadd.s32 $0xFFFFFFFF  }
0xa5: {  	s26 =	simm.s32 $execute0_lowered;
	[smem:$0x3FD2] =	sst s25  }
0xa6: {  	s4 =	sshll.u32 s26, $0x1;
	_ =	strace $0x80000049;
	[dreg:$0x1] =	wrdreg $0xFFFFFFFF  }
0xa7: {  	s28 =	simm.s32 $_size_execute0_lowered;
	s2 =	sadd.s32 s2, s4;
	[dreg:$0x0] =	wrdreg $0x0  }
0xa8: {  	s4 =	sshll.u32 s28, $0x1;
	[dreg:$0x2] =	wrdreg s2  }
0xa9: {  	[dreg:$0x3] =	wrdreg s4  }
0xaa: {  	[dreg:$0x4] =	wrdreg $0xC0  }
0xab: {  	_ =	task [dreg:s6], $0x5FFFF  }
0xac: {  	[dreg:$0x1] =	wrdreg $0xFFFFFFFF  }
0xad: {  	[dreg:$0x0] =	wrdreg $0x60  }
0xae: {  	[dreg:$0x2] =	wrdreg s24  }
0xaf: {  	[dreg:$0x3] =	wrdreg $0x9  }
0xb0: {  	_ =	task.clear_ibuf [dreg:s6], $0x4FFFF;
	_ =	strace $0x90000049  }
0xb1: {  	s29 =	simm.s32 $0x9;
	_ =	strace $0x8000004B  }
0xb2: {  	_ =	swait.ge [sflag:s29], $0x1  }
0xb3: {  	[sflag:s29] =	ssyncadd.s32 $0xFFFFFFFF  }
0xb4: {  	_ =	strace $0x9000004B  }
0xb5: {  	_ =	sfence  }
0xb6: {  	s30 =	sld [smem:$0x0];
	_ =	sdelay $0x2  }
0xb7: {  	s31 =	sshll.u32 s1, $0xD;
	s1 =	sshrl.u32 s1, $0x2  }
0xb8: {  	s3 =	sand.u32 $0x4000, s31;
	s1 =	sadd.s32 s1, s30  }
0xb9: {  	s0 =	sor.u32 s3, s0;
	s1 =	sshll.u32 s1, $0x11  }
0xba: {  	s0 =	sor.u32 s1, s0  }
0xbb: {  	s0 =	sadd.s32 $0x8F2B, s0  }
0xbc: {  	[sflag:s0] =	ssyncadd.remote.s32 $0x1  }
0xbd: {  	_ =	sfence.sel $0xFFFF  }
0xbe: {  	[dreg:$0x0] =	wrdreg $0xFFFFFFFF;
	(pc) =	sbr.abs _section_cstart, $3  }
0xbf: {  	[dreg:$0x1] =	wrdreg $0xFFFFFFFF  }
0xc0: {  	_ =	task.clear_ibuf [dreg:s6], $0x2FFFF;
	_ =	strace $0x9FFFFFFF  }
0xc1: {  	(tm) =	ssettm $0x7FFFFFFF  }
tec
execute0_lowered:
.L_overlay_start_1:
0x0: {  	(tag) =	ssettag $0x1  }
0x1: {  	s1 =	srdreg.scid  }
0x2: {  	s0 =	stileid.u32;
	s5 =	rddreg [dreg:$0x0]  }
0x3: {  	s8 =	simm.s32 $0x1;
	s9 =	simm.s32 $0x880;
	s10 =	simm.s32 $0x1080  }
0x4: {  	s11 =	simm.s32 $0x1880;
	s12 =	simm.s32 $0x2080;
	s13 =	simm.s32 $0x2880  }
0x5: {  	s14 =	simm.s32 $0x3080;
	s15 =	simm.s32 $0x3880;
	s16 =	simm.s32 $0x4080  }
0x6: {  	s17 =	simm.s32 $0x4880;
	s18 =	simm.s32 $0x5080;
	s19 =	simm.s32 $0x5880  }
0x7: {  	s20 =	simm.s32 $0x6080;
	s21 =	simm.s32 $0x6880;
	s22 =	simm.s32 $0x7080  }
0x8: {  	s23 =	simm.s32 $0x7880;
	s24 =	simm.s32 $0x8080;
	s28 =	simm.s32 $0x9880  }
0x9: {  	s29 =	simm.s32 $0xA080;
	s30 =	simm.s32 $0xA880;
	s1 =	sand.u32 $0x1, s1  }
0xa: {  	s31 =	simm.s32 $0xB080;
	s2 =	sshll.u32 s0, $0x4;
	s3 =	sshll.u32 s1, $0x3  }
0xb: {  	s1 =	ssub.s32 $0x2, s1;
	s3 =	sor.u32 s3, s2;
	s2 =	simm.s32 $0x0  }
0xc: {  	s26 =	sshrl.u32 s1, $0x1;
	s4 =	smul.u32 $0x300, s3;
	[smem:$0x7FF] =	sst s2  }
0xd: {  	s6 =	sadd.s32 s3, s5;
	s3 =	sadd.s32 $0x75000, s5;
	s1 =	ssub.s32 s1, s26  }
0xe: {  	s26 =	simm.s32 $0x9080;
	_ =	strace $0x8000004A;
	s7 =	sadd.s32 $0x74E00, s6  }
0xf: {  	s6 =	sadd.s32 $0x74C00, s6;
	s4 =	sadd.s32 s4, s5;
	[dreg:$0x3] =	wrdreg s7  }
0x10: {  	v2 =	vlaneseq.u32;
	[dreg:$0x4] =	wrdreg s6;
	s6 =	smax.u32 s1, $0x1;
	s7 =	simm.s32 $0x80  }
0x11: {  	vm0 =	vmmov $0xffff;
	v1 =	vshrl.u32 v2, $0x3;
	s1 =	simm.s32 $0xB880;
	s25 =	sadd.s32 $0x4C00, s4;
	s4 =	sadd.s32 $0x75100, s5  }
0x12: {  	v0 =	vand.u32 $0x7, v2;
	v2 =	vor.u32 $0x8, v2;
	v1 =	vmul.u32 $0x8, v1;
	s5 =	sadd.s32 $0x75200, s5;
	[dreg:$0x2] =	wrdreg s25;
	s25 =	simm.s32 $0x8880  }
.LBB2_1:
0x13: {  	s0 =	rddreg [dreg:$0x2]  }
0x14: {  	[tilespmem:s7], [sflag:$0x1] =	stream.linear.gather [hbm4b:s0+s2], $0xC000, $0x38;
	[tilespmem:$0xC080] =	vst v63  }
0x15: {  	_ =	swait.ge [sflag:s8], $0xC000  }
0x16: {  	[sflag:s8] =	ssyncset.done $0x0  }
0x17: {  	s0 =	rddreg [dreg:$0x3];
	[sflag:s8] =	ssyncadd.s32 $0xFFFF4000  }
0x18: {  	[tilespmem:s2], [sflag:$0x1] =	stream.linear.gather [hbm4b:s0+s2], $0x40, $0x38;
	[tilespmem:$0xC080] =	vst v63  }
0x19: {  	_ =	swait.ge [sflag:s8], $0x40  }
0x1a: {  	[sflag:s8] =	ssyncset.done $0x0  }
0x1b: {  	[sflag:s8] =	ssyncadd.s32 $0xFFFFFFC0  }
0x1c: {  	v3 =	vld [tilespmem:$0x0];
	_ =	sdelay $0x4  }
0x1d: {  	v4 =	vshrl.u32 v3, $0x3  }
0x1e: {  	v4 =	vmul.u32 $0x30, v4  }
0x1f: {  	v3 =	vand.u32 $0x7, v3  }
0x20: {  	v3 =	vor.u32 v3, v4  }
0x21: {  	v4 =	vperm.xlane v3, v0;
	_ =	sdelay $0x1  }
0x22: {  	v4 =	vadd.s32 v1, v4;
	_ =	sdelay $0x3  }
0x23: {  	v3 =	vperm.xlane v3, v2  }
0x24: {  	[hbm4b:s3+s2] =	stream.indirect_vreg.scatter [tilespmem:s7], [sflag:$0x1], $0x80, v4, vm0, $0xb8;
	[tilespmem:$0xC080] =	vst v63  }
0x25: {  	v3 =	vadd.s32 v1, v3  }
0x26: {  	[hbm4b:s4+s2] =	stream.indirect_vreg.scatter [tilespmem:s9], [sflag:$0x1], $0x80, v4, vm0, $0xb8;
	[tilespmem:$0xC080] =	vst v63  }
0x27: {  	_ = 	snop  }
0x28: {  	[hbm4b:s5+s2] =	stream.indirect_vreg.scatter [tilespmem:s10], [sflag:$0x1], $0x80, v4, vm0, $0xb8;
	[tilespmem:$0xC080] =	vst v63  }
0x29: {  	_ = 	snop  }
0x2a: {  	[hbm4b:s3+s2] =	stream.indirect_vreg.scatter [tilespmem:s11], [sflag:$0x1], $0x80, v3, vm0, $0xb8;
	[tilespmem:$0xC080] =	vst v63  }
0x2b: {  	_ = 	snop  }
0x2c: {  	[hbm4b:s4+s2] =	stream.indirect_vreg.scatter [tilespmem:s12], [sflag:$0x1], $0x80, v3, vm0, $0xb8;
	[tilespmem:$0xC080] =	vst v63  }
0x2d: {  	_ = 	snop  }
0x2e: {  	[hbm4b:s5+s2] =	stream.indirect_vreg.scatter [tilespmem:s13], [sflag:$0x1], $0x80, v3, vm0, $0xb8;
	[tilespmem:$0xC080] =	vst v63  }
0x2f: {  	v3 =	vld [tilespmem:$0x10];
	_ =	sdelay $0x4  }
0x30: {  	v57 =	vshrl.u32 v3, $0x3  }
0x31: {  	v4 =	vmul.u32 $0x30, v57  }
0x32: {  	v3 =	vand.u32 $0x7, v3  }
0x33: {  	v3 =	vor.u32 v3, v4  }
0x34: {  	v4 =	vperm.xlane v3, v0;
	_ =	sdelay $0x1  }
0x35: {  	v4 =	vadd.s32 v1, v4;
	_ =	sdelay $0x3  }
0x36: {  	v3 =	vperm.xlane v3, v2  }
0x37: {  	[hbm4b:s3+s2] =	stream.indirect_vreg.scatter [tilespmem:s14], [sflag:$0x1], $0x80, v4, vm0, $0xb8;
	[tilespmem:$0xC080] =	vst v63  }
0x38: {  	v3 =	vadd.s32 v1, v3  }
0x39: {  	[hbm4b:s4+s2] =	stream.indirect_vreg.scatter [tilespmem:s15], [sflag:$0x1], $0x80, v4, vm0, $0xb8;
	[tilespmem:$0xC080] =	vst v63  }
0x3a: {  	_ = 	snop  }
0x3b: {  	[hbm4b:s5+s2] =	stream.indirect_vreg.scatter [tilespmem:s16], [sflag:$0x1], $0x80, v4, vm0, $0xb8;
	[tilespmem:$0xC080] =	vst v63  }
0x3c: {  	_ = 	snop  }
0x3d: {  	[hbm4b:s3+s2] =	stream.indirect_vreg.scatter [tilespmem:s17], [sflag:$0x1], $0x80, v3, vm0, $0xb8;
	[tilespmem:$0xC080] =	vst v63  }
0x3e: {  	_ = 	snop  }
0x3f: {  	[hbm4b:s4+s2] =	stream.indirect_vreg.scatter [tilespmem:s18], [sflag:$0x1], $0x80, v3, vm0, $0xb8;
	[tilespmem:$0xC080] =	vst v63  }
0x40: {  	_ = 	snop  }
0x41: {  	[hbm4b:s5+s2] =	stream.indirect_vreg.scatter [tilespmem:s19], [sflag:$0x1], $0x80, v3, vm0, $0xb8;
	[tilespmem:$0xC080] =	vst v63  }
0x42: {  	v3 =	vld [tilespmem:$0x20];
	_ =	sdelay $0x4  }
0x43: {  	v58 =	vshrl.u32 v3, $0x3  }
0x44: {  	v4 =	vmul.u32 $0x30, v58  }
0x45: {  	v3 =	vand.u32 $0x7, v3  }
0x46: {  	v3 =	vor.u32 v3, v4  }
0x47: {  	v4 =	vperm.xlane v3, v0;
	_ =	sdelay $0x1  }
0x48: {  	v4 =	vadd.s32 v1, v4;
	_ =	sdelay $0x3  }
0x49: {  	v3 =	vperm.xlane v3, v2  }
0x4a: {  	[hbm4b:s3+s2] =	stream.indirect_vreg.scatter [tilespmem:s20], [sflag:$0x1], $0x80, v4, vm0, $0xb8;
	[tilespmem:$0xC080] =	vst v63  }
0x4b: {  	v3 =	vadd.s32 v1, v3  }
0x4c: {  	[hbm4b:s4+s2] =	stream.indirect_vreg.scatter [tilespmem:s21], [sflag:$0x1], $0x80, v4, vm0, $0xb8;
	[tilespmem:$0xC080] =	vst v63  }
0x4d: {  	_ = 	snop  }
0x4e: {  	[hbm4b:s5+s2] =	stream.indirect_vreg.scatter [tilespmem:s22], [sflag:$0x1], $0x80, v4, vm0, $0xb8;
	[tilespmem:$0xC080] =	vst v63  }
0x4f: {  	_ = 	snop  }
0x50: {  	[hbm4b:s3+s2] =	stream.indirect_vreg.scatter [tilespmem:s23], [sflag:$0x1], $0x80, v3, vm0, $0xb8;
	[tilespmem:$0xC080] =	vst v63  }
0x51: {  	_ = 	snop  }
0x52: {  	[hbm4b:s4+s2] =	stream.indirect_vreg.scatter [tilespmem:s24], [sflag:$0x1], $0x80, v3, vm0, $0xb8;
	[tilespmem:$0xC080] =	vst v63  }
0x53: {  	_ = 	snop  }
0x54: {  	[hbm4b:s5+s2] =	stream.indirect_vreg.scatter [tilespmem:s25], [sflag:$0x1], $0x80, v3, vm0, $0xb8;
	[tilespmem:$0xC080] =	vst v63  }
0x55: {  	v3 =	vld [tilespmem:$0x30];
	_ =	sdelay $0x4  }
0x56: {  	v59 =	vshrl.u32 v3, $0x3  }
0x57: {  	v4 =	vmul.u32 $0x30, v59  }
0x58: {  	v3 =	vand.u32 $0x7, v3  }
0x59: {  	v3 =	vor.u32 v3, v4  }
0x5a: {  	v4 =	vperm.xlane v3, v0;
	_ =	sdelay $0x1  }
0x5b: {  	v4 =	vadd.s32 v1, v4;
	_ =	sdelay $0x3  }
0x5c: {  	v3 =	vperm.xlane v3, v2  }
0x5d: {  	[hbm4b:s3+s2] =	stream.indirect_vreg.scatter [tilespmem:s26], [sflag:$0x1], $0x80, v4, vm0, $0xb8;
	[tilespmem:$0xC080] =	vst v63  }
0x5e: {  	v3 =	vadd.s32 v1, v3  }
0x5f: {  	[hbm4b:s4+s2] =	stream.indirect_vreg.scatter [tilespmem:s28], [sflag:$0x1], $0x80, v4, vm0, $0xb8;
	[tilespmem:$0xC080] =	vst v63  }
0x60: {  	_ = 	snop  }
0x61: {  	[hbm4b:s5+s2] =	stream.indirect_vreg.scatter [tilespmem:s29], [sflag:$0x1], $0x80, v4, vm0, $0xb8;
	[tilespmem:$0xC080] =	vst v63  }
0x62: {  	_ = 	snop  }
0x63: {  	[hbm4b:s3+s2] =	stream.indirect_vreg.scatter [tilespmem:s30], [sflag:$0x1], $0x80, v3, vm0, $0xb8;
	[tilespmem:$0xC080] =	vst v63  }
0x64: {  	_ = 	snop  }
0x65: {  	[hbm4b:s4+s2] =	stream.indirect_vreg.scatter [tilespmem:s31], [sflag:$0x1], $0x80, v3, vm0, $0xb8;
	[tilespmem:$0xC080] =	vst v63  }
0x66: {  	_ = 	snop  }
0x67: {  	[hbm4b:s5+s2] =	stream.indirect_vreg.scatter [tilespmem:s1], [sflag:$0x1], $0x80, v3, vm0, $0xb8;
	[tilespmem:$0xC080] =	vst v63  }
0x68: {  	_ =	swait.ge [sflag:s8], $0xC000  }
0x69: {  	[sflag:s8] =	ssyncset.done $0x0  }
0x6a: {  	s0 =	rddreg [dreg:$0x4];
	[sflag:s8] =	ssyncadd.s32 $0xFFFF4000  }
0x6b: {  	[tilespmem:s2], [sflag:$0x1] =	stream.linear.gather [hbm4b:s0+s2], $0x40, $0x38;
	[tilespmem:$0xC080] =	vst v63  }
0x6c: {  	_ =	swait.ge [sflag:s8], $0x40  }
0x6d: {  	[sflag:s8] =	ssyncset.done $0x0  }
0x6e: {  	[sflag:s8] =	ssyncadd.s32 $0xFFFFFFC0  }
0x6f: {  	v3 =	vld [tilespmem:$0x0];
	_ =	sdelay $0x4  }
0x70: {  	v60 =	vshrl.u32 v3, $0x3  }
0x71: {  	v4 =	vmul.u32 $0x30, v60  }
0x72: {  	v3 =	vand.u32 $0x7, v3  }
0x73: {  	v3 =	vor.u32 v3, v4  }
0x74: {  	v4 =	vperm.xlane v3, v0;
	_ =	sdelay $0x1  }
0x75: {  	v4 =	vadd.s32 v1, v4;
	_ =	sdelay $0x3  }
0x76: {  	v3 =	vperm.xlane v3, v2  }
0x77: {  	[hbm4b:s3+s2] =	stream.indirect_vreg.scatter [tilespmem:s7], [sflag:$0x1], $0x80, v4, vm0, $0xb8;
	[tilespmem:$0xC080] =	vst v63  }
0x78: {  	v3 =	vadd.s32 v1, v3  }
0x79: {  	[hbm4b:s4+s2] =	stream.indirect_vreg.scatter [tilespmem:s9], [sflag:$0x1], $0x80, v4, vm0, $0xb8;
	[tilespmem:$0xC080] =	vst v63  }
0x7a: {  	_ = 	snop  }
0x7b: {  	[hbm4b:s5+s2] =	stream.indirect_vreg.scatter [tilespmem:s10], [sflag:$0x1], $0x80, v4, vm0, $0xb8;
	[tilespmem:$0xC080] =	vst v63  }
0x7c: {  	_ = 	snop  }
0x7d: {  	[hbm4b:s3+s2] =	stream.indirect_vreg.scatter [tilespmem:s11], [sflag:$0x1], $0x80, v3, vm0, $0xb8;
	[tilespmem:$0xC080] =	vst v63  }
0x7e: {  	_ = 	snop  }
0x7f: {  	[hbm4b:s4+s2] =	stream.indirect_vreg.scatter [tilespmem:s12], [sflag:$0x1], $0x80, v3, vm0, $0xb8;
	[tilespmem:$0xC080] =	vst v63  }
0x80: {  	_ = 	snop  }
0x81: {  	[hbm4b:s5+s2] =	stream.indirect_vreg.scatter [tilespmem:s13], [sflag:$0x1], $0x80, v3, vm0, $0xb8;
	[tilespmem:$0xC080] =	vst v63  }
0x82: {  	v3 =	vld [tilespmem:$0x10];
	_ =	sdelay $0x4  }
0x83: {  	v61 =	vshrl.u32 v3, $0x3  }
0x84: {  	v4 =	vmul.u32 $0x30, v61  }
0x85: {  	v3 =	vand.u32 $0x7, v3  }
0x86: {  	v3 =	vor.u32 v3, v4  }
0x87: {  	v4 =	vperm.xlane v3, v0;
	_ =	sdelay $0x1  }
0x88: {  	v4 =	vadd.s32 v1, v4;
	_ =	sdelay $0x3  }
0x89: {  	v3 =	vperm.xlane v3, v2  }
0x8a: {  	[hbm4b:s3+s2] =	stream.indirect_vreg.scatter [tilespmem:s14], [sflag:$0x1], $0x80, v4, vm0, $0xb8;
	[tilespmem:$0xC080] =	vst v63  }
0x8b: {  	v3 =	vadd.s32 v1, v3  }
0x8c: {  	[hbm4b:s4+s2] =	stream.indirect_vreg.scatter [tilespmem:s15], [sflag:$0x1], $0x80, v4, vm0, $0xb8;
	[tilespmem:$0xC080] =	vst v63  }
0x8d: {  	_ = 	snop  }
0x8e: {  	[hbm4b:s5+s2] =	stream.indirect_vreg.scatter [tilespmem:s16], [sflag:$0x1], $0x80, v4, vm0, $0xb8;
	[tilespmem:$0xC080] =	vst v63  }
0x8f: {  	_ = 	snop  }
0x90: {  	[hbm4b:s3+s2] =	stream.indirect_vreg.scatter [tilespmem:s17], [sflag:$0x1], $0x80, v3, vm0, $0xb8;
	[tilespmem:$0xC080] =	vst v63  }
0x91: {  	_ = 	snop  }
0x92: {  	[hbm4b:s4+s2] =	stream.indirect_vreg.scatter [tilespmem:s18], [sflag:$0x1], $0x80, v3, vm0, $0xb8;
	[tilespmem:$0xC080] =	vst v63  }
0x93: {  	_ = 	snop  }
0x94: {  	[hbm4b:s5+s2] =	stream.indirect_vreg.scatter [tilespmem:s19], [sflag:$0x1], $0x80, v3, vm0, $0xb8;
	[tilespmem:$0xC080] =	vst v63  }
0x95: {  	v3 =	vld [tilespmem:$0x20];
	_ =	sdelay $0x4  }
0x96: {  	v62 =	vshrl.u32 v3, $0x3  }
0x97: {  	v4 =	vmul.u32 $0x30, v62  }
0x98: {  	v3 =	vand.u32 $0x7, v3  }
0x99: {  	v3 =	vor.u32 v3, v4  }
0x9a: {  	v4 =	vperm.xlane v3, v0;
	_ =	sdelay $0x1  }
0x9b: {  	v4 =	vadd.s32 v1, v4;
	_ =	sdelay $0x3  }
0x9c: {  	v3 =	vperm.xlane v3, v2  }
0x9d: {  	[hbm4b:s3+s2] =	stream.indirect_vreg.scatter [tilespmem:s20], [sflag:$0x1], $0x80, v4, vm0, $0xb8;
	[tilespmem:$0xC080] =	vst v63  }
0x9e: {  	v3 =	vadd.s32 v1, v3  }
0x9f: {  	[hbm4b:s4+s2] =	stream.indirect_vreg.scatter [tilespmem:s21], [sflag:$0x1], $0x80, v4, vm0, $0xb8;
	[tilespmem:$0xC080] =	vst v63  }
0xa0: {  	_ = 	snop  }
0xa1: {  	[hbm4b:s5+s2] =	stream.indirect_vreg.scatter [tilespmem:s22], [sflag:$0x1], $0x80, v4, vm0, $0xb8;
	[tilespmem:$0xC080] =	vst v63  }
0xa2: {  	_ = 	snop  }
0xa3: {  	[hbm4b:s3+s2] =	stream.indirect_vreg.scatter [tilespmem:s23], [sflag:$0x1], $0x80, v3, vm0, $0xb8;
	[tilespmem:$0xC080] =	vst v63  }
0xa4: {  	_ = 	snop  }
0xa5: {  	[hbm4b:s4+s2] =	stream.indirect_vreg.scatter [tilespmem:s24], [sflag:$0x1], $0x80, v3, vm0, $0xb8;
	[tilespmem:$0xC080] =	vst v63  }
0xa6: {  	_ = 	snop  }
0xa7: {  	[hbm4b:s5+s2] =	stream.indirect_vreg.scatter [tilespmem:s25], [sflag:$0x1], $0x80, v3, vm0, $0xb8;
	[tilespmem:$0xC080] =	vst v63  }
0xa8: {  	v3 =	vld [tilespmem:$0x30];
	_ =	sdelay $0x4  }
0xa9: {  	v63 =	vshrl.u32 v3, $0x3  }
0xaa: {  	v4 =	vmul.u32 $0x30, v63  }
0xab: {  	v3 =	vand.u32 $0x7, v3  }
0xac: {  	v3 =	vor.u32 v3, v4  }
0xad: {  	v4 =	vperm.xlane v3, v0;
	_ =	sdelay $0x1  }
0xae: {  	v4 =	vadd.s32 v1, v4;
	_ =	sdelay $0x3  }
0xaf: {  	v3 =	vperm.xlane v3, v2  }
0xb0: {  	[hbm4b:s3+s2] =	stream.indirect_vreg.scatter [tilespmem:s26], [sflag:$0x1], $0x80, v4, vm0, $0xb8;
	[tilespmem:$0xC080] =	vst v63  }
0xb1: {  	v3 =	vadd.s32 v1, v3  }
0xb2: {  	[hbm4b:s4+s2] =	stream.indirect_vreg.scatter [tilespmem:s28], [sflag:$0x1], $0x80, v4, vm0, $0xb8;
	[tilespmem:$0xC080] =	vst v63  }
0xb3: {  	_ = 	snop  }
0xb4: {  	[hbm4b:s5+s2] =	stream.indirect_vreg.scatter [tilespmem:s29], [sflag:$0x1], $0x80, v4, vm0, $0xb8;
	[tilespmem:$0xC080] =	vst v63  }
0xb5: {  	_ = 	snop  }
0xb6: {  	[hbm4b:s3+s2] =	stream.indirect_vreg.scatter [tilespmem:s30], [sflag:$0x1], $0x80, v3, vm0, $0xb8;
	[tilespmem:$0xC080] =	vst v63  }
0xb7: {  	p0 =	sne.s32 s6, $0x1  }
0xb8: {  	[hbm4b:s4+s2] =	stream.indirect_vreg.scatter [tilespmem:s31], [sflag:$0x1], $0x80, v3, vm0, $0xb8;
	[tilespmem:$0xC080] =	vst v63  }
.Ltmp0:
0xb9: {  	_ = 	snop;
	(pc) =	sbr.rel @p0 .LBB2_1-.Ltmp0, $4  }
0xba: {  	[hbm4b:s5+s2] =	stream.indirect_vreg.scatter [tilespmem:s1], [sflag:$0x1], $0x80, v3, vm0, $0xb8;
	[tilespmem:$0xC080] =	vst v63  }
0xbb: {  	_ =	swait.ge [sflag:s8], $0xC000  }
0xbc: {  	[sflag:s8] =	ssyncset.done $0x0  }
0xbd: {  	s6 =	sadd.s32 $0xFFFFFFFF, s6;
	[sflag:s8] =	ssyncadd.s32 $0xFFFF4000  }
0xbe: {  	_ =	sfence.sel $0x180000  }
0xbf: {  	[bflag:$0x0] =	sbarrier.arrive $0xFFFF  }
0xc0: {  	_ =	strace $0x9000004A  }
0xc1: {  	s0 =	stileid.u32;
	[bflag:$0x2] =	sbarrier.arrive $0xFFFF  }
0xc2: {  	p0 =	sne.s32 s0, $0x0;
	s0 =	rddreg [dreg:$0x1]  }
0xc3: {  	s0 =	sadd.s32 @!p0 $0x100000, s0  }
0xc4: {  	[sflag:s0] =	ssyncadd.tile.s32 @!p0 $0x1;
	_ =	shalt  }
.Lfunc_end2:
_tile_overlayer_lowered:
.L_overlay_start_2:
0xc5: {  	(tag) =	ssettag $0x2  }
0xc6: {  	s0 =	rddreg [dreg:$0x0];
	s2 =	stileid.u32  }
0xc7: {  	s1 =	rddreg [dreg:$0x1];
	p0 =	sne.s32 s2, $0x0  }
0xc8: {  	s3 =	rddreg [dreg:$0x2];
	[bflag:$0x3] =	sbarrier.arrive $0xFFFF;
	s2 =	simm.s32 @!p0 $0x1C01  }
0xc9: {  	[timem:s3], [sflag:s2] =	dma.local @!p0 [hbm:s0], s1  }
0xca: {  	s0 =	simm.s32 @!p0 $0x1  }
0xcb: {  	_ =	swait.ge @!p0 [sflag:s0], s1  }
0xcc: {  	s1 =	ssub.s32 @!p0 $0x0, s1;
	[sflag:s0] =	ssyncset.done @!p0 $0x0  }
0xcd: {  	[sflag:s0] =	ssyncadd.s32 @!p0 s1  }
0xce: {  	[bflag:$0x3] =	sbarrier.arrive $0xFFFF  }
0xcf: {  	_ =	shalt  }

// kernel: kernel.20.cloned.1.call-start
scs
__scs_entry_jumppad:
0x0: {  	(pc) =	sbr.rel $0x88, $3  }
0x1: {  	(tag) =	ssettag $0x0;
	lr =	simm.s32 $0x1  }
0x2: {  	[smem:$0x3F8D] =	sst lr;
	_ =	strace $0xD0000000  }
0x3: {  	_ = 	snop  }
0x4: {  	_ = 	snop  }
0x5: {  	_ = 	snop  }
0x6: {  	_ = 	snop  }
0x7: {  	_ = 	snop  }
__scs_overlays_trampoline_lowered:
0x8: {  	[smem:$0x3F9C] =	sst s0  }
0x9: {  	[smem:$0x3F9D] =	sst s1  }
0xa: {  	[smem:$0x3F9E] =	sst s2  }
0xb: {  	[smem:$0x3F9F] =	sst s3  }
0xc: {  	[smem:$0x3FA0] =	sst s4  }
0xd: {  	[smem:$0x3FA1] =	sst s5  }
0xe: {  	[smem:$0x3FA2] =	sst s6  }
0xf: {  	[smem:$0x3FA3] =	sst s7  }
0x10: {  	[smem:$0x3FA4] =	sst s8  }
0x11: {  	[smem:$0x3FA5] =	sst s9;
	s0 =	simm.s32 @!p0 $0x0  }
0x12: {  	s1 =	sld [smem:$0x3F8B];
	s0 =	simm.s32 @p0 $0x1  }
0x13: {  	[smem:$0x3FA6] =	sst s0;
	s0 =	simm.s32 @!p1 $0x0  }
0x14: {  	s2 =	sld [smem:$0x3F8A];
	s0 =	simm.s32 @p1 $0x1  }
0x15: {  	[smem:$0x3FA7] =	sst s0;
	s0 =	simm.s32 @!p2 $0x0  }
0x16: {  	s3 =	sld [smem:$0x3FDB];
	s0 =	simm.s32 @p2 $0x1  }
0x17: {  	s4 =	simm.s32 $0x1BF5;
	[smem:$0x3FA9] =	sst s0  }
0x18: {  	s0 =	sld [smem:$0x3F8C];
	_ =	swait.ge [sflag:s4], $0x0  }
0x19: {  	s7 =	sld [smem:$0x3F8D]  }
0x1a: {  	s8 =	sadd.s32 $0xFFFFE003, lr  }
0x1b: {  	s9 =	sadd.s32 $0xFFFFFEF7, lr;
	s5 =	simm.s32 $0xFFFFFFFF;
	p2 =	slt.u32 s8, $0xFFFFF086  }
0x1c: {  	p1 =	slt.u32 s9, $0xF7A;
	s5 =	simm.s32 @!p2 $0x0  }
0x1d: {  	s5 =	simm.s32 @p1 $0x1;
	p0 =	seq.s32 s7, s2  }
0x1e: {  	s7 =	smul.u32 @!p0 $0xF7A, s2;
	p2 =	seq.s32 @!p0 s5, $0x0  }
0x1f: {  	s9 =	smul.u32 $0xF7A, s1;
	s8 =	simm.s32 @!p0 $0x1BF5;
	p2 =	por !p2, p0  }
0x20: {  	[sflag:s8] =	ssyncset.s32 @!p0 $0xFFFFF086;
	s6 =	sadd.s32 @!p0 s3, s7;
	s7 =	simm.s32 @!p0 $0x108  }
0x21: {  	s3 =	sadd.s32 s3, s9;
	s6 =	sadd.s32 @!p0 $0x88, s6;
	s7 =	simm.s32 @p2 $0x1082  }
0x22: {  	[simem:s7], [sflag:s8] =	dma.local @!p0 [hbm:s6], $0xF7A  }
0x23: {  	s9 =	sor.u32 $0xD0000000, s2;
	s6 =	simm.s32 $0x108;
	_ =	swait.ge @!p0 [sflag:s8], $0x0  }
0x24: {  	s3 =	sadd.s32 $0x88, s3;
	s6 =	simm.s32 @!p1 $0x1082;
	[sflag:s4] =	ssyncset.s32 $0xFFFFF086  }
0x25: {  	[simem:s6], [sflag:s4] =	dma.local [hbm:s3], $0xF7A  }
0x26: {  	[smem:$0x3F8D] =	sst s1;
	(tag) =	ssettag s2;
	_ =	strace s9  }
0x27: {  	s1 =	sld [smem:$0x3F9D]  }
0x28: {  	s2 =	sld [smem:$0x3F9E]  }
0x29: {  	s4 =	sld [smem:$0x3FA0]  }
0x2a: {  	p0 =	seq.s32 s5, $0x0;
	s5 =	sld [smem:$0x3FA1]  }
0x2b: {  	s6 =	sld [smem:$0x3FA2]  }
0x2c: {  	s7 =	sld [smem:$0x3FA3]  }
0x2d: {  	s3 =	simm.s32 $0x108;
	s8 =	sld [smem:$0x3FA4]  }
0x2e: {  	s3 =	simm.s32 @!p0 $0x1082;
	s9 =	sld [smem:$0x3FA5]  }
0x2f: {  	lr =	sadd.s32 s0, s3;
	s0 =	sld [smem:$0x3F9C]  }
0x30: {  	s3 =	sld [smem:$0x3F9F]  }
0x31: {  	[smem:$0x3FA8] =	sst s10  }
0x32: {  	s10 =	sld [smem:$0x3FA6];
	_ =	sdelay $0x3  }
0x33: {  	p0 =	seq.s32 s10, $0x1;
	s10 =	sld [smem:$0x3FA8];
	_ =	sdelay $0x3  }
0x34: {  	[smem:$0x3FA8] =	sst s10  }
0x35: {  	s10 =	sld [smem:$0x3FA7];
	_ =	sdelay $0x3  }
0x36: {  	p1 =	seq.s32 s10, $0x1;
	s10 =	sld [smem:$0x3FA8];
	_ =	sdelay $0x3  }
0x37: {  	[smem:$0x3FA8] =	sst s10  }
0x38: {  	s10 =	sld [smem:$0x3FA9]  }
0x39: {  	_ = 	snop;
	(pc) =	sbr.ind lr, $3  }
0x3a: {  	_ = 	snop  }
0x3b: {  	_ = 	snop  }
0x3c: {  	p2 =	seq.s32 s10, $0x1;
	s10 =	sld [smem:$0x3FA8]  }
0x3d: {  	_ =	shalt  }
0x3e: {  	_ =	shalt  }
0x3f: {  	_ =	shalt  }
0x40: {  	_ =	shalt  }
0x41: {  	_ =	shalt  }
0x42: {  	_ =	shalt  }
0x43: {  	_ =	shalt  }
0x44: {  	_ =	shalt  }
0x45: {  	_ =	shalt  }
0x46: {  	_ =	shalt  }
0x47: {  	_ =	shalt  }
0x48: {  	_ =	shalt  }
0x49: {  	_ =	shalt  }
0x4a: {  	_ =	shalt  }
0x4b: {  	_ =	shalt  }
0x4c: {  	_ =	shalt  }
0x4d: {  	_ =	shalt  }
0x4e: {  	_ =	shalt  }
0x4f: {  	_ =	shalt  }
0x50: {  	_ =	shalt  }
0x51: {  	_ =	shalt  }
0x52: {  	_ =	shalt  }
0x53: {  	_ =	shalt  }
0x54: {  	_ =	shalt  }
0x55: {  	_ =	shalt  }
0x56: {  	_ =	shalt  }
0x57: {  	_ =	shalt  }
0x58: {  	_ =	shalt  }
0x59: {  	_ =	shalt  }
0x5a: {  	_ =	shalt  }
0x5b: {  	_ =	shalt  }
0x5c: {  	_ =	shalt  }
0x5d: {  	_ =	shalt  }
0x5e: {  	_ =	shalt  }
0x5f: {  	_ =	shalt  }
0x60: {  	_ =	shalt  }
0x61: {  	_ =	shalt  }
0x62: {  	_ =	shalt  }
0x63: {  	_ =	shalt  }
0x64: {  	_ =	shalt  }
0x65: {  	_ =	shalt  }
0x66: {  	_ =	shalt  }
0x67: {  	_ =	shalt  }
0x68: {  	_ =	shalt  }
0x69: {  	_ =	shalt  }
0x6a: {  	_ =	shalt  }
0x6b: {  	_ =	shalt  }
0x6c: {  	_ =	shalt  }
0x6d: {  	_ =	shalt  }
0x6e: {  	_ =	shalt  }
0x6f: {  	_ =	shalt  }
0x70: {  	_ =	shalt  }
0x71: {  	_ =	shalt  }
0x72: {  	_ =	shalt  }
0x73: {  	_ =	shalt  }
0x74: {  	_ =	shalt  }
0x75: {  	_ =	shalt  }
0x76: {  	_ =	shalt  }
0x77: {  	_ =	shalt  }
0x78: {  	_ =	shalt  }
0x79: {  	_ =	shalt  }
0x7a: {  	_ =	shalt  }
0x7b: {  	_ =	shalt  }
0x7c: {  	_ =	shalt  }
0x7d: {  	_ =	shalt  }
0x7e: {  	_ =	shalt  }
0x7f: {  	_ =	shalt  }
0x80: {  	_ =	shalt  }
0x81: {  	_ =	shalt  }
0x82: {  	_ =	shalt  }
0x83: {  	_ =	shalt  }
0x84: {  	_ =	shalt  }
0x85: {  	_ =	shalt  }
0x86: {  	_ =	shalt  }
0x87: {  	_ =	shalt  }
.Lfunc_end0:
.L_simem_size_0:
called_computation.2_lowered:
.L_overlay_start_0:
0x88: {  	s2 =	sld [smem:$0x3FD9]  }
0x89: {  	s3 =	sld [smem:$0x3FFE];
	_ =	sdelay $0x1  }
0x8a: {  	s1 =	srdreg.scid  }
0x8b: {  	s0 =	sand.u32 $0x1, s1  }
0x8c: {  	s17 =	sshll.u32 s0, $0xA;
	s2 =	sadd.s32 s3, s2  }
0x8d: {  	s2 =	sadd.s32 s2, s17  }
0x8e: {  	[smem:$0x3FB4] =	sst s2  }
0x8f: {  	_ = 	snop  }
0x90: {  	s18 =	sld [smem:$0x3FD0];
	(tm) =	ssettm $0x1  }
0x91: {  	s19 =	sld [smem:$0x3FFB];
	_ =	sdelay $0x3  }
0x92: {  	_ =	strace s19  }
0x93: {  	s2 =	sld [smem:$0x3FFC];
	_ =	sdelay $0x3  }
0x94: {  	_ =	strace s2  }
0x95: {  	s2 =	sld [smem:$0x3FFD];
	_ =	sdelay $0x3  }
0x96: {  	_ =	strace s2  }
0x97: {  	_ =	strace $0x8FFFFFFF  }
0x98: {  	s20 =	sld [smem:$0x3FDB];
	_ =	sdelay $0x1  }
0x99: {  	s4 =	simm.s32 $_scs_section_size  }
0x9a: {  	s5 =	simm.s32 $_size__tile_overlayer_lowered;
	s6 =	simm.s32 $_tile_overlayer_lowered  }
0x9b: {  	s7 =	simm.s32 $0x1BFF;
	s21 =	sshll.u32 s6, $0x1;
	s4 =	sadd.s32 s4, s20  }
0x9c: {  	s22 =	simm.s32 $0x0;
	s5 =	sshll.u32 s5, $0x1;
	s6 =	sadd.s32 s21, s4  }
0x9d: {  	[timem:s22], [sflag:s7] =	dma.local [hbm:s6], s5  }
0x9e: {  	_ =	swait.ge [sflag:s7], s5  }
0x9f: {  	s5 =	ssub.s32 $0x0, s5;
	[sflag:s7] =	ssyncset.done $0x0  }
0xa0: {  	[sflag:s7] =	ssyncadd.s32 s5;
	_ =	sdelay $0x1  }
0xa1: {  	s23 =	simm.s32 $0x1B8B  }
0xa2: {  	_ =	swait.ge [sflag:s23], $0x1  }
0xa3: {  	[sflag:s23] =	ssyncset.done $0x0  }
0xa4: {  	[sflag:s23] =	ssyncadd.s32 $0xFFFFFFFF  }
0xa5: {  	s5 =	sld [smem:$0x0]  }
0xa6: {  	s6 =	sand.u32 $0xFFFFFFFE, s1  }
0xa7: {  	p0 =	sne.s32 s1, s6  }
0xa8: {  	s6 =	sshll.u32 @p0 s6, $0xE  }
0xa9: {  	s6 =	sadd.s32 @p0 $0x11B8D, s6;
	s7 =	sshll.u32 @p0 s5, $0x11  }
0xaa: {  	s6 =	sor.u32 @p0 s7, s6  }
0xab: {  	[sflag:s6] =	ssyncadd.remote.s32 @p0 $0x1;
	_ =	sdelay $0x1  }
0xac: {  	s6 =	simm.s32 @p0 $0x1B8D  }
0xad: {  	_ =	swait.eq @p0 [sflag:s6], $0x1  }
0xae: {  	[sflag:s6] =	ssyncadd.s32 @p0 $0xFFFFFFFF  }
0xaf: {  	s7 =	sshll.u32 @!p0 s1, $0xE  }
0xb0: {  	s7 =	sor.u32 @!p0 $0x4000, s7;
	s6 =	simm.s32 @!p0 $0x1B8D  }
0xb1: {  	s5 =	sshll.u32 @!p0 s5, $0x11;
	s7 =	sadd.s32 @!p0 $0x11B8D, s7;
	_ =	swait.eq @!p0 [sflag:s6], $0x1  }
0xb2: {  	s5 =	sor.u32 @!p0 s5, s7;
	[sflag:s6] =	ssyncadd.s32 @!p0 $0xFFFFFFFF  }
0xb3: {  	s25 =	simm.s32 $0x1B8E;
	s24 =	sld [smem:$0x3FFE];
	[sflag:s5] =	ssyncadd.remote.s32 @!p0 $0x1  }
0xb4: {  	s26 =	simm.s32 $execute0_lowered;
	[smem:$0x3FD2] =	sst s25  }
0xb5: {  	s6 =	sshll.u32 s26, $0x1;
	_ =	strace $0x8000004F;
	[dreg:$0x1] =	wrdreg $0xFFFFFFFF  }
0xb6: {  	s28 =	simm.s32 $_size_execute0_lowered;
	s4 =	sadd.s32 s4, s6;
	[dreg:$0x0] =	wrdreg $0x0  }
0xb7: {  	s6 =	sshll.u32 s28, $0x1;
	[dreg:$0x2] =	wrdreg s4  }
0xb8: {  	[dreg:$0x3] =	wrdreg s6  }
0xb9: {  	[dreg:$0x4] =	wrdreg $0xC0  }
0xba: {  	_ =	task [dreg:s22], $0x5FFFF  }
0xbb: {  	[dreg:$0x1] =	wrdreg $0xFFFFFFFF  }
0xbc: {  	[dreg:$0x0] =	wrdreg $0x60  }
0xbd: {  	[dreg:$0x2] =	wrdreg s18  }
0xbe: {  	[dreg:$0x3] =	wrdreg s24  }
0xbf: {  	[dreg:$0x4] =	wrdreg $0x9  }
0xc0: {  	_ =	task.clear_ibuf [dreg:s22], $0x5FFFF;
	_ =	strace $0x9000004F  }
0xc1: {  	s29 =	simm.s32 $0x9;
	_ =	strace $0x80000051  }
0xc2: {  	_ =	swait.ge [sflag:s29], $0x1  }
0xc3: {  	[sflag:s29] =	ssyncadd.s32 $0xFFFFFFFF  }
0xc4: {  	_ =	strace $0x90000051  }
0xc5: {  	_ =	sfence  }
0xc6: {  	s30 =	sld [smem:$0x0];
	_ =	sdelay $0x2  }
0xc7: {  	s31 =	sshll.u32 s1, $0xD;
	s1 =	sshrl.u32 s1, $0x2  }
0xc8: {  	s4 =	sand.u32 $0x4000, s31;
	s1 =	sadd.s32 s1, s30  }
0xc9: {  	s0 =	sor.u32 s4, s0;
	s1 =	sshll.u32 s1, $0x11  }
0xca: {  	s0 =	sor.u32 s1, s0  }
0xcb: {  	s0 =	sadd.s32 $0x8F2B, s0  }
0xcc: {  	[sflag:s0] =	ssyncadd.remote.s32 $0x1  }
0xcd: {  	_ =	sfence.sel $0xFFFF  }
0xce: {  	[dreg:$0x0] =	wrdreg $0xFFFFFFFF;
	(pc) =	sbr.abs _section_cstart, $3  }
0xcf: {  	[dreg:$0x1] =	wrdreg $0xFFFFFFFF  }
0xd0: {  	_ =	task.clear_ibuf [dreg:s22], $0x2FFFF;
	_ =	strace $0x9FFFFFFF  }
0xd1: {  	(tm) =	ssettm $0x7FFFFFFF  }
tec
execute0_lowered:
.L_overlay_start_1:
0x0: {  	(tag) =	ssettag $0x1  }
0x1: {  	s1 =	srdreg.scid  }
0x2: {  	s2 =	rddreg [dreg:$0x0];
	s0 =	stileid.u32  }
0x3: {  	s4 =	rddreg [dreg:$0x1];
	s3 =	simm.s32 $0x0;
	s8 =	simm.s32 $0x80  }
0x4: {  	s26 =	simm.s32 $0x880;
	s9 =	simm.s32 $0x1080;
	s10 =	simm.s32 $0x1880  }
0x5: {  	s11 =	simm.s32 $0x2080;
	s12 =	simm.s32 $0x2880;
	s13 =	simm.s32 $0x3080  }
0x6: {  	s14 =	simm.s32 $0x3880;
	s15 =	simm.s32 $0x4080;
	s16 =	simm.s32 $0x4880  }
0x7: {  	s17 =	simm.s32 $0x5080;
	s18 =	simm.s32 $0x5880;
	s19 =	simm.s32 $0x6080  }
0x8: {  	s20 =	simm.s32 $0x6880;
	s21 =	simm.s32 $0x7080;
	s22 =	simm.s32 $0x7880  }
0x9: {  	s23 =	simm.s32 $0x8080;
	s24 =	simm.s32 $0x8880;
	s28 =	simm.s32 $0xA080  }
0xa: {  	s29 =	simm.s32 $0xA880;
	s30 =	simm.s32 $0xB080;
	s31 =	simm.s32 $0xB880  }
0xb: {  	s1 =	sand.u32 $0x1, s1;
	s5 =	sshll.u32 s0, $0x4;
	[smem:$0x7FF] =	sst s3  }
0xc: {  	s6 =	sshll.u32 s1, $0x3;
	s1 =	ssub.s32 $0x2, s1;
	_ =	strace $0x80000050  }
0xd: {  	[dreg:$0x5] =	wrdreg s26;
	s26 =	simm.s32 $0x9880;
	s5 =	sor.u32 s6, s5  }
0xe: {  	s7 =	sshrl.u32 s1, $0x1;
	s6 =	smul.u32 $0x300, s5;
	s5 =	sadd.s32 s5, s4  }
0xf: {  	s1 =	ssub.s32 s1, s7;
	s7 =	simm.s32 $0x2;
	s25 =	sadd.s32 $0x74E00, s5  }
0x10: {  	v2 =	vlaneseq.u32;
	s5 =	sadd.s32 $0x200, s2;
	s6 =	sadd.s32 s6, s4;
	[dreg:$0x3] =	wrdreg s25  }
0x11: {  	vm0 =	vmmov $0xffff;
	v1 =	vshrl.u32 v2, $0x3;
	s4 =	sadd.s32 $0x100, s2;
	s25 =	simm.s32 $0x9080;
	s6 =	sadd.s32 $0xA5000, s6  }
0x12: {  	v0 =	vand.u32 $0x7, v2;
	v2 =	vor.u32 $0x8, v2;
	v1 =	vmul.u32 $0x8, v1;
	[dreg:$0x4] =	wrdreg s6;
	s6 =	smax.u32 s1, $0x1;
	s1 =	simm.s32 $0x1  }
.LBB2_1:
0x13: {  	s0 =	rddreg [dreg:$0x3]  }
0x14: {  	[tilespmem:s3], [sflag:$0x2] =	stream.linear.gather [hbm4b:s0+s3], $0x40, $0x38;
	[tilespmem:$0xC080] =	vst v63  }
0x15: {  	_ =	swait.ge [sflag:s7], $0x40  }
0x16: {  	[sflag:s7] =	ssyncset.done $0x0  }
0x17: {  	[sflag:s7] =	ssyncadd.s32 $0xFFFFFFC0  }
0x18: {  	v3 =	vld [tilespmem:$0x0];
	_ =	sdelay $0x4  }
0x19: {  	v4 =	vshrl.u32 v3, $0x3  }
0x1a: {  	v4 =	vmul.u32 $0x30, v4  }
0x1b: {  	v3 =	vand.u32 $0x7, v3  }
0x1c: {  	v3 =	vor.u32 v3, v4  }
0x1d: {  	v4 =	vperm.xlane v3, v0;
	_ =	sdelay $0x1  }
0x1e: {  	v4 =	vadd.s32 v1, v4;
	_ =	sdelay $0x3  }
0x1f: {  	v3 =	vperm.xlane v3, v2  }
0x20: {  	[tilespmem:s8], [sflag:$0x1] =	stream.indirect_vreg.gather [hbm4b:s2+s3], $0x80, v4, vm0, $0xb8;
	[tilespmem:$0xC080] =	vst v63  }
0x21: {  	s0 =	rddreg [dreg:$0x5];
	v3 =	vadd.s32 v1, v3  }
0x22: {  	[tilespmem:s0], [sflag:$0x1] =	stream.indirect_vreg.gather [hbm4b:s4+s3], $0x80, v4, vm0, $0xb8;
	[tilespmem:$0xC080] =	vst v63  }
0x23: {  	_ = 	snop  }
0x24: {  	[tilespmem:s9], [sflag:$0x1] =	stream.indirect_vreg.gather [hbm4b:s5+s3], $0x80, v4, vm0, $0xb8;
	[tilespmem:$0xC080] =	vst v63  }
0x25: {  	_ = 	snop  }
0x26: {  	[tilespmem:s10], [sflag:$0x1] =	stream.indirect_vreg.gather [hbm4b:s2+s3], $0x80, v3, vm0, $0xb8;
	[tilespmem:$0xC080] =	vst v63  }
0x27: {  	_ = 	snop  }
0x28: {  	[tilespmem:s11], [sflag:$0x1] =	stream.indirect_vreg.gather [hbm4b:s4+s3], $0x80, v3, vm0, $0xb8;
	[tilespmem:$0xC080] =	vst v63  }
0x29: {  	_ = 	snop  }
0x2a: {  	[tilespmem:s12], [sflag:$0x1] =	stream.indirect_vreg.gather [hbm4b:s5+s3], $0x80, v3, vm0, $0xb8;
	[tilespmem:$0xC080] =	vst v63  }
0x2b: {  	v3 =	vld [tilespmem:$0x10];
	_ =	sdelay $0x4  }
0x2c: {  	v61 =	vshrl.u32 v3, $0x3  }
0x2d: {  	v4 =	vmul.u32 $0x30, v61  }
0x2e: {  	v3 =	vand.u32 $0x7, v3  }
0x2f: {  	v3 =	vor.u32 v3, v4  }
0x30: {  	v4 =	vperm.xlane v3, v0;
	_ =	sdelay $0x1  }
0x31: {  	v4 =	vadd.s32 v1, v4;
	_ =	sdelay $0x3  }
0x32: {  	v3 =	vperm.xlane v3, v2  }
0x33: {  	[tilespmem:s13], [sflag:$0x1] =	stream.indirect_vreg.gather [hbm4b:s2+s3], $0x80, v4, vm0, $0xb8;
	[tilespmem:$0xC080] =	vst v63  }
0x34: {  	v3 =	vadd.s32 v1, v3  }
0x35: {  	[tilespmem:s14], [sflag:$0x1] =	stream.indirect_vreg.gather [hbm4b:s4+s3], $0x80, v4, vm0, $0xb8;
	[tilespmem:$0xC080] =	vst v63  }
0x36: {  	_ = 	snop  }
0x37: {  	[tilespmem:s15], [sflag:$0x1] =	stream.indirect_vreg.gather [hbm4b:s5+s3], $0x80, v4, vm0, $0xb8;
	[tilespmem:$0xC080] =	vst v63  }
0x38: {  	_ = 	snop  }
0x39: {  	[tilespmem:s16], [sflag:$0x1] =	stream.indirect_vreg.gather [hbm4b:s2+s3], $0x80, v3, vm0, $0xb8;
	[tilespmem:$0xC080] =	vst v63  }
0x3a: {  	_ = 	snop  }
0x3b: {  	[tilespmem:s17], [sflag:$0x1] =	stream.indirect_vreg.gather [hbm4b:s4+s3], $0x80, v3, vm0, $0xb8;
	[tilespmem:$0xC080] =	vst v63  }
0x3c: {  	_ = 	snop  }
0x3d: {  	[tilespmem:s18], [sflag:$0x1] =	stream.indirect_vreg.gather [hbm4b:s5+s3], $0x80, v3, vm0, $0xb8;
	[tilespmem:$0xC080] =	vst v63  }
0x3e: {  	v3 =	vld [tilespmem:$0x20];
	_ =	sdelay $0x4  }
0x3f: {  	v62 =	vshrl.u32 v3, $0x3  }
0x40: {  	v4 =	vmul.u32 $0x30, v62  }
0x41: {  	v3 =	vand.u32 $0x7, v3  }
0x42: {  	v3 =	vor.u32 v3, v4  }
0x43: {  	v4 =	vperm.xlane v3, v0;
	_ =	sdelay $0x1  }
0x44: {  	v4 =	vadd.s32 v1, v4;
	_ =	sdelay $0x3  }
0x45: {  	v3 =	vperm.xlane v3, v2  }
0x46: {  	[tilespmem:s19], [sflag:$0x1] =	stream.indirect_vreg.gather [hbm4b:s2+s3], $0x80, v4, vm0, $0xb8;
	[tilespmem:$0xC080] =	vst v63  }
0x47: {  	v3 =	vadd.s32 v1, v3  }
0x48: {  	[tilespmem:s20], [sflag:$0x1] =	stream.indirect_vreg.gather [hbm4b:s4+s3], $0x80, v4, vm0, $0xb8;
	[tilespmem:$0xC080] =	vst v63  }
0x49: {  	_ = 	snop  }
0x4a: {  	[tilespmem:s21], [sflag:$0x1] =	stream.indirect_vreg.gather [hbm4b:s5+s3], $0x80, v4, vm0, $0xb8;
	[tilespmem:$0xC080] =	vst v63  }
0x4b: {  	_ = 	snop  }
0x4c: {  	[tilespmem:s22], [sflag:$0x1] =	stream.indirect_vreg.gather [hbm4b:s2+s3], $0x80, v3, vm0, $0xb8;
	[tilespmem:$0xC080] =	vst v63  }
0x4d: {  	_ = 	snop  }
0x4e: {  	[tilespmem:s23], [sflag:$0x1] =	stream.indirect_vreg.gather [hbm4b:s4+s3], $0x80, v3, vm0, $0xb8;
	[tilespmem:$0xC080] =	vst v63  }
0x4f: {  	_ = 	snop  }
0x50: {  	[tilespmem:s24], [sflag:$0x1] =	stream.indirect_vreg.gather [hbm4b:s5+s3], $0x80, v3, vm0, $0xb8;
	[tilespmem:$0xC080] =	vst v63  }
0x51: {  	v3 =	vld [tilespmem:$0x30];
	_ =	sdelay $0x4  }
0x52: {  	v63 =	vshrl.u32 v3, $0x3  }
0x53: {  	v4 =	vmul.u32 $0x30, v63  }
0x54: {  	v3 =	vand.u32 $0x7, v3  }
0x55: {  	v3 =	vor.u32 v3, v4  }
0x56: {  	v4 =	vperm.xlane v3, v0;
	_ =	sdelay $0x1  }
0x57: {  	v4 =	vadd.s32 v1, v4;
	_ =	sdelay $0x3  }
0x58: {  	v3 =	vperm.xlane v3, v2  }
0x59: {  	[tilespmem:s25], [sflag:$0x1] =	stream.indirect_vreg.gather [hbm4b:s2+s3], $0x80, v4, vm0, $0xb8;
	[tilespmem:$0xC080] =	vst v63  }
0x5a: {  	v3 =	vadd.s32 v1, v3  }
0x5b: {  	[tilespmem:s26], [sflag:$0x1] =	stream.indirect_vreg.gather [hbm4b:s4+s3], $0x80, v4, vm0, $0xb8;
	[tilespmem:$0xC080] =	vst v63  }
0x5c: {  	_ = 	snop  }
0x5d: {  	[tilespmem:s28], [sflag:$0x1] =	stream.indirect_vreg.gather [hbm4b:s5+s3], $0x80, v4, vm0, $0xb8;
	[tilespmem:$0xC080] =	vst v63  }
0x5e: {  	_ = 	snop  }
0x5f: {  	[tilespmem:s29], [sflag:$0x1] =	stream.indirect_vreg.gather [hbm4b:s2+s3], $0x80, v3, vm0, $0xb8;
	[tilespmem:$0xC080] =	vst v63  }
0x60: {  	_ = 	snop  }
0x61: {  	[tilespmem:s30], [sflag:$0x1] =	stream.indirect_vreg.gather [hbm4b:s4+s3], $0x80, v3, vm0, $0xb8;
	[tilespmem:$0xC080] =	vst v63  }
0x62: {  	_ = 	snop  }
0x63: {  	[tilespmem:s31], [sflag:$0x1] =	stream.indirect_vreg.gather [hbm4b:s5+s3], $0x80, v3, vm0, $0xb8;
	[tilespmem:$0xC080] =	vst v63  }
0x64: {  	_ =	swait.ge [sflag:s1], $0xC000  }
0x65: {  	p0 =	sne.s32 s6, $0x1;
	[sflag:s1] =	ssyncset.done $0x0  }
.Ltmp0:
0x66: {  	s0 =	rddreg [dreg:$0x4];
	[sflag:s1] =	ssyncadd.s32 $0xFFFF4000;
	(pc) =	sbr.rel @p0 .LBB2_1-.Ltmp0, $4  }
0x67: {  	[hbm4b:s0+s3] =	stream.linear.scatter [tilespmem:s8], [sflag:$0x2], $0xC000, $0x38;
	[tilespmem:$0xC080] =	vst v63  }
0x68: {  	_ =	swait.ge [sflag:s7], $0xC000  }
0x69: {  	[sflag:s7] =	ssyncset.done $0x0  }
0x6a: {  	s6 =	sadd.s32 $0xFFFFFFFF, s6;
	[sflag:s7] =	ssyncadd.s32 $0xFFFF4000  }
0x6b: {  	_ =	sfence.sel $0x180000  }
0x6c: {  	[bflag:$0x0] =	sbarrier.arrive $0xFFFF  }
0x6d: {  	_ =	strace $0x90000050  }
0x6e: {  	s0 =	stileid.u32;
	[bflag:$0x2] =	sbarrier.arrive $0xFFFF  }
0x6f: {  	p0 =	sne.s32 s0, $0x0;
	s0 =	rddreg [dreg:$0x2]  }
0x70: {  	s0 =	sadd.s32 @!p0 $0x100000, s0  }
0x71: {  	[sflag:s0] =	ssyncadd.tile.s32 @!p0 $0x1;
	_ =	shalt  }
.Lfunc_end2:
_tile_overlayer_lowered:
.L_overlay_start_2:
0x72: {  	(tag) =	ssettag $0x2  }
0x73: {  	s0 =	rddreg [dreg:$0x0];
	s2 =	stileid.u32  }
0x74: {  	s1 =	rddreg [dreg:$0x1];
	p0 =	sne.s32 s2, $0x0  }
0x75: {  	s3 =	rddreg [dreg:$0x2];
	[bflag:$0x3] =	sbarrier.arrive $0xFFFF;
	s2 =	simm.s32 @!p0 $0x1C02  }
0x76: {  	[timem:s3], [sflag:s2] =	dma.local @!p0 [hbm:s0], s1  }
0x77: {  	s0 =	simm.s32 @!p0 $0x2  }
0x78: {  	_ =	swait.ge @!p0 [sflag:s0], s1  }
0x79: {  	s1 =	ssub.s32 @!p0 $0x0, s1;
	[sflag:s0] =	ssyncset.done @!p0 $0x0  }
0x7a: {  	[sflag:s0] =	ssyncadd.s32 @!p0 s1  }
0x7b: {  	[bflag:$0x3] =	sbarrier.arrive $0xFFFF  }
0x7c: {  	_ =	shalt  }

// kernel: kernel.23.cloned.1.call-start
scs
__scs_entry_jumppad:
0x0: {  	(pc) =	sbr.rel $0x88, $3  }
0x1: {  	(tag) =	ssettag $0x0;
	lr =	simm.s32 $0x1  }
0x2: {  	[smem:$0x3F8D] =	sst lr;
	_ =	strace $0xD0000000  }
0x3: {  	_ = 	snop  }
0x4: {  	_ = 	snop  }
0x5: {  	_ = 	snop  }
0x6: {  	_ = 	snop  }
0x7: {  	_ = 	snop  }
__scs_overlays_trampoline_lowered:
0x8: {  	[smem:$0x3F9C] =	sst s0  }
0x9: {  	[smem:$0x3F9D] =	sst s1  }
0xa: {  	[smem:$0x3F9E] =	sst s2  }
0xb: {  	[smem:$0x3F9F] =	sst s3  }
0xc: {  	[smem:$0x3FA0] =	sst s4  }
0xd: {  	[smem:$0x3FA1] =	sst s5  }
0xe: {  	[smem:$0x3FA2] =	sst s6  }
0xf: {  	[smem:$0x3FA3] =	sst s7  }
0x10: {  	[smem:$0x3FA4] =	sst s8  }
0x11: {  	[smem:$0x3FA5] =	sst s9;
	s0 =	simm.s32 @!p0 $0x0  }
0x12: {  	s1 =	sld [smem:$0x3F8B];
	s0 =	simm.s32 @p0 $0x1  }
0x13: {  	[smem:$0x3FA6] =	sst s0;
	s0 =	simm.s32 @!p1 $0x0  }
0x14: {  	s2 =	sld [smem:$0x3F8A];
	s0 =	simm.s32 @p1 $0x1  }
0x15: {  	[smem:$0x3FA7] =	sst s0;
	s0 =	simm.s32 @!p2 $0x0  }
0x16: {  	s3 =	sld [smem:$0x3FDB];
	s0 =	simm.s32 @p2 $0x1  }
0x17: {  	s4 =	simm.s32 $0x1BF5;
	[smem:$0x3FA9] =	sst s0  }
0x18: {  	s0 =	sld [smem:$0x3F8C];
	_ =	swait.ge [sflag:s4], $0x0  }
0x19: {  	s7 =	sld [smem:$0x3F8D]  }
0x1a: {  	s8 =	sadd.s32 $0xFFFFE003, lr  }
0x1b: {  	s9 =	sadd.s32 $0xFFFFFEF7, lr;
	s5 =	simm.s32 $0xFFFFFFFF;
	p2 =	slt.u32 s8, $0xFFFFF086  }
0x1c: {  	p1 =	slt.u32 s9, $0xF7A;
	s5 =	simm.s32 @!p2 $0x0  }
0x1d: {  	s5 =	simm.s32 @p1 $0x1;
	p0 =	seq.s32 s7, s2  }
0x1e: {  	s7 =	smul.u32 @!p0 $0xF7A, s2;
	p2 =	seq.s32 @!p0 s5, $0x0  }
0x1f: {  	s9 =	smul.u32 $0xF7A, s1;
	s8 =	simm.s32 @!p0 $0x1BF5;
	p2 =	por !p2, p0  }
0x20: {  	[sflag:s8] =	ssyncset.s32 @!p0 $0xFFFFF086;
	s6 =	sadd.s32 @!p0 s3, s7;
	s7 =	simm.s32 @!p0 $0x108  }
0x21: {  	s3 =	sadd.s32 s3, s9;
	s6 =	sadd.s32 @!p0 $0x88, s6;
	s7 =	simm.s32 @p2 $0x1082  }
0x22: {  	[simem:s7], [sflag:s8] =	dma.local @!p0 [hbm:s6], $0xF7A  }
0x23: {  	s9 =	sor.u32 $0xD0000000, s2;
	s6 =	simm.s32 $0x108;
	_ =	swait.ge @!p0 [sflag:s8], $0x0  }
0x24: {  	s3 =	sadd.s32 $0x88, s3;
	s6 =	simm.s32 @!p1 $0x1082;
	[sflag:s4] =	ssyncset.s32 $0xFFFFF086  }
0x25: {  	[simem:s6], [sflag:s4] =	dma.local [hbm:s3], $0xF7A  }
0x26: {  	[smem:$0x3F8D] =	sst s1;
	(tag) =	ssettag s2;
	_ =	strace s9  }
0x27: {  	s1 =	sld [smem:$0x3F9D]  }
0x28: {  	s2 =	sld [smem:$0x3F9E]  }
0x29: {  	s4 =	sld [smem:$0x3FA0]  }
0x2a: {  	p0 =	seq.s32 s5, $0x0;
	s5 =	sld [smem:$0x3FA1]  }
0x2b: {  	s6 =	sld [smem:$0x3FA2]  }
0x2c: {  	s7 =	sld [smem:$0x3FA3]  }
0x2d: {  	s3 =	simm.s32 $0x108;
	s8 =	sld [smem:$0x3FA4]  }
0x2e: {  	s3 =	simm.s32 @!p0 $0x1082;
	s9 =	sld [smem:$0x3FA5]  }
0x2f: {  	lr =	sadd.s32 s0, s3;
	s0 =	sld [smem:$0x3F9C]  }
0x30: {  	s3 =	sld [smem:$0x3F9F]  }
0x31: {  	[smem:$0x3FA8] =	sst s10  }
0x32: {  	s10 =	sld [smem:$0x3FA6];
	_ =	sdelay $0x3  }
0x33: {  	p0 =	seq.s32 s10, $0x1;
	s10 =	sld [smem:$0x3FA8];
	_ =	sdelay $0x3  }
0x34: {  	[smem:$0x3FA8] =	sst s10  }
0x35: {  	s10 =	sld [smem:$0x3FA7];
	_ =	sdelay $0x3  }
0x36: {  	p1 =	seq.s32 s10, $0x1;
	s10 =	sld [smem:$0x3FA8];
	_ =	sdelay $0x3  }
0x37: {  	[smem:$0x3FA8] =	sst s10  }
0x38: {  	s10 =	sld [smem:$0x3FA9]  }
0x39: {  	_ = 	snop;
	(pc) =	sbr.ind lr, $3  }
0x3a: {  	_ = 	snop  }
0x3b: {  	_ = 	snop  }
0x3c: {  	p2 =	seq.s32 s10, $0x1;
	s10 =	sld [smem:$0x3FA8]  }
0x3d: {  	_ =	shalt  }
0x3e: {  	_ =	shalt  }
0x3f: {  	_ =	shalt  }
0x40: {  	_ =	shalt  }
0x41: {  	_ =	shalt  }
0x42: {  	_ =	shalt  }
0x43: {  	_ =	shalt  }
0x44: {  	_ =	shalt  }
0x45: {  	_ =	shalt  }
0x46: {  	_ =	shalt  }
0x47: {  	_ =	shalt  }
0x48: {  	_ =	shalt  }
0x49: {  	_ =	shalt  }
0x4a: {  	_ =	shalt  }
0x4b: {  	_ =	shalt  }
0x4c: {  	_ =	shalt  }
0x4d: {  	_ =	shalt  }
0x4e: {  	_ =	shalt  }
0x4f: {  	_ =	shalt  }
0x50: {  	_ =	shalt  }
0x51: {  	_ =	shalt  }
0x52: {  	_ =	shalt  }
0x53: {  	_ =	shalt  }
0x54: {  	_ =	shalt  }
0x55: {  	_ =	shalt  }
0x56: {  	_ =	shalt  }
0x57: {  	_ =	shalt  }
0x58: {  	_ =	shalt  }
0x59: {  	_ =	shalt  }
0x5a: {  	_ =	shalt  }
0x5b: {  	_ =	shalt  }
0x5c: {  	_ =	shalt  }
0x5d: {  	_ =	shalt  }
0x5e: {  	_ =	shalt  }
0x5f: {  	_ =	shalt  }
0x60: {  	_ =	shalt  }
0x61: {  	_ =	shalt  }
0x62: {  	_ =	shalt  }
0x63: {  	_ =	shalt  }
0x64: {  	_ =	shalt  }
0x65: {  	_ =	shalt  }
0x66: {  	_ =	shalt  }
0x67: {  	_ =	shalt  }
0x68: {  	_ =	shalt  }
0x69: {  	_ =	shalt  }
0x6a: {  	_ =	shalt  }
0x6b: {  	_ =	shalt  }
0x6c: {  	_ =	shalt  }
0x6d: {  	_ =	shalt  }
0x6e: {  	_ =	shalt  }
0x6f: {  	_ =	shalt  }
0x70: {  	_ =	shalt  }
0x71: {  	_ =	shalt  }
0x72: {  	_ =	shalt  }
0x73: {  	_ =	shalt  }
0x74: {  	_ =	shalt  }
0x75: {  	_ =	shalt  }
0x76: {  	_ =	shalt  }
0x77: {  	_ =	shalt  }
0x78: {  	_ =	shalt  }
0x79: {  	_ =	shalt  }
0x7a: {  	_ =	shalt  }
0x7b: {  	_ =	shalt  }
0x7c: {  	_ =	shalt  }
0x7d: {  	_ =	shalt  }
0x7e: {  	_ =	shalt  }
0x7f: {  	_ =	shalt  }
0x80: {  	_ =	shalt  }
0x81: {  	_ =	shalt  }
0x82: {  	_ =	shalt  }
0x83: {  	_ =	shalt  }
0x84: {  	_ =	shalt  }
0x85: {  	_ =	shalt  }
0x86: {  	_ =	shalt  }
0x87: {  	_ =	shalt  }
.Lfunc_end0:
.L_simem_size_0:
called_computation.3_lowered:
.L_overlay_start_0:
0x88: {  	s2 =	sld [smem:$0x3FD9]  }
0x89: {  	s3 =	sld [smem:$0x3FFE];
	_ =	sdelay $0x1  }
0x8a: {  	s1 =	srdreg.scid  }
0x8b: {  	s0 =	sand.u32 $0x1, s1  }
0x8c: {  	s17 =	sshll.u32 s0, $0xA;
	s2 =	sadd.s32 s3, s2  }
0x8d: {  	s2 =	sadd.s32 s2, s17  }
0x8e: {  	[smem:$0x3FB4] =	sst s2  }
0x8f: {  	_ = 	snop  }
0x90: {  	s2 =	sld [smem:$0x3FD0];
	(tm) =	ssettm $0x1  }
0x91: {  	s18 =	sld [smem:$0x3FFB];
	_ =	sdelay $0x3  }
0x92: {  	_ =	strace s18  }
0x93: {  	s3 =	sld [smem:$0x3FFC];
	_ =	sdelay $0x3  }
0x94: {  	_ =	strace s3  }
0x95: {  	s3 =	sld [smem:$0x3FFD];
	_ =	sdelay $0x3  }
0x96: {  	_ =	strace s3  }
0x97: {  	_ =	strace $0x8FFFFFFF  }
0x98: {  	s19 =	sld [smem:$0x3FDB];
	_ =	sdelay $0x1  }
0x99: {  	s4 =	simm.s32 $_scs_section_size  }
0x9a: {  	s5 =	simm.s32 $_size__tile_overlayer_lowered;
	s6 =	simm.s32 $_tile_overlayer_lowered  }
0x9b: {  	s22 =	simm.s32 $0x1BFF;
	s21 =	sshll.u32 s6, $0x1;
	s3 =	sadd.s32 s4, s19  }
0x9c: {  	s7 =	simm.s32 $0x0;
	s20 =	sshll.u32 s5, $0x1;
	s5 =	sadd.s32 s21, s3  }
0x9d: {  	[timem:s7], [sflag:s22] =	dma.local [hbm:s5], s20  }
0x9e: {  	_ =	swait.ge [sflag:s22], s20  }
0x9f: {  	s4 =	ssub.s32 $0x0, s20;
	[sflag:s22] =	ssyncset.done $0x0  }
0xa0: {  	[sflag:s22] =	ssyncadd.s32 s4;
	_ =	sdelay $0x1  }
0xa1: {  	s23 =	simm.s32 $0x1B8B  }
0xa2: {  	_ =	swait.ge [sflag:s23], $0x1  }
0xa3: {  	[sflag:s23] =	ssyncset.done $0x0  }
0xa4: {  	s25 =	simm.s32 $0x1B8E;
	s24 =	sld [smem:$0x3FFE];
	[sflag:s23] =	ssyncadd.s32 $0xFFFFFFFF  }
0xa5: {  	s26 =	simm.s32 $execute0_lowered;
	[smem:$0x3FD2] =	sst s25  }
0xa6: {  	s5 =	sshll.u32 s26, $0x1;
	_ =	strace $0x8000004C;
	[dreg:$0x1] =	wrdreg $0xFFFFFFFF  }
0xa7: {  	s28 =	simm.s32 $_size_execute0_lowered;
	s3 =	sadd.s32 s3, s5;
	[dreg:$0x0] =	wrdreg $0x0  }
0xa8: {  	s5 =	sshll.u32 s28, $0x1;
	[dreg:$0x2] =	wrdreg s3  }
0xa9: {  	[dreg:$0x3] =	wrdreg s5  }
0xaa: {  	[dreg:$0x4] =	wrdreg $0xC0  }
0xab: {  	_ =	task [dreg:s7], $0x5FFFF  }
0xac: {  	[dreg:$0x1] =	wrdreg $0xFFFFFFFF  }
0xad: {  	[dreg:$0x0] =	wrdreg $0x60  }
0xae: {  	[dreg:$0x2] =	wrdreg s2  }
0xaf: {  	[dreg:$0x3] =	wrdreg s24  }
0xb0: {  	[dreg:$0x4] =	wrdreg $0xA  }
0xb1: {  	_ =	task.clear_ibuf [dreg:s7], $0x5FFFF;
	_ =	strace $0x9000004C  }
0xb2: {  	s29 =	simm.s32 $0xA;
	_ =	strace $0x8000004E  }
0xb3: {  	_ =	swait.ge [sflag:s29], $0x1  }
0xb4: {  	[sflag:s29] =	ssyncadd.s32 $0xFFFFFFFF  }
0xb5: {  	_ =	strace $0x9000004E  }
0xb6: {  	_ =	sfence  }
0xb7: {  	s30 =	sld [smem:$0x0];
	_ =	sdelay $0x2  }
0xb8: {  	s31 =	sshll.u32 s1, $0xD;
	s1 =	sshrl.u32 s1, $0x2  }
0xb9: {  	s3 =	sand.u32 $0x4000, s31;
	s1 =	sadd.s32 s1, s30  }
0xba: {  	s0 =	sor.u32 s3, s0;
	s1 =	sshll.u32 s1, $0x11  }
0xbb: {  	s0 =	sor.u32 s1, s0  }
0xbc: {  	s0 =	sadd.s32 $0x8F2B, s0  }
0xbd: {  	[sflag:s0] =	ssyncadd.remote.s32 $0x1  }
0xbe: {  	_ =	sfence.sel $0xFFFF  }
0xbf: {  	[dreg:$0x0] =	wrdreg $0xFFFFFFFF;
	(pc) =	sbr.abs _section_cstart, $3  }
0xc0: {  	[dreg:$0x1] =	wrdreg $0xFFFFFFFF  }
0xc1: {  	_ =	task.clear_ibuf [dreg:s7], $0x2FFFF;
	_ =	strace $0x9FFFFFFF  }
0xc2: {  	(tm) =	ssettm $0x7FFFFFFF  }
0xc3: {  	_ =	shalt  }
tec
execute0_lowered:
.L_overlay_start_1:
0x0: {  	(tag) =	ssettag $0x1  }
0x1: {  	s1 =	srdreg.scid  }
0x2: {  	s2 =	rddreg [dreg:$0x0];
	s0 =	stileid.u32  }
0x3: {  	s4 =	rddreg [dreg:$0x1];
	s3 =	simm.s32 $0x0;
	s8 =	simm.s32 $0x80  }
0x4: {  	s26 =	simm.s32 $0x880;
	s9 =	simm.s32 $0x1080;
	s10 =	simm.s32 $0x1880  }
0x5: {  	s11 =	simm.s32 $0x2080;
	s12 =	simm.s32 $0x2880;
	s13 =	simm.s32 $0x3080  }
0x6: {  	s14 =	simm.s32 $0x3880;
	s15 =	simm.s32 $0x4080;
	s16 =	simm.s32 $0x4880  }
0x7: {  	s17 =	simm.s32 $0x5080;
	s18 =	simm.s32 $0x5880;
	s19 =	simm.s32 $0x6080  }
0x8: {  	s20 =	simm.s32 $0x6880;
	s21 =	simm.s32 $0x7080;
	s22 =	simm.s32 $0x7880  }
0x9: {  	s23 =	simm.s32 $0x8080;
	s24 =	simm.s32 $0x8880;
	s28 =	simm.s32 $0xA080  }
0xa: {  	s29 =	simm.s32 $0xA880;
	s30 =	simm.s32 $0xB080;
	s31 =	simm.s32 $0xB880  }
0xb: {  	s1 =	sand.u32 $0x1, s1;
	s5 =	sshll.u32 s0, $0x4;
	[smem:$0x7FF] =	sst s3  }
0xc: {  	s6 =	sshll.u32 s1, $0x3;
	s1 =	ssub.s32 $0x2, s1;
	_ =	strace $0x8000004D  }
0xd: {  	[dreg:$0x5] =	wrdreg s26;
	s26 =	simm.s32 $0x9880;
	s5 =	sor.u32 s6, s5  }
0xe: {  	s7 =	sshrl.u32 s1, $0x1;
	s6 =	smul.u32 $0x300, s5;
	s5 =	sadd.s32 s5, s4  }
0xf: {  	s1 =	ssub.s32 s1, s7;
	s7 =	simm.s32 $0x2;
	s25 =	sadd.s32 $0x74C00, s5  }
0x10: {  	v2 =	vlaneseq.u32;
	s5 =	sadd.s32 $0x200, s2;
	s6 =	sadd.s32 s6, s4;
	[dreg:$0x3] =	wrdreg s25  }
0x11: {  	vm0 =	vmmov $0xffff;
	v1 =	vshrl.u32 v2, $0x3;
	s4 =	sadd.s32 $0x100, s2;
	s25 =	simm.s32 $0x9080;
	s6 =	sadd.s32 $0x75000, s6  }
0x12: {  	v0 =	vand.u32 $0x7, v2;
	v2 =	vor.u32 $0x8, v2;
	v1 =	vmul.u32 $0x8, v1;
	[dreg:$0x4] =	wrdreg s6;
	s6 =	smax.u32 s1, $0x1;
	s1 =	simm.s32 $0x1  }
.LBB2_1:
0x13: {  	s0 =	rddreg [dreg:$0x3]  }
0x14: {  	[tilespmem:s3], [sflag:$0x2] =	stream.linear.gather [hbm4b:s0+s3], $0x40, $0x38;
	[tilespmem:$0xC080] =	vst v63  }
0x15: {  	_ =	swait.ge [sflag:s7], $0x40  }
0x16: {  	[sflag:s7] =	ssyncset.done $0x0  }
0x17: {  	[sflag:s7] =	ssyncadd.s32 $0xFFFFFFC0  }
0x18: {  	v3 =	vld [tilespmem:$0x0];
	_ =	sdelay $0x4  }
0x19: {  	v4 =	vshrl.u32 v3, $0x3  }
0x1a: {  	v4 =	vmul.u32 $0x30, v4  }
0x1b: {  	v3 =	vand.u32 $0x7, v3  }
0x1c: {  	v3 =	vor.u32 v3, v4  }
0x1d: {  	v4 =	vperm.xlane v3, v0;
	_ =	sdelay $0x1  }
0x1e: {  	v4 =	vadd.s32 v1, v4;
	_ =	sdelay $0x3  }
0x1f: {  	v3 =	vperm.xlane v3, v2  }
0x20: {  	[tilespmem:s8], [sflag:$0x1] =	stream.indirect_vreg.gather [hbm4b:s2+s3], $0x80, v4, vm0, $0xb8;
	[tilespmem:$0xC080] =	vst v63  }
0x21: {  	s0 =	rddreg [dreg:$0x5];
	v3 =	vadd.s32 v1, v3  }
0x22: {  	[tilespmem:s0], [sflag:$0x1] =	stream.indirect_vreg.gather [hbm4b:s4+s3], $0x80, v4, vm0, $0xb8;
	[tilespmem:$0xC080] =	vst v63  }
0x23: {  	_ = 	snop  }
0x24: {  	[tilespmem:s9], [sflag:$0x1] =	stream.indirect_vreg.gather [hbm4b:s5+s3], $0x80, v4, vm0, $0xb8;
	[tilespmem:$0xC080] =	vst v63  }
0x25: {  	_ = 	snop  }
0x26: {  	[tilespmem:s10], [sflag:$0x1] =	stream.indirect_vreg.gather [hbm4b:s2+s3], $0x80, v3, vm0, $0xb8;
	[tilespmem:$0xC080] =	vst v63  }
0x27: {  	_ = 	snop  }
0x28: {  	[tilespmem:s11], [sflag:$0x1] =	stream.indirect_vreg.gather [hbm4b:s4+s3], $0x80, v3, vm0, $0xb8;
	[tilespmem:$0xC080] =	vst v63  }
0x29: {  	_ = 	snop  }
0x2a: {  	[tilespmem:s12], [sflag:$0x1] =	stream.indirect_vreg.gather [hbm4b:s5+s3], $0x80, v3, vm0, $0xb8;
	[tilespmem:$0xC080] =	vst v63  }
0x2b: {  	v3 =	vld [tilespmem:$0x10];
	_ =	sdelay $0x4  }
0x2c: {  	v61 =	vshrl.u32 v3, $0x3  }
0x2d: {  	v4 =	vmul.u32 $0x30, v61  }
0x2e: {  	v3 =	vand.u32 $0x7, v3  }
0x2f: {  	v3 =	vor.u32 v3, v4  }
0x30: {  	v4 =	vperm.xlane v3, v0;
	_ =	sdelay $0x1  }
0x31: {  	v4 =	vadd.s32 v1, v4;
	_ =	sdelay $0x3  }
0x32: {  	v3 =	vperm.xlane v3, v2  }
0x33: {  	[tilespmem:s13], [sflag:$0x1] =	stream.indirect_vreg.gather [hbm4b:s2+s3], $0x80, v4, vm0, $0xb8;
	[tilespmem:$0xC080] =	vst v63  }
0x34: {  	v3 =	vadd.s32 v1, v3  }
0x35: {  	[tilespmem:s14], [sflag:$0x1] =	stream.indirect_vreg.gather [hbm4b:s4+s3], $0x80, v4, vm0, $0xb8;
	[tilespmem:$0xC080] =	vst v63  }
0x36: {  	_ = 	snop  }
0x37: {  	[tilespmem:s15], [sflag:$0x1] =	stream.indirect_vreg.gather [hbm4b:s5+s3], $0x80, v4, vm0, $0xb8;
	[tilespmem:$0xC080] =	vst v63  }
0x38: {  	_ = 	snop  }
0x39: {  	[tilespmem:s16], [sflag:$0x1] =	stream.indirect_vreg.gather [hbm4b:s2+s3], $0x80, v3, vm0, $0xb8;
	[tilespmem:$0xC080] =	vst v63  }
0x3a: {  	_ = 	snop  }
0x3b: {  	[tilespmem:s17], [sflag:$0x1] =	stream.indirect_vreg.gather [hbm4b:s4+s3], $0x80, v3, vm0, $0xb8;
	[tilespmem:$0xC080] =	vst v63  }
0x3c: {  	_ = 	snop  }
0x3d: {  	[tilespmem:s18], [sflag:$0x1] =	stream.indirect_vreg.gather [hbm4b:s5+s3], $0x80, v3, vm0, $0xb8;
	[tilespmem:$0xC080] =	vst v63  }
0x3e: {  	v3 =	vld [tilespmem:$0x20];
	_ =	sdelay $0x4  }
0x3f: {  	v62 =	vshrl.u32 v3, $0x3  }
0x40: {  	v4 =	vmul.u32 $0x30, v62  }
0x41: {  	v3 =	vand.u32 $0x7, v3  }
0x42: {  	v3 =	vor.u32 v3, v4  }
0x43: {  	v4 =	vperm.xlane v3, v0;
	_ =	sdelay $0x1  }
0x44: {  	v4 =	vadd.s32 v1, v4;
	_ =	sdelay $0x3  }
0x45: {  	v3 =	vperm.xlane v3, v2  }
0x46: {  	[tilespmem:s19], [sflag:$0x1] =	stream.indirect_vreg.gather [hbm4b:s2+s3], $0x80, v4, vm0, $0xb8;
	[tilespmem:$0xC080] =	vst v63  }
0x47: {  	v3 =	vadd.s32 v1, v3  }
0x48: {  	[tilespmem:s20], [sflag:$0x1] =	stream.indirect_vreg.gather [hbm4b:s4+s3], $0x80, v4, vm0, $0xb8;
	[tilespmem:$0xC080] =	vst v63  }
0x49: {  	_ = 	snop  }
0x4a: {  	[tilespmem:s21], [sflag:$0x1] =	stream.indirect_vreg.gather [hbm4b:s5+s3], $0x80, v4, vm0, $0xb8;
	[tilespmem:$0xC080] =	vst v63  }
0x4b: {  	_ = 	snop  }
0x4c: {  	[tilespmem:s22], [sflag:$0x1] =	stream.indirect_vreg.gather [hbm4b:s2+s3], $0x80, v3, vm0, $0xb8;
	[tilespmem:$0xC080] =	vst v63  }
0x4d: {  	_ = 	snop  }
0x4e: {  	[tilespmem:s23], [sflag:$0x1] =	stream.indirect_vreg.gather [hbm4b:s4+s3], $0x80, v3, vm0, $0xb8;
	[tilespmem:$0xC080] =	vst v63  }
0x4f: {  	_ = 	snop  }
0x50: {  	[tilespmem:s24], [sflag:$0x1] =	stream.indirect_vreg.gather [hbm4b:s5+s3], $0x80, v3, vm0, $0xb8;
	[tilespmem:$0xC080] =	vst v63  }
0x51: {  	v3 =	vld [tilespmem:$0x30];
	_ =	sdelay $0x4  }
0x52: {  	v63 =	vshrl.u32 v3, $0x3  }
0x53: {  	v4 =	vmul.u32 $0x30, v63  }
0x54: {  	v3 =	vand.u32 $0x7, v3  }
0x55: {  	v3 =	vor.u32 v3, v4  }
0x56: {  	v4 =	vperm.xlane v3, v0;
	_ =	sdelay $0x1  }
0x57: {  	v4 =	vadd.s32 v1, v4;
	_ =	sdelay $0x3  }
0x58: {  	v3 =	vperm.xlane v3, v2  }
0x59: {  	[tilespmem:s25], [sflag:$0x1] =	stream.indirect_vreg.gather [hbm4b:s2+s3], $0x80, v4, vm0, $0xb8;
	[tilespmem:$0xC080] =	vst v63  }
0x5a: {  	v3 =	vadd.s32 v1, v3  }
0x5b: {  	[tilespmem:s26], [sflag:$0x1] =	stream.indirect_vreg.gather [hbm4b:s4+s3], $0x80, v4, vm0, $0xb8;
	[tilespmem:$0xC080] =	vst v63  }
0x5c: {  	_ = 	snop  }
0x5d: {  	[tilespmem:s28], [sflag:$0x1] =	stream.indirect_vreg.gather [hbm4b:s5+s3], $0x80, v4, vm0, $0xb8;
	[tilespmem:$0xC080] =	vst v63  }
0x5e: {  	_ = 	snop  }
0x5f: {  	[tilespmem:s29], [sflag:$0x1] =	stream.indirect_vreg.gather [hbm4b:s2+s3], $0x80, v3, vm0, $0xb8;
	[tilespmem:$0xC080] =	vst v63  }
0x60: {  	_ = 	snop  }
0x61: {  	[tilespmem:s30], [sflag:$0x1] =	stream.indirect_vreg.gather [hbm4b:s4+s3], $0x80, v3, vm0, $0xb8;
	[tilespmem:$0xC080] =	vst v63  }
0x62: {  	_ = 	snop  }
0x63: {  	[tilespmem:s31], [sflag:$0x1] =	stream.indirect_vreg.gather [hbm4b:s5+s3], $0x80, v3, vm0, $0xb8;
	[tilespmem:$0xC080] =	vst v63  }
0x64: {  	_ =	swait.ge [sflag:s1], $0xC000  }
0x65: {  	p0 =	sne.s32 s6, $0x1;
	[sflag:s1] =	ssyncset.done $0x0  }
.Ltmp0:
0x66: {  	s0 =	rddreg [dreg:$0x4];
	[sflag:s1] =	ssyncadd.s32 $0xFFFF4000;
	(pc) =	sbr.rel @p0 .LBB2_1-.Ltmp0, $4  }
0x67: {  	[hbm4b:s0+s3] =	stream.linear.scatter [tilespmem:s8], [sflag:$0x2], $0xC000, $0x38;
	[tilespmem:$0xC080] =	vst v63  }
0x68: {  	_ =	swait.ge [sflag:s7], $0xC000  }
0x69: {  	[sflag:s7] =	ssyncset.done $0x0  }
0x6a: {  	s6 =	sadd.s32 $0xFFFFFFFF, s6;
	[sflag:s7] =	ssyncadd.s32 $0xFFFF4000  }
0x6b: {  	_ =	sfence.sel $0x180000  }
0x6c: {  	[bflag:$0x0] =	sbarrier.arrive $0xFFFF  }
0x6d: {  	_ =	strace $0x9000004D  }
0x6e: {  	s0 =	stileid.u32;
	[bflag:$0x2] =	sbarrier.arrive $0xFFFF  }
0x6f: {  	p0 =	sne.s32 s0, $0x0;
	s0 =	rddreg [dreg:$0x2]  }
0x70: {  	s0 =	sadd.s32 @!p0 $0x100000, s0  }
0x71: {  	[sflag:s0] =	ssyncadd.tile.s32 @!p0 $0x1;
	_ =	shalt  }
.Lfunc_end2:
_tile_overlayer_lowered:
.L_overlay_start_2:
0x72: {  	(tag) =	ssettag $0x2  }
0x73: {  	s0 =	rddreg [dreg:$0x0];
	s2 =	stileid.u32  }
0x74: {  	s1 =	rddreg [dreg:$0x1];
	p0 =	sne.s32 s2, $0x0  }
0x75: {  	s3 =	rddreg [dreg:$0x2];
	[bflag:$0x3] =	sbarrier.arrive $0xFFFF;
	s2 =	simm.s32 @!p0 $0x1C02  }
0x76: {  	[timem:s3], [sflag:s2] =	dma.local @!p0 [hbm:s0], s1  }
0x77: {  	s0 =	simm.s32 @!p0 $0x2  }
0x78: {  	_ =	swait.ge @!p0 [sflag:s0], s1  }
0x79: {  	s1 =	ssub.s32 @!p0 $0x0, s1;
	[sflag:s0] =	ssyncset.done @!p0 $0x0  }
0x7a: {  	[sflag:s0] =	ssyncadd.s32 @!p0 s1  }
0x7b: {  	[bflag:$0x3] =	sbarrier.arrive $0xFFFF  }
0x7c: {  	_ =	shalt  }

</sc_bundles>
